<compile_context>
chip_gen: v7x
topology: tpu7x:2x2x1
jax: 0.10.2.dev20260603
libtpu: 0.0.44.dev20260713+nightly
codegen_flags: <defaults>
</compile_context>

<pallas_src>
import functools

import jax
import jax.numpy as jnp
from jax import lax
from jax.experimental import pallas as pl
from jax.experimental.pallas import tpu as pltpu
from jax.experimental.pallas import tpu_sc as plsc

N_NODE = 10000
D = 256
NUM_E = 160000
NT = 7
RB = 2000
NE_TOT = 6 * NUM_E


def _transform_body(pro_ref, drug_ref, wppi_ref, wddi_ref, wdpi_ref, cse_ref,
                    out_ref):
    b = pl.program_id(0)
    is_p = jnp.logical_or(b == 0, b == 2)
    x = jnp.where(is_p, pro_ref[...], drug_ref[...])
    eye = (lax.broadcasted_iota(jnp.int32, (D, D), 0)
           == lax.broadcasted_iota(jnp.int32, (D, D), 1)).astype(jnp.float32)
    m = jnp.where(b <= 1, eye,
                  jnp.where(b == 2, wppi_ref[...],
                            jnp.where(b == 3, wdpi_ref[...], wddi_ref[...])))
    c = jnp.where(b == 4, cse_ref[0:1, :],
                  jnp.where(b == 5, cse_ref[1:2, :], cse_ref[2:3, :]))
    cv = jnp.where(b >= 4, c, jnp.ones_like(c))
    y = (jnp.dot(x * cv, m, preferred_element_type=jnp.float32)) * cv
    out_ref[0] = y.astype(jnp.bfloat16)


def _build_table(protein_h, drug_h, W_ppi, W_ddi, W_dpi, cse_w):
    grid = (NT, N_NODE // RB)
    out = pl.pallas_call(
        _transform_body,
        grid=grid,
        in_specs=[
            pl.BlockSpec((RB, D), lambda b, r: (r, 0)),
            pl.BlockSpec((RB, D), lambda b, r: (r, 0)),
            pl.BlockSpec((D, D), lambda b, r: (0, 0)),
            pl.BlockSpec((D, D), lambda b, r: (0, 0)),
            pl.BlockSpec((D, D), lambda b, r: (0, 0)),
            pl.BlockSpec((8, D), lambda b, r: (0, 0)),
        ],
        out_specs=pl.BlockSpec((1, RB, D), lambda b, r: (b, r, 0)),
        out_shape=jax.ShapeDtypeStruct((NT, N_NODE, D), jnp.bfloat16),
    )(protein_h, drug_h, W_ppi, W_ddi, W_dpi, cse_w)
    return out.reshape(NT * N_NODE, D)


_INFO = plsc.get_sparse_core_info()
_NC, _NS = _INFO.num_cores, _INFO.num_subcores
_NW = _NC * _NS
_EPW = NE_TOT // _NW
_CB = 240
_NCHUNK = _EPW // _CB


def _score_kernel(table_hbm, src_hbm, dst_hbm, out_hbm,
                  idx_s_v, idx_d_v, rows_s, rows_d, scores_v, tmp_v,
                  sem_s, sem_d):
    wid = lax.axis_index("s") * _NC + lax.axis_index("c")
    base = wid * _EPW

    def chunk_body(c, _):
        off = base + c * _CB
        pltpu.sync_copy(src_hbm.at[pl.ds(off, _CB)], idx_s_v)
        pltpu.sync_copy(dst_hbm.at[pl.ds(off, _CB)], idx_d_v)
        cp_s = pltpu.async_copy(table_hbm.at[idx_s_v], rows_s, sem_s)
        cp_d = pltpu.async_copy(table_hbm.at[idx_d_v], rows_d, sem_d)
        cp_s.wait()
        cp_d.wait()

        def group_body(g, _):
            e0 = g * 16
            for l in range(16):
                e = e0 + l
                acc_a = jnp.zeros((16,), jnp.float32)
                acc_b = jnp.zeros((16,), jnp.float32)
                for cc in range(D // 32):
                    ws = rows_s[e, pl.ds(cc * 32, 32)]
                    wd = rows_d[e, pl.ds(cc * 32, 32)]
                    sa, sb = plsc.unpack(ws, format=plsc.PackFormat.INTERLEAVED)
                    da, db = plsc.unpack(wd, format=plsc.PackFormat.INTERLEAVED)
                    acc_a = acc_a + sa * da
                    acc_b = acc_b + sb * db
                tmp_v[l, pl.ds(0, 16)] = acc_a + acc_b
            lane = lax.iota(jnp.int32, 16)
            score = plsc.load_gather(tmp_v, [lane, jnp.zeros((16,), jnp.int32)])
            for cc in range(1, 16):
                score = score + plsc.load_gather(
                    tmp_v, [lane, jnp.full((16,), cc, jnp.int32)])
            scores_v[pl.ds(e0, 16)] = score
            return 0

        lax.fori_loop(0, _CB // 16, group_body, 0)
        pltpu.sync_copy(scores_v, out_hbm.at[pl.ds(off, _CB)])
        return 0

    lax.fori_loop(0, _NCHUNK, chunk_body, 0)


def _score(table, src_idx, dst_idx):
    mesh = plsc.VectorSubcoreMesh(core_axis_name="c", subcore_axis_name="s")
    run = pl.kernel(
        _score_kernel,
        out_type=jax.ShapeDtypeStruct((NE_TOT,), jnp.float32),
        mesh=mesh,
        scratch_types=[
            pltpu.VMEM((_CB,), jnp.int32),
            pltpu.VMEM((_CB,), jnp.int32),
            pltpu.VMEM((_CB, D), jnp.bfloat16),
            pltpu.VMEM((_CB, D), jnp.bfloat16),
            pltpu.VMEM((_CB,), jnp.float32),
            pltpu.VMEM((16, 17), jnp.float32),
            pltpu.SemaphoreType.DMA,
            pltpu.SemaphoreType.DMA,
        ],
        compiler_params=pltpu.CompilerParams(use_tc_tiling_on_sc=False,
                                             needs_layout_passes=False),
    )
    return run(table, src_idx, dst_idx)


def kernel(drug_h, protein_h, ppi_edge_index, dpi_edge_index, pdi_edge_index,
           ddi_edge_index, W_ppi, W_ddi, W_dpi, cse_w):
    cse_pad = jnp.zeros((8, D), jnp.float32).at[:3].set(cse_w)
    table = _build_table(protein_h, drug_h, W_ppi, W_ddi, W_dpi, cse_pad)

    i32 = jnp.int32
    src_idx = jnp.concatenate([
        ppi_edge_index[0].astype(i32) + 2 * N_NODE,
        dpi_edge_index[0].astype(i32) + 3 * N_NODE,
        pdi_edge_index[0].astype(i32),
        ddi_edge_index[0, 0].astype(i32) + 4 * N_NODE,
        ddi_edge_index[1, 0].astype(i32) + 5 * N_NODE,
        ddi_edge_index[2, 0].astype(i32) + 6 * N_NODE,
    ])
    dst_idx = jnp.concatenate([
        ppi_edge_index[1].astype(i32),
        dpi_edge_index[1].astype(i32),
        pdi_edge_index[1].astype(i32) + 3 * N_NODE,
        ddi_edge_index[0, 1].astype(i32) + N_NODE,
        ddi_edge_index[1, 1].astype(i32) + N_NODE,
        ddi_edge_index[2, 1].astype(i32) + N_NODE,
    ])

    scores = _score(table, src_idx, dst_idx)
    return scores.reshape(6, NUM_E)

# --- scband reference (transcript-rebuilt; emitter-appended) ---
"""Pipeline reference for scband-decagon-decoder-58265526338346 (READ-ONLY COPY).

The authoritative reference and input builder live on the scoring server;
editing this copy changes nothing except your own understanding.
"""

import jax, jax.numpy as jnp
import numpy as np

N_DRUG = 10000
N_PROT = 10000
D = 256
P = 256
E = 160000
K = 3


def setup_inputs(seed: int = 0) -> dict:
    key = jax.random.key(seed)
    ks = jax.random.split(key, 12)
    drug_h = jax.random.normal(ks[0], (N_DRUG, D), dtype=jnp.float32)
    protein_h = jax.random.normal(ks[1], (N_PROT, P), dtype=jnp.float32)
    ppi_edge_index = jax.random.randint(ks[2], (2, E), 0, N_PROT, dtype=jnp.int64)
    dpi_edge_index = jnp.stack([
        jax.random.randint(ks[3], (E,), 0, N_DRUG, dtype=jnp.int64),
        jax.random.randint(ks[4], (E,), 0, N_PROT, dtype=jnp.int64),
    ])
    pdi_edge_index = jnp.stack([
        jax.random.randint(ks[5], (E,), 0, N_PROT, dtype=jnp.int64),
        jax.random.randint(ks[6], (E,), 0, N_DRUG, dtype=jnp.int64),
    ])
    ddi_edge_index = jax.random.randint(ks[7], (K, 2, E), 0, N_DRUG, dtype=jnp.int64)
    # Learned parameters. nn.Linear(in, out, bias=False): y = x @ W.T with W [out, in].
    # We store W already transposed as [in, out] so y = x @ W.
    W_ppi = jax.random.normal(ks[8], (P, P), dtype=jnp.float32) * (1.0 / np.sqrt(P))
    W_ddi = jax.random.normal(ks[9], (D, D), dtype=jnp.float32) * (1.0 / np.sqrt(D))
    W_dpi = jax.random.normal(ks[10], (D, P), dtype=jnp.float32) * (1.0 / np.sqrt(D))
    # kaiming_uniform_ on (1, drug_in_dim) per ddi etype; stacked as [K, D]
    bound = np.sqrt(6.0 / D)
    cse_w = jax.random.uniform(ks[11], (K, D), dtype=jnp.float32, minval=-bound, maxval=bound)
    return {
        "drug_h": drug_h,
        "protein_h": protein_h,
        "ppi_edge_index": ppi_edge_index,
        "dpi_edge_index": dpi_edge_index,
        "pdi_edge_index": pdi_edge_index,
        "ddi_edge_index": ddi_edge_index,
        "W_ppi": W_ppi,
        "W_ddi": W_ddi,
        "W_dpi": W_dpi,
        "cse_w": cse_w,
    }


def reference(drug_h, protein_h, ppi_edge_index, dpi_edge_index, pdi_edge_index,
              ddi_edge_index, W_ppi, W_ddi, W_dpi, cse_w):
    # apply_ppi_edges: src protein transformed by ppi_weight, dot with dst protein
    ppi_src = jnp.take(protein_h, ppi_edge_index[0], axis=0) @ W_ppi
    ppi_dst = jnp.take(protein_h, ppi_edge_index[1], axis=0)
    s_ppi = jnp.einsum("ij,ij->i", ppi_src, ppi_dst)
    # apply_dpi_edges: src drug transformed by dpi_weight (drug_in -> protein_in), dot with dst protein
    dpi_src = jnp.take(drug_h, dpi_edge_index[0], axis=0) @ W_dpi
    dpi_dst = jnp.take(protein_h, dpi_edge_index[1], axis=0)
    s_dpi = jnp.einsum("ij,ij->i", dpi_src, dpi_dst)
    # apply_pdi_edges: src protein, dst drug transformed by dpi_weight
    pdi_src = jnp.take(protein_h, pdi_edge_index[0], axis=0)
    pdi_dst = jnp.take(drug_h, pdi_edge_index[1], axis=0) @ W_dpi
    s_pdi = jnp.einsum("ij,ij->i", pdi_src, pdi_dst)
    # ddi etypes: drug features scaled elementwise by per-etype cse_w, src transformed by ddi_weight
    ddi_scores = []
    for k in range(ddi_edge_index.shape[0]):
        h = drug_h * cse_w[k][None, :]
        src = jnp.take(h, ddi_edge_index[k, 0], axis=0) @ W_ddi
        dst = jnp.take(h, ddi_edge_index[k, 1], axis=0)
        ddi_scores.append(jnp.einsum("ij,ij->i", src, dst))
    return jnp.stack([s_ppi, s_dpi, s_pdi] + ddi_scores)

if __name__ == "__main__":
    import jax
    _d = setup_inputs()
    print(jax.jit(kernel)(*tuple(_d.values())))

</pallas_src>

<mosaic_0001>
#map = affine_map<(d0, d1) -> (0, 0)>
#map1 = affine_map<(d0, d1) -> (0)>
module attributes {stable_mosaic.version = 14 : i64} {
  func.func @_score_kernel(%arg0: i32, %arg1: i32, %arg2: memref<70000x256xbf16, #tpu.memory_space<hbm>>, %arg3: memref<960000xi32, #tpu.memory_space<hbm>>, %arg4: memref<960000xi32, #tpu.memory_space<hbm>>, %arg5: memref<960000xf32, #tpu.memory_space<hbm>>, %arg6: memref<240xi32, #tpu.memory_space<vmem>>, %arg7: memref<240xi32, #tpu.memory_space<vmem>>, %arg8: memref<240x256xbf16, #tpu.memory_space<vmem>>, %arg9: memref<240x256xbf16, #tpu.memory_space<vmem>>, %arg10: memref<240xf32, #tpu.memory_space<vmem>>, %arg11: memref<16x17xf32, #tpu.memory_space<vmem>>, %arg12: memref<!tpu.dma_semaphore, #tpu.memory_space<semaphore_mem>>, %arg13: memref<!tpu.dma_semaphore, #tpu.memory_space<semaphore_mem>>) attributes {dimension_semantics = [#tpu.dimension_semantics<core_parallel>, #tpu.dimension_semantics<subcore_parallel>], iteration_bounds = array<i64: 2, 16>, scalar_prefetch = 0 : i64, scratch_operands = 8 : i64, tpu.core_type = #tpu.core_type<sc_vector_subcore>, window_params = [{transform_indices = #map}, {transform_indices = #map1}, {transform_indices = #map1}, {transform_indices = #map1}]} {
    %mul3A = arith.constant 2 : i32
    %mul3A_0 = arith.muli %arg1, %mul3A : i32
    %add3A = arith.addi %mul3A_0, %arg0 : i32
    %mul3A_1 = arith.constant 30000 : i32
    %mul3A_2 = arith.muli %add3A, %mul3A_1 : i32
    %scan3A = arith.constant 0 : i32
    %scan3A_3 = arith.constant 0 : i32
    %scan3A_4 = arith.constant 125 : i32
    %scan3A_5 = arith.addi %scan3A_3, %scan3A_4 : i32
    %scan3A_6 = arith.constant 1 : i32
    %scan3A_7 = scf.for %scan3A_9 = %scan3A_3 to %scan3A_5 step %scan3A_6 iter_args(%scan3A_10 = %scan3A) -> (i32)  : i32 {
      %mul3A_11 = arith.constant 240 : i32
      %mul3A_12 = arith.muli %scan3A_9, %mul3A_11 : i32
      %add3A_13 = arith.addi %mul3A_2, %mul3A_12 : i32
      "tpu.region"() ({
        %run_scoped3A = tpu.sem_alloc : memref<!tpu.dma_semaphore, #tpu.memory_space<semaphore_mem>>
        %dma_start3A_32 = tpu.memref_slice %arg3[%add3A_13] : memref<960000xi32, #tpu.memory_space<hbm>> -> memref<240xi32, #tpu.memory_space<hbm>>
        %dma_start3A_33 = tpu.memref_slice %arg3[%add3A_13] : memref<960000xi32, #tpu.memory_space<hbm>> -> memref<240xi32, #tpu.memory_space<hbm>>
        tpu.enqueue_dma source(%dma_start3A_33 : memref<240xi32, #tpu.memory_space<hbm>>) target(%arg6 : memref<240xi32, #tpu.memory_space<vmem>>) target_semaphore(%run_scoped3A : memref<!tpu.dma_semaphore, #tpu.memory_space<semaphore_mem>>)
        %dma_wait3A_34 = tpu.memref_slice %arg3[%add3A_13] : memref<960000xi32, #tpu.memory_space<hbm>> -> memref<240xi32, #tpu.memory_space<hbm>>
        %dma_wait3A_35 = tpu.memref_slice %arg3[%add3A_13] : memref<960000xi32, #tpu.memory_space<hbm>> -> memref<240xi32, #tpu.memory_space<hbm>>
        tpu.wait_dma2 semaphore(%run_scoped3A : memref<!tpu.dma_semaphore, #tpu.memory_space<semaphore_mem>>) src(%dma_wait3A_35 : memref<240xi32, #tpu.memory_space<hbm>>) dst(%arg6 : memref<240xi32, #tpu.memory_space<vmem>>)
        tpu.yield
      }) : () -> ()
      "tpu.region"() ({
        %run_scoped3A = tpu.sem_alloc : memref<!tpu.dma_semaphore, #tpu.memory_space<semaphore_mem>>
        %dma_start3A_32 = tpu.memref_slice %arg4[%add3A_13] : memref<960000xi32, #tpu.memory_space<hbm>> -> memref<240xi32, #tpu.memory_space<hbm>>
        %dma_start3A_33 = tpu.memref_slice %arg4[%add3A_13] : memref<960000xi32, #tpu.memory_space<hbm>> -> memref<240xi32, #tpu.memory_space<hbm>>
        tpu.enqueue_dma source(%dma_start3A_33 : memref<240xi32, #tpu.memory_space<hbm>>) target(%arg7 : memref<240xi32, #tpu.memory_space<vmem>>) target_semaphore(%run_scoped3A : memref<!tpu.dma_semaphore, #tpu.memory_space<semaphore_mem>>)
        %dma_wait3A_34 = tpu.memref_slice %arg4[%add3A_13] : memref<960000xi32, #tpu.memory_space<hbm>> -> memref<240xi32, #tpu.memory_space<hbm>>
        %dma_wait3A_35 = tpu.memref_slice %arg4[%add3A_13] : memref<960000xi32, #tpu.memory_space<hbm>> -> memref<240xi32, #tpu.memory_space<hbm>>
        tpu.wait_dma2 semaphore(%run_scoped3A : memref<!tpu.dma_semaphore, #tpu.memory_space<semaphore_mem>>) src(%dma_wait3A_35 : memref<240xi32, #tpu.memory_space<hbm>>) dst(%arg7 : memref<240xi32, #tpu.memory_space<vmem>>)
        tpu.yield
      }) : () -> ()
      %dma_start3A = arith.constant 0 : i32
      %dma_start3A_14 = arith.constant 0 : i32
      %dma_start3A_15 = tpu.memref_slice %arg2[%dma_start3A, %dma_start3A_14] : memref<70000x256xbf16, #tpu.memory_space<hbm>> -> memref<70000x256xbf16, #tpu.memory_space<hbm>>
      tpu.enqueue_indirect_dma source(%dma_start3A_15 : memref<70000x256xbf16, #tpu.memory_space<hbm>>) target(%arg8 : memref<240x256xbf16, #tpu.memory_space<vmem>>) offsets(%arg6 : memref<240xi32, #tpu.memory_space<vmem>>) semaphore(%arg12 : memref<!tpu.dma_semaphore, #tpu.memory_space<semaphore_mem>>)
      %dma_start3A_16 = arith.constant 0 : i32
      %dma_start3A_17 = arith.constant 0 : i32
      %dma_start3A_18 = tpu.memref_slice %arg2[%dma_start3A_16, %dma_start3A_17] : memref<70000x256xbf16, #tpu.memory_space<hbm>> -> memref<70000x256xbf16, #tpu.memory_space<hbm>>
      tpu.enqueue_indirect_dma source(%dma_start3A_18 : memref<70000x256xbf16, #tpu.memory_space<hbm>>) target(%arg9 : memref<240x256xbf16, #tpu.memory_space<vmem>>) offsets(%arg7 : memref<240xi32, #tpu.memory_space<vmem>>) semaphore(%arg13 : memref<!tpu.dma_semaphore, #tpu.memory_space<semaphore_mem>>)
      %dma_wait3A = arith.constant 0 : i32
      %dma_wait3A_19 = arith.constant 0 : i32
      %dma_wait3A_20 = tpu.memref_slice %arg2[%dma_wait3A, %dma_wait3A_19] : memref<70000x256xbf16, #tpu.memory_space<hbm>> -> memref<70000x256xbf16, #tpu.memory_space<hbm>>
      tpu.wait_indirect_dma semaphore(%arg12 : memref<!tpu.dma_semaphore, #tpu.memory_space<semaphore_mem>>) src(%dma_wait3A_20 : memref<70000x256xbf16, #tpu.memory_space<hbm>>) dst(%arg8 : memref<240x256xbf16, #tpu.memory_space<vmem>>)
      %dma_wait3A_21 = arith.constant 0 : i32
      %dma_wait3A_22 = arith.constant 0 : i32
      %dma_wait3A_23 = tpu.memref_slice %arg2[%dma_wait3A_21, %dma_wait3A_22] : memref<70000x256xbf16, #tpu.memory_space<hbm>> -> memref<70000x256xbf16, #tpu.memory_space<hbm>>
      tpu.wait_indirect_dma semaphore(%arg13 : memref<!tpu.dma_semaphore, #tpu.memory_space<semaphore_mem>>) src(%dma_wait3A_23 : memref<70000x256xbf16, #tpu.memory_space<hbm>>) dst(%arg9 : memref<240x256xbf16, #tpu.memory_space<vmem>>)
      %scan3A_24 = arith.constant 0 : i32
      %scan3A_25 = arith.constant 0 : i32
      %scan3A_26 = arith.constant 15 : i32
      %scan3A_27 = arith.addi %scan3A_25, %scan3A_26 : i32
      %scan3A_28 = arith.constant 1 : i32
      %scan3A_29 = scf.for %scan3A_32 = %scan3A_25 to %scan3A_27 step %scan3A_28 iter_args(%scan3A_33 = %scan3A_24) -> (i32)  : i32 {
        %mul3A_34 = arith.constant 16 : i32
        %mul3A_35 = arith.muli %scan3A_32, %mul3A_34 : i32
        %add3A_36 = arith.constant 0 : i32
        %add3A_37 = arith.addi %mul3A_35, %add3A_36 : i32
        %broadcast_in_dim3A = arith.constant 0.000000e+00 : f32
        %broadcast_in_dim3A_38 = vector.broadcast %broadcast_in_dim3A : f32 to vector<16xf32>
        %broadcast_in_dim3A_39 = arith.constant 0.000000e+00 : f32
        %broadcast_in_dim3A_40 = vector.broadcast %broadcast_in_dim3A_39 : f32 to vector<16xf32>
        %get3A = arith.index_cast %add3A_37 : i32 to index
        %get3A_41 = arith.constant 0 : index
        %get3A_42 = tpu.vector_load %arg8[%get3A, %get3A_41] {strides = array<i32>} : memref<240x256xbf16, #tpu.memory_space<vmem>>, vector<32xbf16>,
        %get3A_43 = arith.index_cast %add3A_37 : i32 to index
        %get3A_44 = arith.constant 0 : index
        %get3A_45 = tpu.vector_load %arg9[%get3A_43, %get3A_44] {strides = array<i32>} : memref<240x256xbf16, #tpu.memory_space<vmem>>, vector<32xbf16>,
        %unpack3A = tpu.unpack_subelements %get3A_42, 0 {pack_format = #tpu.pack_format<interleaved>} : vector<32xbf16> -> vector<16xf32>
        %unpack3A_46 = tpu.unpack_subelements %get3A_42, 1 {pack_format = #tpu.pack_format<interleaved>} : vector<32xbf16> -> vector<16xf32>
        %unpack3A_47 = tpu.unpack_subelements %get3A_45, 0 {pack_format = #tpu.pack_format<interleaved>} : vector<32xbf16> -> vector<16xf32>
        %unpack3A_48 = tpu.unpack_subelements %get3A_45, 1 {pack_format = #tpu.pack_format<interleaved>} : vector<32xbf16> -> vector<16xf32>
        %mul3A_49 = arith.mulf %unpack3A, %unpack3A_47 : vector<16xf32>
        %add3A_50 = arith.addf %broadcast_in_dim3A_38, %mul3A_49 : vector<16xf32>
        %mul3A_51 = arith.mulf %unpack3A_46, %unpack3A_48 : vector<16xf32>
        %add3A_52 = arith.addf %broadcast_in_dim3A_40, %mul3A_51 : vector<16xf32>
        %get3A_53 = arith.index_cast %add3A_37 : i32 to index
        %get3A_54 = arith.constant 32 : index
        %get3A_55 = tpu.vector_load %arg8[%get3A_53, %get3A_54] {strides = array<i32>} : memref<240x256xbf16, #tpu.memory_space<vmem>>, vector<32xbf16>,
        %get3A_56 = arith.index_cast %add3A_37 : i32 to index
        %get3A_57 = arith.constant 32 : index
        %get3A_58 = tpu.vector_load %arg9[%get3A_56, %get3A_57] {strides = array<i32>} : memref<240x256xbf16, #tpu.memory_space<vmem>>, vector<32xbf16>,
        %unpack3A_59 = tpu.unpack_subelements %get3A_55, 0 {pack_format = #tpu.pack_format<interleaved>} : vector<32xbf16> -> vector<16xf32>
        %unpack3A_60 = tpu.unpack_subelements %get3A_55, 1 {pack_format = #tpu.pack_format<interleaved>} : vector<32xbf16> -> vector<16xf32>
        %unpack3A_61 = tpu.unpack_subelements %get3A_58, 0 {pack_format = #tpu.pack_format<interleaved>} : vector<32xbf16> -> vector<16xf32>
        %unpack3A_62 = tpu.unpack_subelements %get3A_58, 1 {pack_format = #tpu.pack_format<interleaved>} : vector<32xbf16> -> vector<16xf32>
        %mul3A_63 = arith.mulf %unpack3A_59, %unpack3A_61 : vector<16xf32>
        %add3A_64 = arith.addf %add3A_50, %mul3A_63 : vector<16xf32>
        %mul3A_65 = arith.mulf %unpack3A_60, %unpack3A_62 : vector<16xf32>
        %add3A_66 = arith.addf %add3A_52, %mul3A_65 : vector<16xf32>
        %get3A_67 = arith.index_cast %add3A_37 : i32 to index
        %get3A_68 = arith.constant 64 : index
        %get3A_69 = tpu.vector_load %arg8[%get3A_67, %get3A_68] {strides = array<i32>} : memref<240x256xbf16, #tpu.memory_space<vmem>>, vector<32xbf16>,
        %get3A_70 = arith.index_cast %add3A_37 : i32 to index
        %get3A_71 = arith.constant 64 : index
        %get3A_72 = tpu.vector_load %arg9[%get3A_70, %get3A_71] {strides = array<i32>} : memref<240x256xbf16, #tpu.memory_space<vmem>>, vector<32xbf16>,
        %unpack3A_73 = tpu.unpack_subelements %get3A_69, 0 {pack_format = #tpu.pack_format<interleaved>} : vector<32xbf16> -> vector<16xf32>
        %unpack3A_74 = tpu.unpack_subelements %get3A_69, 1 {pack_format = #tpu.pack_format<interleaved>} : vector<32xbf16> -> vector<16xf32>
        %unpack3A_75 = tpu.unpack_subelements %get3A_72, 0 {pack_format = #tpu.pack_format<interleaved>} : vector<32xbf16> -> vector<16xf32>
        %unpack3A_76 = tpu.unpack_subelements %get3A_72, 1 {pack_format = #tpu.pack_format<interleaved>} : vector<32xbf16> -> vector<16xf32>
        %mul3A_77 = arith.mulf %unpack3A_73, %unpack3A_75 : vector<16xf32>
        %add3A_78 = arith.addf %add3A_64, %mul3A_77 : vector<16xf32>
        %mul3A_79 = arith.mulf %unpack3A_74, %unpack3A_76 : vector<16xf32>
        %add3A_80 = arith.addf %add3A_66, %mul3A_79 : vector<16xf32>
        %get3A_81 = arith.index_cast %add3A_37 : i32 to index
        %get3A_82 = arith.constant 96 : index
        %get3A_83 = tpu.vector_load %arg8[%get3A_81, %get3A_82] {strides = array<i32>} : memref<240x256xbf16, #tpu.memory_space<vmem>>, vector<32xbf16>,
        %get3A_84 = arith.index_cast %add3A_37 : i32 to index
        %get3A_85 = arith.constant 96 : index
        %get3A_86 = tpu.vector_load %arg9[%get3A_84, %get3A_85] {strides = array<i32>} : memref<240x256xbf16, #tpu.memory_space<vmem>>, vector<32xbf16>,
        %unpack3A_87 = tpu.unpack_subelements %get3A_83, 0 {pack_format = #tpu.pack_format<interleaved>} : vector<32xbf16> -> vector<16xf32>
        %unpack3A_88 = tpu.unpack_subelements %get3A_83, 1 {pack_format = #tpu.pack_format<interleaved>} : vector<32xbf16> -> vector<16xf32>
        %unpack3A_89 = tpu.unpack_subelements %get3A_86, 0 {pack_format = #tpu.pack_format<interleaved>} : vector<32xbf16> -> vector<16xf32>
        %unpack3A_90 = tpu.unpack_subelements %get3A_86, 1 {pack_format = #tpu.pack_format<interleaved>} : vector<32xbf16> -> vector<16xf32>
        %mul3A_91 = arith.mulf %unpack3A_87, %unpack3A_89 : vector<16xf32>
        %add3A_92 = arith.addf %add3A_78, %mul3A_91 : vector<16xf32>
        %mul3A_93 = arith.mulf %unpack3A_88, %unpack3A_90 : vector<16xf32>
        %add3A_94 = arith.addf %add3A_80, %mul3A_93 : vector<16xf32>
        %get3A_95 = arith.index_cast %add3A_37 : i32 to index
        %get3A_96 = arith.constant 128 : index
        %get3A_97 = tpu.vector_load %arg8[%get3A_95, %get3A_96] {strides = array<i32>} : memref<240x256xbf16, #tpu.memory_space<vmem>>, vector<32xbf16>,
        %get3A_98 = arith.index_cast %add3A_37 : i32 to index
        %get3A_99 = arith.constant 128 : index
        %get3A_100 = tpu.vector_load %arg9[%get3A_98, %get3A_99] {strides = array<i32>} : memref<240x256xbf16, #tpu.memory_space<vmem>>, vector<32xbf16>,
        %unpack3A_101 = tpu.unpack_subelements %get3A_97, 0 {pack_format = #tpu.pack_format<interleaved>} : vector<32xbf16> -> vector<16xf32>
        %unpack3A_102 = tpu.unpack_subelements %get3A_97, 1 {pack_format = #tpu.pack_format<interleaved>} : vector<32xbf16> -> vector<16xf32>
        %unpack3A_103 = tpu.unpack_subelements %get3A_100, 0 {pack_format = #tpu.pack_format<interleaved>} : vector<32xbf16> -> vector<16xf32>
        %unpack3A_104 = tpu.unpack_subelements %get3A_100, 1 {pack_format = #tpu.pack_format<interleaved>} : vector<32xbf16> -> vector<16xf32>
        %mul3A_105 = arith.mulf %unpack3A_101, %unpack3A_103 : vector<16xf32>
        %add3A_106 = arith.addf %add3A_92, %mul3A_105 : vector<16xf32>
        %mul3A_107 = arith.mulf %unpack3A_102, %unpack3A_104 : vector<16xf32>
        %add3A_108 = arith.addf %add3A_94, %mul3A_107 : vector<16xf32>
        %get3A_109 = arith.index_cast %add3A_37 : i32 to index
        %get3A_110 = arith.constant 160 : index
        %get3A_111 = tpu.vector_load %arg8[%get3A_109, %get3A_110] {strides = array<i32>} : memref<240x256xbf16, #tpu.memory_space<vmem>>, vector<32xbf16>,
        %get3A_112 = arith.index_cast %add3A_37 : i32 to index
        %get3A_113 = arith.constant 160 : index
        %get3A_114 = tpu.vector_load %arg9[%get3A_112, %get3A_113] {strides = array<i32>} : memref<240x256xbf16, #tpu.memory_space<vmem>>, vector<32xbf16>,
        %unpack3A_115 = tpu.unpack_subelements %get3A_111, 0 {pack_format = #tpu.pack_format<interleaved>} : vector<32xbf16> -> vector<16xf32>
        %unpack3A_116 = tpu.unpack_subelements %get3A_111, 1 {pack_format = #tpu.pack_format<interleaved>} : vector<32xbf16> -> vector<16xf32>
        %unpack3A_117 = tpu.unpack_subelements %get3A_114, 0 {pack_format = #tpu.pack_format<interleaved>} : vector<32xbf16> -> vector<16xf32>
        %unpack3A_118 = tpu.unpack_subelements %get3A_114, 1 {pack_format = #tpu.pack_format<interleaved>} : vector<32xbf16> -> vector<16xf32>
        %mul3A_119 = arith.mulf %unpack3A_115, %unpack3A_117 : vector<16xf32>
        %add3A_120 = arith.addf %add3A_106, %mul3A_119 : vector<16xf32>
        %mul3A_121 = arith.mulf %unpack3A_116, %unpack3A_118 : vector<16xf32>
        %add3A_122 = arith.addf %add3A_108, %mul3A_121 : vector<16xf32>
        %get3A_123 = arith.index_cast %add3A_37 : i32 to index
        %get3A_124 = arith.constant 192 : index
        %get3A_125 = tpu.vector_load %arg8[%get3A_123, %get3A_124] {strides = array<i32>} : memref<240x256xbf16, #tpu.memory_space<vmem>>, vector<32xbf16>,
        %get3A_126 = arith.index_cast %add3A_37 : i32 to index
        %get3A_127 = arith.constant 192 : index
        %get3A_128 = tpu.vector_load %arg9[%get3A_126, %get3A_127] {strides = array<i32>} : memref<240x256xbf16, #tpu.memory_space<vmem>>, vector<32xbf16>,
        %unpack3A_129 = tpu.unpack_subelements %get3A_125, 0 {pack_format = #tpu.pack_format<interleaved>} : vector<32xbf16> -> vector<16xf32>
        %unpack3A_130 = tpu.unpack_subelements %get3A_125, 1 {pack_format = #tpu.pack_format<interleaved>} : vector<32xbf16> -> vector<16xf32>
        %unpack3A_131 = tpu.unpack_subelements %get3A_128, 0 {pack_format = #tpu.pack_format<interleaved>} : vector<32xbf16> -> vector<16xf32>
        %unpack3A_132 = tpu.unpack_subelements %get3A_128, 1 {pack_format = #tpu.pack_format<interleaved>} : vector<32xbf16> -> vector<16xf32>
        %mul3A_133 = arith.mulf %unpack3A_129, %unpack3A_131 : vector<16xf32>
        %add3A_134 = arith.addf %add3A_120, %mul3A_133 : vector<16xf32>
        %mul3A_135 = arith.mulf %unpack3A_130, %unpack3A_132 : vector<16xf32>
        %add3A_136 = arith.addf %add3A_122, %mul3A_135 : vector<16xf32>
        %get3A_137 = arith.index_cast %add3A_37 : i32 to index
        %get3A_138 = arith.constant 224 : index
        %get3A_139 = tpu.vector_load %arg8[%get3A_137, %get3A_138] {strides = array<i32>} : memref<240x256xbf16, #tpu.memory_space<vmem>>, vector<32xbf16>,
        %get3A_140 = arith.index_cast %add3A_37 : i32 to index
        %get3A_141 = arith.constant 224 : index
        %get3A_142 = tpu.vector_load %arg9[%get3A_140, %get3A_141] {strides = array<i32>} : memref<240x256xbf16, #tpu.memory_space<vmem>>, vector<32xbf16>,
        %unpack3A_143 = tpu.unpack_subelements %get3A_139, 0 {pack_format = #tpu.pack_format<interleaved>} : vector<32xbf16> -> vector<16xf32>
        %unpack3A_144 = tpu.unpack_subelements %get3A_139, 1 {pack_format = #tpu.pack_format<interleaved>} : vector<32xbf16> -> vector<16xf32>
        %unpack3A_145 = tpu.unpack_subelements %get3A_142, 0 {pack_format = #tpu.pack_format<interleaved>} : vector<32xbf16> -> vector<16xf32>
        %unpack3A_146 = tpu.unpack_subelements %get3A_142, 1 {pack_format = #tpu.pack_format<interleaved>} : vector<32xbf16> -> vector<16xf32>
        %mul3A_147 = arith.mulf %unpack3A_143, %unpack3A_145 : vector<16xf32>
        %add3A_148 = arith.addf %add3A_134, %mul3A_147 : vector<16xf32>
        %mul3A_149 = arith.mulf %unpack3A_144, %unpack3A_146 : vector<16xf32>
        %add3A_150 = arith.addf %add3A_136, %mul3A_149 : vector<16xf32>
        %add3A_151 = arith.addf %add3A_148, %add3A_150 : vector<16xf32>
        %swap3A = arith.constant 0 : i32
        %swap3A_152 = arith.index_cast %swap3A : i32 to index
        %swap3A_153 = arith.constant 0 : index
        %swap3A_154 = tpu.vector_load %arg11[%swap3A_152, %swap3A_153] {strides = array<i32>} : memref<16x17xf32, #tpu.memory_space<vmem>>, vector<16xf32>,
        tpu.vector_store %arg11[%swap3A_152, %swap3A_153], %add3A_151 {strides = array<i32>} : memref<16x17xf32, #tpu.memory_space<vmem>>, vector<16xf32>,
        %add3A_155 = arith.constant 1 : i32
        %add3A_156 = arith.addi %mul3A_35, %add3A_155 : i32
        %broadcast_in_dim3A_157 = arith.constant 0.000000e+00 : f32
        %broadcast_in_dim3A_158 = vector.broadcast %broadcast_in_dim3A_157 : f32 to vector<16xf32>
        %broadcast_in_dim3A_159 = arith.constant 0.000000e+00 : f32
        %broadcast_in_dim3A_160 = vector.broadcast %broadcast_in_dim3A_159 : f32 to vector<16xf32>
        %get3A_161 = arith.index_cast %add3A_156 : i32 to index
        %get3A_162 = arith.constant 0 : index
        %get3A_163 = tpu.vector_load %arg8[%get3A_161, %get3A_162] {strides = array<i32>} : memref<240x256xbf16, #tpu.memory_space<vmem>>, vector<32xbf16>,
        %get3A_164 = arith.index_cast %add3A_156 : i32 to index
        %get3A_165 = arith.constant 0 : index
        %get3A_166 = tpu.vector_load %arg9[%get3A_164, %get3A_165] {strides = array<i32>} : memref<240x256xbf16, #tpu.memory_space<vmem>>, vector<32xbf16>,
        %unpack3A_167 = tpu.unpack_subelements %get3A_163, 0 {pack_format = #tpu.pack_format<interleaved>} : vector<32xbf16> -> vector<16xf32>
        %unpack3A_168 = tpu.unpack_subelements %get3A_163, 1 {pack_format = #tpu.pack_format<interleaved>} : vector<32xbf16> -> vector<16xf32>
        %unpack3A_169 = tpu.unpack_subelements %get3A_166, 0 {pack_format = #tpu.pack_format<interleaved>} : vector<32xbf16> -> vector<16xf32>
        %unpack3A_170 = tpu.unpack_subelements %get3A_166, 1 {pack_format = #tpu.pack_format<interleaved>} : vector<32xbf16> -> vector<16xf32>
        %mul3A_171 = arith.mulf %unpack3A_167, %unpack3A_169 : vector<16xf32>
        %add3A_172 = arith.addf %broadcast_in_dim3A_158, %mul3A_171 : vector<16xf32>
        %mul3A_173 = arith.mulf %unpack3A_168, %unpack3A_170 : vector<16xf32>
        %add3A_174 = arith.addf %broadcast_in_dim3A_160, %mul3A_173 : vector<16xf32>
        %get3A_175 = arith.index_cast %add3A_156 : i32 to index
        %get3A_176 = arith.constant 32 : index
        %get3A_177 = tpu.vector_load %arg8[%get3A_175, %get3A_176] {strides = array<i32>} : memref<240x256xbf16, #tpu.memory_space<vmem>>, vector<32xbf16>,
        %get3A_178 = arith.index_cast %add3A_156 : i32 to index
        %get3A_179 = arith.constant 32 : index
        %get3A_180 = tpu.vector_load %arg9[%get3A_178, %get3A_179] {strides = array<i32>} : memref<240x256xbf16, #tpu.memory_space<vmem>>, vector<32xbf16>,
        %unpack3A_181 = tpu.unpack_subelements %get3A_177, 0 {pack_format = #tpu.pack_format<interleaved>} : vector<32xbf16> -> vector<16xf32>
        %unpack3A_182 = tpu.unpack_subelements %get3A_177, 1 {pack_format = #tpu.pack_format<interleaved>} : vector<32xbf16> -> vector<16xf32>
        %unpack3A_183 = tpu.unpack_subelements %get3A_180, 0 {pack_format = #tpu.pack_format<interleaved>} : vector<32xbf16> -> vector<16xf32>
        %unpack3A_184 = tpu.unpack_subelements %get3A_180, 1 {pack_format = #tpu.pack_format<interleaved>} : vector<32xbf16> -> vector<16xf32>
        %mul3A_185 = arith.mulf %unpack3A_181, %unpack3A_183 : vector<16xf32>
        %add3A_186 = arith.addf %add3A_172, %mul3A_185 : vector<16xf32>
        %mul3A_187 = arith.mulf %unpack3A_182, %unpack3A_184 : vector<16xf32>
        %add3A_188 = arith.addf %add3A_174, %mul3A_187 : vector<16xf32>
        %get3A_189 = arith.index_cast %add3A_156 : i32 to index
        %get3A_190 = arith.constant 64 : index
        %get3A_191 = tpu.vector_load %arg8[%get3A_189, %get3A_190] {strides = array<i32>} : memref<240x256xbf16, #tpu.memory_space<vmem>>, vector<32xbf16>,
        %get3A_192 = arith.index_cast %add3A_156 : i32 to index
        %get3A_193 = arith.constant 64 : index
        %get3A_194 = tpu.vector_load %arg9[%get3A_192, %get3A_193] {strides = array<i32>} : memref<240x256xbf16, #tpu.memory_space<vmem>>, vector<32xbf16>,
        %unpack3A_195 = tpu.unpack_subelements %get3A_191, 0 {pack_format = #tpu.pack_format<interleaved>} : vector<32xbf16> -> vector<16xf32>
        %unpack3A_196 = tpu.unpack_subelements %get3A_191, 1 {pack_format = #tpu.pack_format<interleaved>} : vector<32xbf16> -> vector<16xf32>
        %unpack3A_197 = tpu.unpack_subelements %get3A_194, 0 {pack_format = #tpu.pack_format<interleaved>} : vector<32xbf16> -> vector<16xf32>
        %unpack3A_198 = tpu.unpack_subelements %get3A_194, 1 {pack_format = #tpu.pack_format<interleaved>} : vector<32xbf16> -> vector<16xf32>
        %mul3A_199 = arith.mulf %unpack3A_195, %unpack3A_197 : vector<16xf32>
        %add3A_200 = arith.addf %add3A_186, %mul3A_199 : vector<16xf32>
        %mul3A_201 = arith.mulf %unpack3A_196, %unpack3A_198 : vector<16xf32>
        %add3A_202 = arith.addf %add3A_188, %mul3A_201 : vector<16xf32>
        %get3A_203 = arith.index_cast %add3A_156 : i32 to index
        %get3A_204 = arith.constant 96 : index
        %get3A_205 = tpu.vector_load %arg8[%get3A_203, %get3A_204] {strides = array<i32>} : memref<240x256xbf16, #tpu.memory_space<vmem>>, vector<32xbf16>,
        %get3A_206 = arith.index_cast %add3A_156 : i32 to index
        %get3A_207 = arith.constant 96 : index
        %get3A_208 = tpu.vector_load %arg9[%get3A_206, %get3A_207] {strides = array<i32>} : memref<240x256xbf16, #tpu.memory_space<vmem>>, vector<32xbf16>,
        %unpack3A_209 = tpu.unpack_subelements %get3A_205, 0 {pack_format = #tpu.pack_format<interleaved>} : vector<32xbf16> -> vector<16xf32>
        %unpack3A_210 = tpu.unpack_subelements %get3A_205, 1 {pack_format = #tpu.pack_format<interleaved>} : vector<32xbf16> -> vector<16xf32>
        %unpack3A_211 = tpu.unpack_subelements %get3A_208, 0 {pack_format = #tpu.pack_format<interleaved>} : vector<32xbf16> -> vector<16xf32>
        %unpack3A_212 = tpu.unpack_subelements %get3A_208, 1 {pack_format = #tpu.pack_format<interleaved>} : vector<32xbf16> -> vector<16xf32>
        %mul3A_213 = arith.mulf %unpack3A_209, %unpack3A_211 : vector<16xf32>
        %add3A_214 = arith.addf %add3A_200, %mul3A_213 : vector<16xf32>
        %mul3A_215 = arith.mulf %unpack3A_210, %unpack3A_212 : vector<16xf32>
        %add3A_216 = arith.addf %add3A_202, %mul3A_215 : vector<16xf32>
        %get3A_217 = arith.index_cast %add3A_156 : i32 to index
        %get3A_218 = arith.constant 128 : index
        %get3A_219 = tpu.vector_load %arg8[%get3A_217, %get3A_218] {strides = array<i32>} : memref<240x256xbf16, #tpu.memory_space<vmem>>, vector<32xbf16>,
        %get3A_220 = arith.index_cast %add3A_156 : i32 to index
        %get3A_221 = arith.constant 128 : index
        %get3A_222 = tpu.vector_load %arg9[%get3A_220, %get3A_221] {strides = array<i32>} : memref<240x256xbf16, #tpu.memory_space<vmem>>, vector<32xbf16>,
        %unpack3A_223 = tpu.unpack_subelements %get3A_219, 0 {pack_format = #tpu.pack_format<interleaved>} : vector<32xbf16> -> vector<16xf32>
        %unpack3A_224 = tpu.unpack_subelements %get3A_219, 1 {pack_format = #tpu.pack_format<interleaved>} : vector<32xbf16> -> vector<16xf32>
        %unpack3A_225 = tpu.unpack_subelements %get3A_222, 0 {pack_format = #tpu.pack_format<interleaved>} : vector<32xbf16> -> vector<16xf32>
        %unpack3A_226 = tpu.unpack_subelements %get3A_222, 1 {pack_format = #tpu.pack_format<interleaved>} : vector<32xbf16> -> vector<16xf32>
        %mul3A_227 = arith.mulf %unpack3A_223, %unpack3A_225 : vector<16xf32>
        %add3A_228 = arith.addf %add3A_214, %mul3A_227 : vector<16xf32>
        %mul3A_229 = arith.mulf %unpack3A_224, %unpack3A_226 : vector<16xf32>
        %add3A_230 = arith.addf %add3A_216, %mul3A_229 : vector<16xf32>
        %get3A_231 = arith.index_cast %add3A_156 : i32 to index
        %get3A_232 = arith.constant 160 : index
        %get3A_233 = tpu.vector_load %arg8[%get3A_231, %get3A_232] {strides = array<i32>} : memref<240x256xbf16, #tpu.memory_space<vmem>>, vector<32xbf16>,
        %get3A_234 = arith.index_cast %add3A_156 : i32 to index
        %get3A_235 = arith.constant 160 : index
        %get3A_236 = tpu.vector_load %arg9[%get3A_234, %get3A_235] {strides = array<i32>} : memref<240x256xbf16, #tpu.memory_space<vmem>>, vector<32xbf16>,
        %unpack3A_237 = tpu.unpack_subelements %get3A_233, 0 {pack_format = #tpu.pack_format<interleaved>} : vector<32xbf16> -> vector<16xf32>
        %unpack3A_238 = tpu.unpack_subelements %get3A_233, 1 {pack_format = #tpu.pack_format<interleaved>} : vector<32xbf16> -> vector<16xf32>
        %unpack3A_239 = tpu.unpack_subelements %get3A_236, 0 {pack_format = #tpu.pack_format<interleaved>} : vector<32xbf16> -> vector<16xf32>
        %unpack3A_240 = tpu.unpack_subelements %get3A_236, 1 {pack_format = #tpu.pack_format<interleaved>} : vector<32xbf16> -> vector<16xf32>
        %mul3A_241 = arith.mulf %unpack3A_237, %unpack3A_239 : vector<16xf32>
        %add3A_242 = arith.addf %add3A_228, %mul3A_241 : vector<16xf32>
        %mul3A_243 = arith.mulf %unpack3A_238, %unpack3A_240 : vector<16xf32>
        %add3A_244 = arith.addf %add3A_230, %mul3A_243 : vector<16xf32>
        %get3A_245 = arith.index_cast %add3A_156 : i32 to index
        %get3A_246 = arith.constant 192 : index
        %get3A_247 = tpu.vector_load %arg8[%get3A_245, %get3A_246] {strides = array<i32>} : memref<240x256xbf16, #tpu.memory_space<vmem>>, vector<32xbf16>,
        %get3A_248 = arith.index_cast %add3A_156 : i32 to index
        %get3A_249 = arith.constant 192 : index
        %get3A_250 = tpu.vector_load %arg9[%get3A_248, %get3A_249] {strides = array<i32>} : memref<240x256xbf16, #tpu.memory_space<vmem>>, vector<32xbf16>,
        %unpack3A_251 = tpu.unpack_subelements %get3A_247, 0 {pack_format = #tpu.pack_format<interleaved>} : vector<32xbf16> -> vector<16xf32>
        %unpack3A_252 = tpu.unpack_subelements %get3A_247, 1 {pack_format = #tpu.pack_format<interleaved>} : vector<32xbf16> -> vector<16xf32>
        %unpack3A_253 = tpu.unpack_subelements %get3A_250, 0 {pack_format = #tpu.pack_format<interleaved>} : vector<32xbf16> -> vector<16xf32>
        %unpack3A_254 = tpu.unpack_subelements %get3A_250, 1 {pack_format = #tpu.pack_format<interleaved>} : vector<32xbf16> -> vector<16xf32>
        %mul3A_255 = arith.mulf %unpack3A_251, %unpack3A_253 : vector<16xf32>
        %add3A_256 = arith.addf %add3A_242, %mul3A_255 : vector<16xf32>
        %mul3A_257 = arith.mulf %unpack3A_252, %unpack3A_254 : vector<16xf32>
        %add3A_258 = arith.addf %add3A_244, %mul3A_257 : vector<16xf32>
        %get3A_259 = arith.index_cast %add3A_156 : i32 to index
        %get3A_260 = arith.constant 224 : index
        %get3A_261 = tpu.vector_load %arg8[%get3A_259, %get3A_260] {strides = array<i32>} : memref<240x256xbf16, #tpu.memory_space<vmem>>, vector<32xbf16>,
        %get3A_262 = arith.index_cast %add3A_156 : i32 to index
        %get3A_263 = arith.constant 224 : index
        %get3A_264 = tpu.vector_load %arg9[%get3A_262, %get3A_263] {strides = array<i32>} : memref<240x256xbf16, #tpu.memory_space<vmem>>, vector<32xbf16>,
        %unpack3A_265 = tpu.unpack_subelements %get3A_261, 0 {pack_format = #tpu.pack_format<interleaved>} : vector<32xbf16> -> vector<16xf32>
        %unpack3A_266 = tpu.unpack_subelements %get3A_261, 1 {pack_format = #tpu.pack_format<interleaved>} : vector<32xbf16> -> vector<16xf32>
        %unpack3A_267 = tpu.unpack_subelements %get3A_264, 0 {pack_format = #tpu.pack_format<interleaved>} : vector<32xbf16> -> vector<16xf32>
        %unpack3A_268 = tpu.unpack_subelements %get3A_264, 1 {pack_format = #tpu.pack_format<interleaved>} : vector<32xbf16> -> vector<16xf32>
        %mul3A_269 = arith.mulf %unpack3A_265, %unpack3A_267 : vector<16xf32>
        %add3A_270 = arith.addf %add3A_256, %mul3A_269 : vector<16xf32>
        %mul3A_271 = arith.mulf %unpack3A_266, %unpack3A_268 : vector<16xf32>
        %add3A_272 = arith.addf %add3A_258, %mul3A_271 : vector<16xf32>
        %add3A_273 = arith.addf %add3A_270, %add3A_272 : vector<16xf32>
        %swap3A_274 = arith.constant 1 : i32
        %swap3A_275 = arith.index_cast %swap3A_274 : i32 to index
        %swap3A_276 = arith.constant 0 : index
        %swap3A_277 = tpu.vector_load %arg11[%swap3A_275, %swap3A_276] {strides = array<i32>} : memref<16x17xf32, #tpu.memory_space<vmem>>, vector<16xf32>,
        tpu.vector_store %arg11[%swap3A_275, %swap3A_276], %add3A_273 {strides = array<i32>} : memref<16x17xf32, #tpu.memory_space<vmem>>, vector<16xf32>,
        %add3A_278 = arith.constant 2 : i32
        %add3A_279 = arith.addi %mul3A_35, %add3A_278 : i32
        %broadcast_in_dim3A_280 = arith.constant 0.000000e+00 : f32
        %broadcast_in_dim3A_281 = vector.broadcast %broadcast_in_dim3A_280 : f32 to vector<16xf32>
        %broadcast_in_dim3A_282 = arith.constant 0.000000e+00 : f32
        %broadcast_in_dim3A_283 = vector.broadcast %broadcast_in_dim3A_282 : f32 to vector<16xf32>
        %get3A_284 = arith.index_cast %add3A_279 : i32 to index
        %get3A_285 = arith.constant 0 : index
        %get3A_286 = tpu.vector_load %arg8[%get3A_284, %get3A_285] {strides = array<i32>} : memref<240x256xbf16, #tpu.memory_space<vmem>>, vector<32xbf16>,
        %get3A_287 = arith.index_cast %add3A_279 : i32 to index
        %get3A_288 = arith.constant 0 : index
        %get3A_289 = tpu.vector_load %arg9[%get3A_287, %get3A_288] {strides = array<i32>} : memref<240x256xbf16, #tpu.memory_space<vmem>>, vector<32xbf16>,
        %unpack3A_290 = tpu.unpack_subelements %get3A_286, 0 {pack_format = #tpu.pack_format<interleaved>} : vector<32xbf16> -> vector<16xf32>
        %unpack3A_291 = tpu.unpack_subelements %get3A_286, 1 {pack_format = #tpu.pack_format<interleaved>} : vector<32xbf16> -> vector<16xf32>
        %unpack3A_292 = tpu.unpack_subelements %get3A_289, 0 {pack_format = #tpu.pack_format<interleaved>} : vector<32xbf16> -> vector<16xf32>
        %unpack3A_293 = tpu.unpack_subelements %get3A_289, 1 {pack_format = #tpu.pack_format<interleaved>} : vector<32xbf16> -> vector<16xf32>
        %mul3A_294 = arith.mulf %unpack3A_290, %unpack3A_292 : vector<16xf32>
        %add3A_295 = arith.addf %broadcast_in_dim3A_281, %mul3A_294 : vector<16xf32>
        %mul3A_296 = arith.mulf %unpack3A_291, %unpack3A_293 : vector<16xf32>
        %add3A_297 = arith.addf %broadcast_in_dim3A_283, %mul3A_296 : vector<16xf32>
        %get3A_298 = arith.index_cast %add3A_279 : i32 to index
        %get3A_299 = arith.constant 32 : index
        %get3A_300 = tpu.vector_load %arg8[%get3A_298, %get3A_299] {strides = array<i32>} : memref<240x256xbf16, #tpu.memory_space<vmem>>, vector<32xbf16>,
        %get3A_301 = arith.index_cast %add3A_279 : i32 to index
        %get3A_302 = arith.constant 32 : index
        %get3A_303 = tpu.vector_load %arg9[%get3A_301, %get3A_302] {strides = array<i32>} : memref<240x256xbf16, #tpu.memory_space<vmem>>, vector<32xbf16>,
        %unpack3A_304 = tpu.unpack_subelements %get3A_300, 0 {pack_format = #tpu.pack_format<interleaved>} : vector<32xbf16> -> vector<16xf32>
        %unpack3A_305 = tpu.unpack_subelements %get3A_300, 1 {pack_format = #tpu.pack_format<interleaved>} : vector<32xbf16> -> vector<16xf32>
        %unpack3A_306 = tpu.unpack_subelements %get3A_303, 0 {pack_format = #tpu.pack_format<interleaved>} : vector<32xbf16> -> vector<16xf32>
        %unpack3A_307 = tpu.unpack_subelements %get3A_303, 1 {pack_format = #tpu.pack_format<interleaved>} : vector<32xbf16> -> vector<16xf32>
        %mul3A_308 = arith.mulf %unpack3A_304, %unpack3A_306 : vector<16xf32>
        %add3A_309 = arith.addf %add3A_295, %mul3A_308 : vector<16xf32>
        %mul3A_310 = arith.mulf %unpack3A_305, %unpack3A_307 : vector<16xf32>
        %add3A_311 = arith.addf %add3A_297, %mul3A_310 : vector<16xf32>
        %get3A_312 = arith.index_cast %add3A_279 : i32 to index
        %get3A_313 = arith.constant 64 : index
        %get3A_314 = tpu.vector_load %arg8[%get3A_312, %get3A_313] {strides = array<i32>} : memref<240x256xbf16, #tpu.memory_space<vmem>>, vector<32xbf16>,
        %get3A_315 = arith.index_cast %add3A_279 : i32 to index
        %get3A_316 = arith.constant 64 : index
        %get3A_317 = tpu.vector_load %arg9[%get3A_315, %get3A_316] {strides = array<i32>} : memref<240x256xbf16, #tpu.memory_space<vmem>>, vector<32xbf16>,
        %unpack3A_318 = tpu.unpack_subelements %get3A_314, 0 {pack_format = #tpu.pack_format<interleaved>} : vector<32xbf16> -> vector<16xf32>
        %unpack3A_319 = tpu.unpack_subelements %get3A_314, 1 {pack_format = #tpu.pack_format<interleaved>} : vector<32xbf16> -> vector<16xf32>
        %unpack3A_320 = tpu.unpack_subelements %get3A_317, 0 {pack_format = #tpu.pack_format<interleaved>} : vector<32xbf16> -> vector<16xf32>
        %unpack3A_321 = tpu.unpack_subelements %get3A_317, 1 {pack_format = #tpu.pack_format<interleaved>} : vector<32xbf16> -> vector<16xf32>
        %mul3A_322 = arith.mulf %unpack3A_318, %unpack3A_320 : vector<16xf32>
        %add3A_323 = arith.addf %add3A_309, %mul3A_322 : vector<16xf32>
        %mul3A_324 = arith.mulf %unpack3A_319, %unpack3A_321 : vector<16xf32>
        %add3A_325 = arith.addf %add3A_311, %mul3A_324 : vector<16xf32>
        %get3A_326 = arith.index_cast %add3A_279 : i32 to index
        %get3A_327 = arith.constant 96 : index
        %get3A_328 = tpu.vector_load %arg8[%get3A_326, %get3A_327] {strides = array<i32>} : memref<240x256xbf16, #tpu.memory_space<vmem>>, vector<32xbf16>,
        %get3A_329 = arith.index_cast %add3A_279 : i32 to index
        %get3A_330 = arith.constant 96 : index
        %get3A_331 = tpu.vector_load %arg9[%get3A_329, %get3A_330] {strides = array<i32>} : memref<240x256xbf16, #tpu.memory_space<vmem>>, vector<32xbf16>,
        %unpack3A_332 = tpu.unpack_subelements %get3A_328, 0 {pack_format = #tpu.pack_format<interleaved>} : vector<32xbf16> -> vector<16xf32>
        %unpack3A_333 = tpu.unpack_subelements %get3A_328, 1 {pack_format = #tpu.pack_format<interleaved>} : vector<32xbf16> -> vector<16xf32>
        %unpack3A_334 = tpu.unpack_subelements %get3A_331, 0 {pack_format = #tpu.pack_format<interleaved>} : vector<32xbf16> -> vector<16xf32>
        %unpack3A_335 = tpu.unpack_subelements %get3A_331, 1 {pack_format = #tpu.pack_format<interleaved>} : vector<32xbf16> -> vector<16xf32>
        %mul3A_336 = arith.mulf %unpack3A_332, %unpack3A_334 : vector<16xf32>
        %add3A_337 = arith.addf %add3A_323, %mul3A_336 : vector<16xf32>
        %mul3A_338 = arith.mulf %unpack3A_333, %unpack3A_335 : vector<16xf32>
        %add3A_339 = arith.addf %add3A_325, %mul3A_338 : vector<16xf32>
        %get3A_340 = arith.index_cast %add3A_279 : i32 to index
        %get3A_341 = arith.constant 128 : index
        %get3A_342 = tpu.vector_load %arg8[%get3A_340, %get3A_341] {strides = array<i32>} : memref<240x256xbf16, #tpu.memory_space<vmem>>, vector<32xbf16>,
        %get3A_343 = arith.index_cast %add3A_279 : i32 to index
        %get3A_344 = arith.constant 128 : index
        %get3A_345 = tpu.vector_load %arg9[%get3A_343, %get3A_344] {strides = array<i32>} : memref<240x256xbf16, #tpu.memory_space<vmem>>, vector<32xbf16>,
        %unpack3A_346 = tpu.unpack_subelements %get3A_342, 0 {pack_format = #tpu.pack_format<interleaved>} : vector<32xbf16> -> vector<16xf32>
        %unpack3A_347 = tpu.unpack_subelements %get3A_342, 1 {pack_format = #tpu.pack_format<interleaved>} : vector<32xbf16> -> vector<16xf32>
        %unpack3A_348 = tpu.unpack_subelements %get3A_345, 0 {pack_format = #tpu.pack_format<interleaved>} : vector<32xbf16> -> vector<16xf32>
        %unpack3A_349 = tpu.unpack_subelements %get3A_345, 1 {pack_format = #tpu.pack_format<interleaved>} : vector<32xbf16> -> vector<16xf32>
        %mul3A_350 = arith.mulf %unpack3A_346, %unpack3A_348 : vector<16xf32>
        %add3A_351 = arith.addf %add3A_337, %mul3A_350 : vector<16xf32>
        %mul3A_352 = arith.mulf %unpack3A_347, %unpack3A_349 : vector<16xf32>
        %add3A_353 = arith.addf %add3A_339, %mul3A_352 : vector<16xf32>
        %get3A_354 = arith.index_cast %add3A_279 : i32 to index
        %get3A_355 = arith.constant 160 : index
        %get3A_356 = tpu.vector_load %arg8[%get3A_354, %get3A_355] {strides = array<i32>} : memref<240x256xbf16, #tpu.memory_space<vmem>>, vector<32xbf16>,
        %get3A_357 = arith.index_cast %add3A_279 : i32 to index
        %get3A_358 = arith.constant 160 : index
        %get3A_359 = tpu.vector_load %arg9[%get3A_357, %get3A_358] {strides = array<i32>} : memref<240x256xbf16, #tpu.memory_space<vmem>>, vector<32xbf16>,
        %unpack3A_360 = tpu.unpack_subelements %get3A_356, 0 {pack_format = #tpu.pack_format<interleaved>} : vector<32xbf16> -> vector<16xf32>
        %unpack3A_361 = tpu.unpack_subelements %get3A_356, 1 {pack_format = #tpu.pack_format<interleaved>} : vector<32xbf16> -> vector<16xf32>
        %unpack3A_362 = tpu.unpack_subelements %get3A_359, 0 {pack_format = #tpu.pack_format<interleaved>} : vector<32xbf16> -> vector<16xf32>
        %unpack3A_363 = tpu.unpack_subelements %get3A_359, 1 {pack_format = #tpu.pack_format<interleaved>} : vector<32xbf16> -> vector<16xf32>
        %mul3A_364 = arith.mulf %unpack3A_360, %unpack3A_362 : vector<16xf32>
        %add3A_365 = arith.addf %add3A_351, %mul3A_364 : vector<16xf32>
        %mul3A_366 = arith.mulf %unpack3A_361, %unpack3A_363 : vector<16xf32>
        %add3A_367 = arith.addf %add3A_353, %mul3A_366 : vector<16xf32>
        %get3A_368 = arith.index_cast %add3A_279 : i32 to index
        %get3A_369 = arith.constant 192 : index
        %get3A_370 = tpu.vector_load %arg8[%get3A_368, %get3A_369] {strides = array<i32>} : memref<240x256xbf16, #tpu.memory_space<vmem>>, vector<32xbf16>,
        %get3A_371 = arith.index_cast %add3A_279 : i32 to index
        %get3A_372 = arith.constant 192 : index
        %get3A_373 = tpu.vector_load %arg9[%get3A_371, %get3A_372] {strides = array<i32>} : memref<240x256xbf16, #tpu.memory_space<vmem>>, vector<32xbf16>,
        %unpack3A_374 = tpu.unpack_subelements %get3A_370, 0 {pack_format = #tpu.pack_format<interleaved>} : vector<32xbf16> -> vector<16xf32>
        %unpack3A_375 = tpu.unpack_subelements %get3A_370, 1 {pack_format = #tpu.pack_format<interleaved>} : vector<32xbf16> -> vector<16xf32>
        %unpack3A_376 = tpu.unpack_subelements %get3A_373, 0 {pack_format = #tpu.pack_format<interleaved>} : vector<32xbf16> -> vector<16xf32>
        %unpack3A_377 = tpu.unpack_subelements %get3A_373, 1 {pack_format = #tpu.pack_format<interleaved>} : vector<32xbf16> -> vector<16xf32>
        %mul3A_378 = arith.mulf %unpack3A_374, %unpack3A_376 : vector<16xf32>
        %add3A_379 = arith.addf %add3A_365, %mul3A_378 : vector<16xf32>
        %mul3A_380 = arith.mulf %unpack3A_375, %unpack3A_377 : vector<16xf32>
        %add3A_381 = arith.addf %add3A_367, %mul3A_380 : vector<16xf32>
        %get3A_382 = arith.index_cast %add3A_279 : i32 to index
        %get3A_383 = arith.constant 224 : index
        %get3A_384 = tpu.vector_load %arg8[%get3A_382, %get3A_383] {strides = array<i32>} : memref<240x256xbf16, #tpu.memory_space<vmem>>, vector<32xbf16>,
        %get3A_385 = arith.index_cast %add3A_279 : i32 to index
        %get3A_386 = arith.constant 224 : index
        %get3A_387 = tpu.vector_load %arg9[%get3A_385, %get3A_386] {strides = array<i32>} : memref<240x256xbf16, #tpu.memory_space<vmem>>, vector<32xbf16>,
        %unpack3A_388 = tpu.unpack_subelements %get3A_384, 0 {pack_format = #tpu.pack_format<interleaved>} : vector<32xbf16> -> vector<16xf32>
        %unpack3A_389 = tpu.unpack_subelements %get3A_384, 1 {pack_format = #tpu.pack_format<interleaved>} : vector<32xbf16> -> vector<16xf32>
        %unpack3A_390 = tpu.unpack_subelements %get3A_387, 0 {pack_format = #tpu.pack_format<interleaved>} : vector<32xbf16> -> vector<16xf32>
        %unpack3A_391 = tpu.unpack_subelements %get3A_387, 1 {pack_format = #tpu.pack_format<interleaved>} : vector<32xbf16> -> vector<16xf32>
        %mul3A_392 = arith.mulf %unpack3A_388, %unpack3A_390 : vector<16xf32>
        %add3A_393 = arith.addf %add3A_379, %mul3A_392 : vector<16xf32>
        %mul3A_394 = arith.mulf %unpack3A_389, %unpack3A_391 : vector<16xf32>
        %add3A_395 = arith.addf %add3A_381, %mul3A_394 : vector<16xf32>
        %add3A_396 = arith.addf %add3A_393, %add3A_395 : vector<16xf32>
        %swap3A_397 = arith.constant 2 : i32
        %swap3A_398 = arith.index_cast %swap3A_397 : i32 to index
        %swap3A_399 = arith.constant 0 : index
        %swap3A_400 = tpu.vector_load %arg11[%swap3A_398, %swap3A_399] {strides = array<i32>} : memref<16x17xf32, #tpu.memory_space<vmem>>, vector<16xf32>,
        tpu.vector_store %arg11[%swap3A_398, %swap3A_399], %add3A_396 {strides = array<i32>} : memref<16x17xf32, #tpu.memory_space<vmem>>, vector<16xf32>,
        %add3A_401 = arith.constant 3 : i32
        %add3A_402 = arith.addi %mul3A_35, %add3A_401 : i32
        %broadcast_in_dim3A_403 = arith.constant 0.000000e+00 : f32
        %broadcast_in_dim3A_404 = vector.broadcast %broadcast_in_dim3A_403 : f32 to vector<16xf32>
        %broadcast_in_dim3A_405 = arith.constant 0.000000e+00 : f32
        %broadcast_in_dim3A_406 = vector.broadcast %broadcast_in_dim3A_405 : f32 to vector<16xf32>
        %get3A_407 = arith.index_cast %add3A_402 : i32 to index
        %get3A_408 = arith.constant 0 : index
        %get3A_409 = tpu.vector_load %arg8[%get3A_407, %get3A_408] {strides = array<i32>} : memref<240x256xbf16, #tpu.memory_space<vmem>>, vector<32xbf16>,
        %get3A_410 = arith.index_cast %add3A_402 : i32 to index
        %get3A_411 = arith.constant 0 : index
        %get3A_412 = tpu.vector_load %arg9[%get3A_410, %get3A_411] {strides = array<i32>} : memref<240x256xbf16, #tpu.memory_space<vmem>>, vector<32xbf16>,
        %unpack3A_413 = tpu.unpack_subelements %get3A_409, 0 {pack_format = #tpu.pack_format<interleaved>} : vector<32xbf16> -> vector<16xf32>
        %unpack3A_414 = tpu.unpack_subelements %get3A_409, 1 {pack_format = #tpu.pack_format<interleaved>} : vector<32xbf16> -> vector<16xf32>
        %unpack3A_415 = tpu.unpack_subelements %get3A_412, 0 {pack_format = #tpu.pack_format<interleaved>} : vector<32xbf16> -> vector<16xf32>
        %unpack3A_416 = tpu.unpack_subelements %get3A_412, 1 {pack_format = #tpu.pack_format<interleaved>} : vector<32xbf16> -> vector<16xf32>
        %mul3A_417 = arith.mulf %unpack3A_413, %unpack3A_415 : vector<16xf32>
        %add3A_418 = arith.addf %broadcast_in_dim3A_404, %mul3A_417 : vector<16xf32>
        %mul3A_419 = arith.mulf %unpack3A_414, %unpack3A_416 : vector<16xf32>
        %add3A_420 = arith.addf %broadcast_in_dim3A_406, %mul3A_419 : vector<16xf32>
        %get3A_421 = arith.index_cast %add3A_402 : i32 to index
        %get3A_422 = arith.constant 32 : index
        %get3A_423 = tpu.vector_load %arg8[%get3A_421, %get3A_422] {strides = array<i32>} : memref<240x256xbf16, #tpu.memory_space<vmem>>, vector<32xbf16>,
        %get3A_424 = arith.index_cast %add3A_402 : i32 to index
        %get3A_425 = arith.constant 32 : index
        %get3A_426 = tpu.vector_load %arg9[%get3A_424, %get3A_425] {strides = array<i32>} : memref<240x256xbf16, #tpu.memory_space<vmem>>, vector<32xbf16>,
        %unpack3A_427 = tpu.unpack_subelements %get3A_423, 0 {pack_format = #tpu.pack_format<interleaved>} : vector<32xbf16> -> vector<16xf32>
        %unpack3A_428 = tpu.unpack_subelements %get3A_423, 1 {pack_format = #tpu.pack_format<interleaved>} : vector<32xbf16> -> vector<16xf32>
        %unpack3A_429 = tpu.unpack_subelements %get3A_426, 0 {pack_format = #tpu.pack_format<interleaved>} : vector<32xbf16> -> vector<16xf32>
        %unpack3A_430 = tpu.unpack_subelements %get3A_426, 1 {pack_format = #tpu.pack_format<interleaved>} : vector<32xbf16> -> vector<16xf32>
        %mul3A_431 = arith.mulf %unpack3A_427, %unpack3A_429 : vector<16xf32>
        %add3A_432 = arith.addf %add3A_418, %mul3A_431 : vector<16xf32>
        %mul3A_433 = arith.mulf %unpack3A_428, %unpack3A_430 : vector<16xf32>
        %add3A_434 = arith.addf %add3A_420, %mul3A_433 : vector<16xf32>
        %get3A_435 = arith.index_cast %add3A_402 : i32 to index
        %get3A_436 = arith.constant 64 : index
        %get3A_437 = tpu.vector_load %arg8[%get3A_435, %get3A_436] {strides = array<i32>} : memref<240x256xbf16, #tpu.memory_space<vmem>>, vector<32xbf16>,
        %get3A_438 = arith.index_cast %add3A_402 : i32 to index
        %get3A_439 = arith.constant 64 : index
        %get3A_440 = tpu.vector_load %arg9[%get3A_438, %get3A_439] {strides = array<i32>} : memref<240x256xbf16, #tpu.memory_space<vmem>>, vector<32xbf16>,
        %unpack3A_441 = tpu.unpack_subelements %get3A_437, 0 {pack_format = #tpu.pack_format<interleaved>} : vector<32xbf16> -> vector<16xf32>
        %unpack3A_442 = tpu.unpack_subelements %get3A_437, 1 {pack_format = #tpu.pack_format<interleaved>} : vector<32xbf16> -> vector<16xf32>
        %unpack3A_443 = tpu.unpack_subelements %get3A_440, 0 {pack_format = #tpu.pack_format<interleaved>} : vector<32xbf16> -> vector<16xf32>
        %unpack3A_444 = tpu.unpack_subelements %get3A_440, 1 {pack_format = #tpu.pack_format<interleaved>} : vector<32xbf16> -> vector<16xf32>
        %mul3A_445 = arith.mulf %unpack3A_441, %unpack3A_443 : vector<16xf32>
        %add3A_446 = arith.addf %add3A_432, %mul3A_445 : vector<16xf32>
        %mul3A_447 = arith.mulf %unpack3A_442, %unpack3A_444 : vector<16xf32>
        %add3A_448 = arith.addf %add3A_434, %mul3A_447 : vector<16xf32>
        %get3A_449 = arith.index_cast %add3A_402 : i32 to index
        %get3A_450 = arith.constant 96 : index
        %get3A_451 = tpu.vector_load %arg8[%get3A_449, %get3A_450] {strides = array<i32>} : memref<240x256xbf16, #tpu.memory_space<vmem>>, vector<32xbf16>,
        %get3A_452 = arith.index_cast %add3A_402 : i32 to index
        %get3A_453 = arith.constant 96 : index
        %get3A_454 = tpu.vector_load %arg9[%get3A_452, %get3A_453] {strides = array<i32>} : memref<240x256xbf16, #tpu.memory_space<vmem>>, vector<32xbf16>,
        %unpack3A_455 = tpu.unpack_subelements %get3A_451, 0 {pack_format = #tpu.pack_format<interleaved>} : vector<32xbf16> -> vector<16xf32>
        %unpack3A_456 = tpu.unpack_subelements %get3A_451, 1 {pack_format = #tpu.pack_format<interleaved>} : vector<32xbf16> -> vector<16xf32>
        %unpack3A_457 = tpu.unpack_subelements %get3A_454, 0 {pack_format = #tpu.pack_format<interleaved>} : vector<32xbf16> -> vector<16xf32>
        %unpack3A_458 = tpu.unpack_subelements %get3A_454, 1 {pack_format = #tpu.pack_format<interleaved>} : vector<32xbf16> -> vector<16xf32>
        %mul3A_459 = arith.mulf %unpack3A_455, %unpack3A_457 : vector<16xf32>
        %add3A_460 = arith.addf %add3A_446, %mul3A_459 : vector<16xf32>
        %mul3A_461 = arith.mulf %unpack3A_456, %unpack3A_458 : vector<16xf32>
        %add3A_462 = arith.addf %add3A_448, %mul3A_461 : vector<16xf32>
        %get3A_463 = arith.index_cast %add3A_402 : i32 to index
        %get3A_464 = arith.constant 128 : index
        %get3A_465 = tpu.vector_load %arg8[%get3A_463, %get3A_464] {strides = array<i32>} : memref<240x256xbf16, #tpu.memory_space<vmem>>, vector<32xbf16>,
        %get3A_466 = arith.index_cast %add3A_402 : i32 to index
        %get3A_467 = arith.constant 128 : index
        %get3A_468 = tpu.vector_load %arg9[%get3A_466, %get3A_467] {strides = array<i32>} : memref<240x256xbf16, #tpu.memory_space<vmem>>, vector<32xbf16>,
        %unpack3A_469 = tpu.unpack_subelements %get3A_465, 0 {pack_format = #tpu.pack_format<interleaved>} : vector<32xbf16> -> vector<16xf32>
        %unpack3A_470 = tpu.unpack_subelements %get3A_465, 1 {pack_format = #tpu.pack_format<interleaved>} : vector<32xbf16> -> vector<16xf32>
        %unpack3A_471 = tpu.unpack_subelements %get3A_468, 0 {pack_format = #tpu.pack_format<interleaved>} : vector<32xbf16> -> vector<16xf32>
        %unpack3A_472 = tpu.unpack_subelements %get3A_468, 1 {pack_format = #tpu.pack_format<interleaved>} : vector<32xbf16> -> vector<16xf32>
        %mul3A_473 = arith.mulf %unpack3A_469, %unpack3A_471 : vector<16xf32>
        %add3A_474 = arith.addf %add3A_460, %mul3A_473 : vector<16xf32>
        %mul3A_475 = arith.mulf %unpack3A_470, %unpack3A_472 : vector<16xf32>
        %add3A_476 = arith.addf %add3A_462, %mul3A_475 : vector<16xf32>
        %get3A_477 = arith.index_cast %add3A_402 : i32 to index
        %get3A_478 = arith.constant 160 : index
        %get3A_479 = tpu.vector_load %arg8[%get3A_477, %get3A_478] {strides = array<i32>} : memref<240x256xbf16, #tpu.memory_space<vmem>>, vector<32xbf16>,
        %get3A_480 = arith.index_cast %add3A_402 : i32 to index
        %get3A_481 = arith.constant 160 : index
        %get3A_482 = tpu.vector_load %arg9[%get3A_480, %get3A_481] {strides = array<i32>} : memref<240x256xbf16, #tpu.memory_space<vmem>>, vector<32xbf16>,
        %unpack3A_483 = tpu.unpack_subelements %get3A_479, 0 {pack_format = #tpu.pack_format<interleaved>} : vector<32xbf16> -> vector<16xf32>
        %unpack3A_484 = tpu.unpack_subelements %get3A_479, 1 {pack_format = #tpu.pack_format<interleaved>} : vector<32xbf16> -> vector<16xf32>
        %unpack3A_485 = tpu.unpack_subelements %get3A_482, 0 {pack_format = #tpu.pack_format<interleaved>} : vector<32xbf16> -> vector<16xf32>
        %unpack3A_486 = tpu.unpack_subelements %get3A_482, 1 {pack_format = #tpu.pack_format<interleaved>} : vector<32xbf16> -> vector<16xf32>
        %mul3A_487 = arith.mulf %unpack3A_483, %unpack3A_485 : vector<16xf32>
        %add3A_488 = arith.addf %add3A_474, %mul3A_487 : vector<16xf32>
        %mul3A_489 = arith.mulf %unpack3A_484, %unpack3A_486 : vector<16xf32>
        %add3A_490 = arith.addf %add3A_476, %mul3A_489 : vector<16xf32>
        %get3A_491 = arith.index_cast %add3A_402 : i32 to index
        %get3A_492 = arith.constant 192 : index
        %get3A_493 = tpu.vector_load %arg8[%get3A_491, %get3A_492] {strides = array<i32>} : memref<240x256xbf16, #tpu.memory_space<vmem>>, vector<32xbf16>,
        %get3A_494 = arith.index_cast %add3A_402 : i32 to index
        %get3A_495 = arith.constant 192 : index
        %get3A_496 = tpu.vector_load %arg9[%get3A_494, %get3A_495] {strides = array<i32>} : memref<240x256xbf16, #tpu.memory_space<vmem>>, vector<32xbf16>,
        %unpack3A_497 = tpu.unpack_subelements %get3A_493, 0 {pack_format = #tpu.pack_format<interleaved>} : vector<32xbf16> -> vector<16xf32>
        %unpack3A_498 = tpu.unpack_subelements %get3A_493, 1 {pack_format = #tpu.pack_format<interleaved>} : vector<32xbf16> -> vector<16xf32>
        %unpack3A_499 = tpu.unpack_subelements %get3A_496, 0 {pack_format = #tpu.pack_format<interleaved>} : vector<32xbf16> -> vector<16xf32>
        %unpack3A_500 = tpu.unpack_subelements %get3A_496, 1 {pack_format = #tpu.pack_format<interleaved>} : vector<32xbf16> -> vector<16xf32>
        %mul3A_501 = arith.mulf %unpack3A_497, %unpack3A_499 : vector<16xf32>
        %add3A_502 = arith.addf %add3A_488, %mul3A_501 : vector<16xf32>
        %mul3A_503 = arith.mulf %unpack3A_498, %unpack3A_500 : vector<16xf32>
        %add3A_504 = arith.addf %add3A_490, %mul3A_503 : vector<16xf32>
        %get3A_505 = arith.index_cast %add3A_402 : i32 to index
        %get3A_506 = arith.constant 224 : index
        %get3A_507 = tpu.vector_load %arg8[%get3A_505, %get3A_506] {strides = array<i32>} : memref<240x256xbf16, #tpu.memory_space<vmem>>, vector<32xbf16>,
        %get3A_508 = arith.index_cast %add3A_402 : i32 to index
        %get3A_509 = arith.constant 224 : index
        %get3A_510 = tpu.vector_load %arg9[%get3A_508, %get3A_509] {strides = array<i32>} : memref<240x256xbf16, #tpu.memory_space<vmem>>, vector<32xbf16>,
        %unpack3A_511 = tpu.unpack_subelements %get3A_507, 0 {pack_format = #tpu.pack_format<interleaved>} : vector<32xbf16> -> vector<16xf32>
        %unpack3A_512 = tpu.unpack_subelements %get3A_507, 1 {pack_format = #tpu.pack_format<interleaved>} : vector<32xbf16> -> vector<16xf32>
        %unpack3A_513 = tpu.unpack_subelements %get3A_510, 0 {pack_format = #tpu.pack_format<interleaved>} : vector<32xbf16> -> vector<16xf32>
        %unpack3A_514 = tpu.unpack_subelements %get3A_510, 1 {pack_format = #tpu.pack_format<interleaved>} : vector<32xbf16> -> vector<16xf32>
        %mul3A_515 = arith.mulf %unpack3A_511, %unpack3A_513 : vector<16xf32>
        %add3A_516 = arith.addf %add3A_502, %mul3A_515 : vector<16xf32>
        %mul3A_517 = arith.mulf %unpack3A_512, %unpack3A_514 : vector<16xf32>
        %add3A_518 = arith.addf %add3A_504, %mul3A_517 : vector<16xf32>
        %add3A_519 = arith.addf %add3A_516, %add3A_518 : vector<16xf32>
        %swap3A_520 = arith.constant 3 : i32
        %swap3A_521 = arith.index_cast %swap3A_520 : i32 to index
        %swap3A_522 = arith.constant 0 : index
        %swap3A_523 = tpu.vector_load %arg11[%swap3A_521, %swap3A_522] {strides = array<i32>} : memref<16x17xf32, #tpu.memory_space<vmem>>, vector<16xf32>,
        tpu.vector_store %arg11[%swap3A_521, %swap3A_522], %add3A_519 {strides = array<i32>} : memref<16x17xf32, #tpu.memory_space<vmem>>, vector<16xf32>,
        %add3A_524 = arith.constant 4 : i32
        %add3A_525 = arith.addi %mul3A_35, %add3A_524 : i32
        %broadcast_in_dim3A_526 = arith.constant 0.000000e+00 : f32
        %broadcast_in_dim3A_527 = vector.broadcast %broadcast_in_dim3A_526 : f32 to vector<16xf32>
        %broadcast_in_dim3A_528 = arith.constant 0.000000e+00 : f32
        %broadcast_in_dim3A_529 = vector.broadcast %broadcast_in_dim3A_528 : f32 to vector<16xf32>
        %get3A_530 = arith.index_cast %add3A_525 : i32 to index
        %get3A_531 = arith.constant 0 : index
        %get3A_532 = tpu.vector_load %arg8[%get3A_530, %get3A_531] {strides = array<i32>} : memref<240x256xbf16, #tpu.memory_space<vmem>>, vector<32xbf16>,
        %get3A_533 = arith.index_cast %add3A_525 : i32 to index
        %get3A_534 = arith.constant 0 : index
        %get3A_535 = tpu.vector_load %arg9[%get3A_533, %get3A_534] {strides = array<i32>} : memref<240x256xbf16, #tpu.memory_space<vmem>>, vector<32xbf16>,
        %unpack3A_536 = tpu.unpack_subelements %get3A_532, 0 {pack_format = #tpu.pack_format<interleaved>} : vector<32xbf16> -> vector<16xf32>
        %unpack3A_537 = tpu.unpack_subelements %get3A_532, 1 {pack_format = #tpu.pack_format<interleaved>} : vector<32xbf16> -> vector<16xf32>
        %unpack3A_538 = tpu.unpack_subelements %get3A_535, 0 {pack_format = #tpu.pack_format<interleaved>} : vector<32xbf16> -> vector<16xf32>
        %unpack3A_539 = tpu.unpack_subelements %get3A_535, 1 {pack_format = #tpu.pack_format<interleaved>} : vector<32xbf16> -> vector<16xf32>
        %mul3A_540 = arith.mulf %unpack3A_536, %unpack3A_538 : vector<16xf32>
        %add3A_541 = arith.addf %broadcast_in_dim3A_527, %mul3A_540 : vector<16xf32>
        %mul3A_542 = arith.mulf %unpack3A_537, %unpack3A_539 : vector<16xf32>
        %add3A_543 = arith.addf %broadcast_in_dim3A_529, %mul3A_542 : vector<16xf32>
        %get3A_544 = arith.index_cast %add3A_525 : i32 to index
        %get3A_545 = arith.constant 32 : index
        %get3A_546 = tpu.vector_load %arg8[%get3A_544, %get3A_545] {strides = array<i32>} : memref<240x256xbf16, #tpu.memory_space<vmem>>, vector<32xbf16>,
        %get3A_547 = arith.index_cast %add3A_525 : i32 to index
        %get3A_548 = arith.constant 32 : index
        %get3A_549 = tpu.vector_load %arg9[%get3A_547, %get3A_548] {strides = array<i32>} : memref<240x256xbf16, #tpu.memory_space<vmem>>, vector<32xbf16>,
        %unpack3A_550 = tpu.unpack_subelements %get3A_546, 0 {pack_format = #tpu.pack_format<interleaved>} : vector<32xbf16> -> vector<16xf32>
        %unpack3A_551 = tpu.unpack_subelements %get3A_546, 1 {pack_format = #tpu.pack_format<interleaved>} : vector<32xbf16> -> vector<16xf32>
        %unpack3A_552 = tpu.unpack_subelements %get3A_549, 0 {pack_format = #tpu.pack_format<interleaved>} : vector<32xbf16> -> vector<16xf32>
        %unpack3A_553 = tpu.unpack_subelements %get3A_549, 1 {pack_format = #tpu.pack_format<interleaved>} : vector<32xbf16> -> vector<16xf32>
        %mul3A_554 = arith.mulf %unpack3A_550, %unpack3A_552 : vector<16xf32>
        %add3A_555 = arith.addf %add3A_541, %mul3A_554 : vector<16xf32>
        %mul3A_556 = arith.mulf %unpack3A_551, %unpack3A_553 : vector<16xf32>
        %add3A_557 = arith.addf %add3A_543, %mul3A_556 : vector<16xf32>
        %get3A_558 = arith.index_cast %add3A_525 : i32 to index
        %get3A_559 = arith.constant 64 : index
        %get3A_560 = tpu.vector_load %arg8[%get3A_558, %get3A_559] {strides = array<i32>} : memref<240x256xbf16, #tpu.memory_space<vmem>>, vector<32xbf16>,
        %get3A_561 = arith.index_cast %add3A_525 : i32 to index
        %get3A_562 = arith.constant 64 : index
        %get3A_563 = tpu.vector_load %arg9[%get3A_561, %get3A_562] {strides = array<i32>} : memref<240x256xbf16, #tpu.memory_space<vmem>>, vector<32xbf16>,
        %unpack3A_564 = tpu.unpack_subelements %get3A_560, 0 {pack_format = #tpu.pack_format<interleaved>} : vector<32xbf16> -> vector<16xf32>
        %unpack3A_565 = tpu.unpack_subelements %get3A_560, 1 {pack_format = #tpu.pack_format<interleaved>} : vector<32xbf16> -> vector<16xf32>
        %unpack3A_566 = tpu.unpack_subelements %get3A_563, 0 {pack_format = #tpu.pack_format<interleaved>} : vector<32xbf16> -> vector<16xf32>
        %unpack3A_567 = tpu.unpack_subelements %get3A_563, 1 {pack_format = #tpu.pack_format<interleaved>} : vector<32xbf16> -> vector<16xf32>
        %mul3A_568 = arith.mulf %unpack3A_564, %unpack3A_566 : vector<16xf32>
        %add3A_569 = arith.addf %add3A_555, %mul3A_568 : vector<16xf32>
        %mul3A_570 = arith.mulf %unpack3A_565, %unpack3A_567 : vector<16xf32>
        %add3A_571 = arith.addf %add3A_557, %mul3A_570 : vector<16xf32>
        %get3A_572 = arith.index_cast %add3A_525 : i32 to index
        %get3A_573 = arith.constant 96 : index
        %get3A_574 = tpu.vector_load %arg8[%get3A_572, %get3A_573] {strides = array<i32>} : memref<240x256xbf16, #tpu.memory_space<vmem>>, vector<32xbf16>,
        %get3A_575 = arith.index_cast %add3A_525 : i32 to index
        %get3A_576 = arith.constant 96 : index
        %get3A_577 = tpu.vector_load %arg9[%get3A_575, %get3A_576] {strides = array<i32>} : memref<240x256xbf16, #tpu.memory_space<vmem>>, vector<32xbf16>,
        %unpack3A_578 = tpu.unpack_subelements %get3A_574, 0 {pack_format = #tpu.pack_format<interleaved>} : vector<32xbf16> -> vector<16xf32>
        %unpack3A_579 = tpu.unpack_subelements %get3A_574, 1 {pack_format = #tpu.pack_format<interleaved>} : vector<32xbf16> -> vector<16xf32>
        %unpack3A_580 = tpu.unpack_subelements %get3A_577, 0 {pack_format = #tpu.pack_format<interleaved>} : vector<32xbf16> -> vector<16xf32>
        %unpack3A_581 = tpu.unpack_subelements %get3A_577, 1 {pack_format = #tpu.pack_format<interleaved>} : vector<32xbf16> -> vector<16xf32>
        %mul3A_582 = arith.mulf %unpack3A_578, %unpack3A_580 : vector<16xf32>
        %add3A_583 = arith.addf %add3A_569, %mul3A_582 : vector<16xf32>
        %mul3A_584 = arith.mulf %unpack3A_579, %unpack3A_581 : vector<16xf32>
        %add3A_585 = arith.addf %add3A_571, %mul3A_584 : vector<16xf32>
        %get3A_586 = arith.index_cast %add3A_525 : i32 to index
        %get3A_587 = arith.constant 128 : index
        %get3A_588 = tpu.vector_load %arg8[%get3A_586, %get3A_587] {strides = array<i32>} : memref<240x256xbf16, #tpu.memory_space<vmem>>, vector<32xbf16>,
        %get3A_589 = arith.index_cast %add3A_525 : i32 to index
        %get3A_590 = arith.constant 128 : index
        %get3A_591 = tpu.vector_load %arg9[%get3A_589, %get3A_590] {strides = array<i32>} : memref<240x256xbf16, #tpu.memory_space<vmem>>, vector<32xbf16>,
        %unpack3A_592 = tpu.unpack_subelements %get3A_588, 0 {pack_format = #tpu.pack_format<interleaved>} : vector<32xbf16> -> vector<16xf32>
        %unpack3A_593 = tpu.unpack_subelements %get3A_588, 1 {pack_format = #tpu.pack_format<interleaved>} : vector<32xbf16> -> vector<16xf32>
        %unpack3A_594 = tpu.unpack_subelements %get3A_591, 0 {pack_format = #tpu.pack_format<interleaved>} : vector<32xbf16> -> vector<16xf32>
        %unpack3A_595 = tpu.unpack_subelements %get3A_591, 1 {pack_format = #tpu.pack_format<interleaved>} : vector<32xbf16> -> vector<16xf32>
        %mul3A_596 = arith.mulf %unpack3A_592, %unpack3A_594 : vector<16xf32>
        %add3A_597 = arith.addf %add3A_583, %mul3A_596 : vector<16xf32>
        %mul3A_598 = arith.mulf %unpack3A_593, %unpack3A_595 : vector<16xf32>
        %add3A_599 = arith.addf %add3A_585, %mul3A_598 : vector<16xf32>
        %get3A_600 = arith.index_cast %add3A_525 : i32 to index
        %get3A_601 = arith.constant 160 : index
        %get3A_602 = tpu.vector_load %arg8[%get3A_600, %get3A_601] {strides = array<i32>} : memref<240x256xbf16, #tpu.memory_space<vmem>>, vector<32xbf16>,
        %get3A_603 = arith.index_cast %add3A_525 : i32 to index
        %get3A_604 = arith.constant 160 : index
        %get3A_605 = tpu.vector_load %arg9[%get3A_603, %get3A_604] {strides = array<i32>} : memref<240x256xbf16, #tpu.memory_space<vmem>>, vector<32xbf16>,
        %unpack3A_606 = tpu.unpack_subelements %get3A_602, 0 {pack_format = #tpu.pack_format<interleaved>} : vector<32xbf16> -> vector<16xf32>
        %unpack3A_607 = tpu.unpack_subelements %get3A_602, 1 {pack_format = #tpu.pack_format<interleaved>} : vector<32xbf16> -> vector<16xf32>
        %unpack3A_608 = tpu.unpack_subelements %get3A_605, 0 {pack_format = #tpu.pack_format<interleaved>} : vector<32xbf16> -> vector<16xf32>
        %unpack3A_609 = tpu.unpack_subelements %get3A_605, 1 {pack_format = #tpu.pack_format<interleaved>} : vector<32xbf16> -> vector<16xf32>
        %mul3A_610 = arith.mulf %unpack3A_606, %unpack3A_608 : vector<16xf32>
        %add3A_611 = arith.addf %add3A_597, %mul3A_610 : vector<16xf32>
        %mul3A_612 = arith.mulf %unpack3A_607, %unpack3A_609 : vector<16xf32>
        %add3A_613 = arith.addf %add3A_599, %mul3A_612 : vector<16xf32>
        %get3A_614 = arith.index_cast %add3A_525 : i32 to index
        %get3A_615 = arith.constant 192 : index
        %get3A_616 = tpu.vector_load %arg8[%get3A_614, %get3A_615] {strides = array<i32>} : memref<240x256xbf16, #tpu.memory_space<vmem>>, vector<32xbf16>,
        %get3A_617 = arith.index_cast %add3A_525 : i32 to index
        %get3A_618 = arith.constant 192 : index
        %get3A_619 = tpu.vector_load %arg9[%get3A_617, %get3A_618] {strides = array<i32>} : memref<240x256xbf16, #tpu.memory_space<vmem>>, vector<32xbf16>,
        %unpack3A_620 = tpu.unpack_subelements %get3A_616, 0 {pack_format = #tpu.pack_format<interleaved>} : vector<32xbf16> -> vector<16xf32>
        %unpack3A_621 = tpu.unpack_subelements %get3A_616, 1 {pack_format = #tpu.pack_format<interleaved>} : vector<32xbf16> -> vector<16xf32>
        %unpack3A_622 = tpu.unpack_subelements %get3A_619, 0 {pack_format = #tpu.pack_format<interleaved>} : vector<32xbf16> -> vector<16xf32>
        %unpack3A_623 = tpu.unpack_subelements %get3A_619, 1 {pack_format = #tpu.pack_format<interleaved>} : vector<32xbf16> -> vector<16xf32>
        %mul3A_624 = arith.mulf %unpack3A_620, %unpack3A_622 : vector<16xf32>
        %add3A_625 = arith.addf %add3A_611, %mul3A_624 : vector<16xf32>
        %mul3A_626 = arith.mulf %unpack3A_621, %unpack3A_623 : vector<16xf32>
        %add3A_627 = arith.addf %add3A_613, %mul3A_626 : vector<16xf32>
        %get3A_628 = arith.index_cast %add3A_525 : i32 to index
        %get3A_629 = arith.constant 224 : index
        %get3A_630 = tpu.vector_load %arg8[%get3A_628, %get3A_629] {strides = array<i32>} : memref<240x256xbf16, #tpu.memory_space<vmem>>, vector<32xbf16>,
        %get3A_631 = arith.index_cast %add3A_525 : i32 to index
        %get3A_632 = arith.constant 224 : index
        %get3A_633 = tpu.vector_load %arg9[%get3A_631, %get3A_632] {strides = array<i32>} : memref<240x256xbf16, #tpu.memory_space<vmem>>, vector<32xbf16>,
        %unpack3A_634 = tpu.unpack_subelements %get3A_630, 0 {pack_format = #tpu.pack_format<interleaved>} : vector<32xbf16> -> vector<16xf32>
        %unpack3A_635 = tpu.unpack_subelements %get3A_630, 1 {pack_format = #tpu.pack_format<interleaved>} : vector<32xbf16> -> vector<16xf32>
        %unpack3A_636 = tpu.unpack_subelements %get3A_633, 0 {pack_format = #tpu.pack_format<interleaved>} : vector<32xbf16> -> vector<16xf32>
        %unpack3A_637 = tpu.unpack_subelements %get3A_633, 1 {pack_format = #tpu.pack_format<interleaved>} : vector<32xbf16> -> vector<16xf32>
        %mul3A_638 = arith.mulf %unpack3A_634, %unpack3A_636 : vector<16xf32>
        %add3A_639 = arith.addf %add3A_625, %mul3A_638 : vector<16xf32>
        %mul3A_640 = arith.mulf %unpack3A_635, %unpack3A_637 : vector<16xf32>
        %add3A_641 = arith.addf %add3A_627, %mul3A_640 : vector<16xf32>
        %add3A_642 = arith.addf %add3A_639, %add3A_641 : vector<16xf32>
        %swap3A_643 = arith.constant 4 : i32
        %swap3A_644 = arith.index_cast %swap3A_643 : i32 to index
        %swap3A_645 = arith.constant 0 : index
        %swap3A_646 = tpu.vector_load %arg11[%swap3A_644, %swap3A_645] {strides = array<i32>} : memref<16x17xf32, #tpu.memory_space<vmem>>, vector<16xf32>,
        tpu.vector_store %arg11[%swap3A_644, %swap3A_645], %add3A_642 {strides = array<i32>} : memref<16x17xf32, #tpu.memory_space<vmem>>, vector<16xf32>,
        %add3A_647 = arith.constant 5 : i32
        %add3A_648 = arith.addi %mul3A_35, %add3A_647 : i32
        %broadcast_in_dim3A_649 = arith.constant 0.000000e+00 : f32
        %broadcast_in_dim3A_650 = vector.broadcast %broadcast_in_dim3A_649 : f32 to vector<16xf32>
        %broadcast_in_dim3A_651 = arith.constant 0.000000e+00 : f32
        %broadcast_in_dim3A_652 = vector.broadcast %broadcast_in_dim3A_651 : f32 to vector<16xf32>
        %get3A_653 = arith.index_cast %add3A_648 : i32 to index
        %get3A_654 = arith.constant 0 : index
        %get3A_655 = tpu.vector_load %arg8[%get3A_653, %get3A_654] {strides = array<i32>} : memref<240x256xbf16, #tpu.memory_space<vmem>>, vector<32xbf16>,
        %get3A_656 = arith.index_cast %add3A_648 : i32 to index
        %get3A_657 = arith.constant 0 : index
        %get3A_658 = tpu.vector_load %arg9[%get3A_656, %get3A_657] {strides = array<i32>} : memref<240x256xbf16, #tpu.memory_space<vmem>>, vector<32xbf16>,
        %unpack3A_659 = tpu.unpack_subelements %get3A_655, 0 {pack_format = #tpu.pack_format<interleaved>} : vector<32xbf16> -> vector<16xf32>
        %unpack3A_660 = tpu.unpack_subelements %get3A_655, 1 {pack_format = #tpu.pack_format<interleaved>} : vector<32xbf16> -> vector<16xf32>
        %unpack3A_661 = tpu.unpack_subelements %get3A_658, 0 {pack_format = #tpu.pack_format<interleaved>} : vector<32xbf16> -> vector<16xf32>
        %unpack3A_662 = tpu.unpack_subelements %get3A_658, 1 {pack_format = #tpu.pack_format<interleaved>} : vector<32xbf16> -> vector<16xf32>
        %mul3A_663 = arith.mulf %unpack3A_659, %unpack3A_661 : vector<16xf32>
        %add3A_664 = arith.addf %broadcast_in_dim3A_650, %mul3A_663 : vector<16xf32>
        %mul3A_665 = arith.mulf %unpack3A_660, %unpack3A_662 : vector<16xf32>
        %add3A_666 = arith.addf %broadcast_in_dim3A_652, %mul3A_665 : vector<16xf32>
        %get3A_667 = arith.index_cast %add3A_648 : i32 to index
        %get3A_668 = arith.constant 32 : index
        %get3A_669 = tpu.vector_load %arg8[%get3A_667, %get3A_668] {strides = array<i32>} : memref<240x256xbf16, #tpu.memory_space<vmem>>, vector<32xbf16>,
        %get3A_670 = arith.index_cast %add3A_648 : i32 to index
        %get3A_671 = arith.constant 32 : index
        %get3A_672 = tpu.vector_load %arg9[%get3A_670, %get3A_671] {strides = array<i32>} : memref<240x256xbf16, #tpu.memory_space<vmem>>, vector<32xbf16>,
        %unpack3A_673 = tpu.unpack_subelements %get3A_669, 0 {pack_format = #tpu.pack_format<interleaved>} : vector<32xbf16> -> vector<16xf32>
        %unpack3A_674 = tpu.unpack_subelements %get3A_669, 1 {pack_format = #tpu.pack_format<interleaved>} : vector<32xbf16> -> vector<16xf32>
        %unpack3A_675 = tpu.unpack_subelements %get3A_672, 0 {pack_format = #tpu.pack_format<interleaved>} : vector<32xbf16> -> vector<16xf32>
        %unpack3A_676 = tpu.unpack_subelements %get3A_672, 1 {pack_format = #tpu.pack_format<interleaved>} : vector<32xbf16> -> vector<16xf32>
        %mul3A_677 = arith.mulf %unpack3A_673, %unpack3A_675 : vector<16xf32>
        %add3A_678 = arith.addf %add3A_664, %mul3A_677 : vector<16xf32>
        %mul3A_679 = arith.mulf %unpack3A_674, %unpack3A_676 : vector<16xf32>
        %add3A_680 = arith.addf %add3A_666, %mul3A_679 : vector<16xf32>
        %get3A_681 = arith.index_cast %add3A_648 : i32 to index
        %get3A_682 = arith.constant 64 : index
        %get3A_683 = tpu.vector_load %arg8[%get3A_681, %get3A_682] {strides = array<i32>} : memref<240x256xbf16, #tpu.memory_space<vmem>>, vector<32xbf16>,
        %get3A_684 = arith.index_cast %add3A_648 : i32 to index
        %get3A_685 = arith.constant 64 : index
        %get3A_686 = tpu.vector_load %arg9[%get3A_684, %get3A_685] {strides = array<i32>} : memref<240x256xbf16, #tpu.memory_space<vmem>>, vector<32xbf16>,
        %unpack3A_687 = tpu.unpack_subelements %get3A_683, 0 {pack_format = #tpu.pack_format<interleaved>} : vector<32xbf16> -> vector<16xf32>
        %unpack3A_688 = tpu.unpack_subelements %get3A_683, 1 {pack_format = #tpu.pack_format<interleaved>} : vector<32xbf16> -> vector<16xf32>
        %unpack3A_689 = tpu.unpack_subelements %get3A_686, 0 {pack_format = #tpu.pack_format<interleaved>} : vector<32xbf16> -> vector<16xf32>
        %unpack3A_690 = tpu.unpack_subelements %get3A_686, 1 {pack_format = #tpu.pack_format<interleaved>} : vector<32xbf16> -> vector<16xf32>
        %mul3A_691 = arith.mulf %unpack3A_687, %unpack3A_689 : vector<16xf32>
        %add3A_692 = arith.addf %add3A_678, %mul3A_691 : vector<16xf32>
        %mul3A_693 = arith.mulf %unpack3A_688, %unpack3A_690 : vector<16xf32>
        %add3A_694 = arith.addf %add3A_680, %mul3A_693 : vector<16xf32>
        %get3A_695 = arith.index_cast %add3A_648 : i32 to index
        %get3A_696 = arith.constant 96 : index
        %get3A_697 = tpu.vector_load %arg8[%get3A_695, %get3A_696] {strides = array<i32>} : memref<240x256xbf16, #tpu.memory_space<vmem>>, vector<32xbf16>,
        %get3A_698 = arith.index_cast %add3A_648 : i32 to index
        %get3A_699 = arith.constant 96 : index
        %get3A_700 = tpu.vector_load %arg9[%get3A_698, %get3A_699] {strides = array<i32>} : memref<240x256xbf16, #tpu.memory_space<vmem>>, vector<32xbf16>,
        %unpack3A_701 = tpu.unpack_subelements %get3A_697, 0 {pack_format = #tpu.pack_format<interleaved>} : vector<32xbf16> -> vector<16xf32>
        %unpack3A_702 = tpu.unpack_subelements %get3A_697, 1 {pack_format = #tpu.pack_format<interleaved>} : vector<32xbf16> -> vector<16xf32>
        %unpack3A_703 = tpu.unpack_subelements %get3A_700, 0 {pack_format = #tpu.pack_format<interleaved>} : vector<32xbf16> -> vector<16xf32>
        %unpack3A_704 = tpu.unpack_subelements %get3A_700, 1 {pack_format = #tpu.pack_format<interleaved>} : vector<32xbf16> -> vector<16xf32>
        %mul3A_705 = arith.mulf %unpack3A_701, %unpack3A_703 : vector<16xf32>
        %add3A_706 = arith.addf %add3A_692, %mul3A_705 : vector<16xf32>
        %mul3A_707 = arith.mulf %unpack3A_702, %unpack3A_704 : vector<16xf32>
        %add3A_708 = arith.addf %add3A_694, %mul3A_707 : vector<16xf32>
        %get3A_709 = arith.index_cast %add3A_648 : i32 to index
        %get3A_710 = arith.constant 128 : index
        %get3A_711 = tpu.vector_load %arg8[%get3A_709, %get3A_710] {strides = array<i32>} : memref<240x256xbf16, #tpu.memory_space<vmem>>, vector<32xbf16>,
        %get3A_712 = arith.index_cast %add3A_648 : i32 to index
        %get3A_713 = arith.constant 128 : index
        %get3A_714 = tpu.vector_load %arg9[%get3A_712, %get3A_713] {strides = array<i32>} : memref<240x256xbf16, #tpu.memory_space<vmem>>, vector<32xbf16>,
        %unpack3A_715 = tpu.unpack_subelements %get3A_711, 0 {pack_format = #tpu.pack_format<interleaved>} : vector<32xbf16> -> vector<16xf32>
        %unpack3A_716 = tpu.unpack_subelements %get3A_711, 1 {pack_format = #tpu.pack_format<interleaved>} : vector<32xbf16> -> vector<16xf32>
        %unpack3A_717 = tpu.unpack_subelements %get3A_714, 0 {pack_format = #tpu.pack_format<interleaved>} : vector<32xbf16> -> vector<16xf32>
        %unpack3A_718 = tpu.unpack_subelements %get3A_714, 1 {pack_format = #tpu.pack_format<interleaved>} : vector<32xbf16> -> vector<16xf32>
        %mul3A_719 = arith.mulf %unpack3A_715, %unpack3A_717 : vector<16xf32>
        %add3A_720 = arith.addf %add3A_706, %mul3A_719 : vector<16xf32>
        %mul3A_721 = arith.mulf %unpack3A_716, %unpack3A_718 : vector<16xf32>
        %add3A_722 = arith.addf %add3A_708, %mul3A_721 : vector<16xf32>
        %get3A_723 = arith.index_cast %add3A_648 : i32 to index
        %get3A_724 = arith.constant 160 : index
        %get3A_725 = tpu.vector_load %arg8[%get3A_723, %get3A_724] {strides = array<i32>} : memref<240x256xbf16, #tpu.memory_space<vmem>>, vector<32xbf16>,
        %get3A_726 = arith.index_cast %add3A_648 : i32 to index
        %get3A_727 = arith.constant 160 : index
        %get3A_728 = tpu.vector_load %arg9[%get3A_726, %get3A_727] {strides = array<i32>} : memref<240x256xbf16, #tpu.memory_space<vmem>>, vector<32xbf16>,
        %unpack3A_729 = tpu.unpack_subelements %get3A_725, 0 {pack_format = #tpu.pack_format<interleaved>} : vector<32xbf16> -> vector<16xf32>
        %unpack3A_730 = tpu.unpack_subelements %get3A_725, 1 {pack_format = #tpu.pack_format<interleaved>} : vector<32xbf16> -> vector<16xf32>
        %unpack3A_731 = tpu.unpack_subelements %get3A_728, 0 {pack_format = #tpu.pack_format<interleaved>} : vector<32xbf16> -> vector<16xf32>
        %unpack3A_732 = tpu.unpack_subelements %get3A_728, 1 {pack_format = #tpu.pack_format<interleaved>} : vector<32xbf16> -> vector<16xf32>
        %mul3A_733 = arith.mulf %unpack3A_729, %unpack3A_731 : vector<16xf32>
        %add3A_734 = arith.addf %add3A_720, %mul3A_733 : vector<16xf32>
        %mul3A_735 = arith.mulf %unpack3A_730, %unpack3A_732 : vector<16xf32>
        %add3A_736 = arith.addf %add3A_722, %mul3A_735 : vector<16xf32>
        %get3A_737 = arith.index_cast %add3A_648 : i32 to index
        %get3A_738 = arith.constant 192 : index
        %get3A_739 = tpu.vector_load %arg8[%get3A_737, %get3A_738] {strides = array<i32>} : memref<240x256xbf16, #tpu.memory_space<vmem>>, vector<32xbf16>,
        %get3A_740 = arith.index_cast %add3A_648 : i32 to index
        %get3A_741 = arith.constant 192 : index
        %get3A_742 = tpu.vector_load %arg9[%get3A_740, %get3A_741] {strides = array<i32>} : memref<240x256xbf16, #tpu.memory_space<vmem>>, vector<32xbf16>,
        %unpack3A_743 = tpu.unpack_subelements %get3A_739, 0 {pack_format = #tpu.pack_format<interleaved>} : vector<32xbf16> -> vector<16xf32>
        %unpack3A_744 = tpu.unpack_subelements %get3A_739, 1 {pack_format = #tpu.pack_format<interleaved>} : vector<32xbf16> -> vector<16xf32>
        %unpack3A_745 = tpu.unpack_subelements %get3A_742, 0 {pack_format = #tpu.pack_format<interleaved>} : vector<32xbf16> -> vector<16xf32>
        %unpack3A_746 = tpu.unpack_subelements %get3A_742, 1 {pack_format = #tpu.pack_format<interleaved>} : vector<32xbf16> -> vector<16xf32>
        %mul3A_747 = arith.mulf %unpack3A_743, %unpack3A_745 : vector<16xf32>
        %add3A_748 = arith.addf %add3A_734, %mul3A_747 : vector<16xf32>
        %mul3A_749 = arith.mulf %unpack3A_744, %unpack3A_746 : vector<16xf32>
        %add3A_750 = arith.addf %add3A_736, %mul3A_749 : vector<16xf32>
        %get3A_751 = arith.index_cast %add3A_648 : i32 to index
        %get3A_752 = arith.constant 224 : index
        %get3A_753 = tpu.vector_load %arg8[%get3A_751, %get3A_752] {strides = array<i32>} : memref<240x256xbf16, #tpu.memory_space<vmem>>, vector<32xbf16>,
        %get3A_754 = arith.index_cast %add3A_648 : i32 to index
        %get3A_755 = arith.constant 224 : index
        %get3A_756 = tpu.vector_load %arg9[%get3A_754, %get3A_755] {strides = array<i32>} : memref<240x256xbf16, #tpu.memory_space<vmem>>, vector<32xbf16>,
        %unpack3A_757 = tpu.unpack_subelements %get3A_753, 0 {pack_format = #tpu.pack_format<interleaved>} : vector<32xbf16> -> vector<16xf32>
        %unpack3A_758 = tpu.unpack_subelements %get3A_753, 1 {pack_format = #tpu.pack_format<interleaved>} : vector<32xbf16> -> vector<16xf32>
        %unpack3A_759 = tpu.unpack_subelements %get3A_756, 0 {pack_format = #tpu.pack_format<interleaved>} : vector<32xbf16> -> vector<16xf32>
        %unpack3A_760 = tpu.unpack_subelements %get3A_756, 1 {pack_format = #tpu.pack_format<interleaved>} : vector<32xbf16> -> vector<16xf32>
        %mul3A_761 = arith.mulf %unpack3A_757, %unpack3A_759 : vector<16xf32>
        %add3A_762 = arith.addf %add3A_748, %mul3A_761 : vector<16xf32>
        %mul3A_763 = arith.mulf %unpack3A_758, %unpack3A_760 : vector<16xf32>
        %add3A_764 = arith.addf %add3A_750, %mul3A_763 : vector<16xf32>
        %add3A_765 = arith.addf %add3A_762, %add3A_764 : vector<16xf32>
        %swap3A_766 = arith.constant 5 : i32
        %swap3A_767 = arith.index_cast %swap3A_766 : i32 to index
        %swap3A_768 = arith.constant 0 : index
        %swap3A_769 = tpu.vector_load %arg11[%swap3A_767, %swap3A_768] {strides = array<i32>} : memref<16x17xf32, #tpu.memory_space<vmem>>, vector<16xf32>,
        tpu.vector_store %arg11[%swap3A_767, %swap3A_768], %add3A_765 {strides = array<i32>} : memref<16x17xf32, #tpu.memory_space<vmem>>, vector<16xf32>,
        %add3A_770 = arith.constant 6 : i32
        %add3A_771 = arith.addi %mul3A_35, %add3A_770 : i32
        %broadcast_in_dim3A_772 = arith.constant 0.000000e+00 : f32
        %broadcast_in_dim3A_773 = vector.broadcast %broadcast_in_dim3A_772 : f32 to vector<16xf32>
        %broadcast_in_dim3A_774 = arith.constant 0.000000e+00 : f32
        %broadcast_in_dim3A_775 = vector.broadcast %broadcast_in_dim3A_774 : f32 to vector<16xf32>
        %get3A_776 = arith.index_cast %add3A_771 : i32 to index
        %get3A_777 = arith.constant 0 : index
        %get3A_778 = tpu.vector_load %arg8[%get3A_776, %get3A_777] {strides = array<i32>} : memref<240x256xbf16, #tpu.memory_space<vmem>>, vector<32xbf16>,
        %get3A_779 = arith.index_cast %add3A_771 : i32 to index
        %get3A_780 = arith.constant 0 : index
        %get3A_781 = tpu.vector_load %arg9[%get3A_779, %get3A_780] {strides = array<i32>} : memref<240x256xbf16, #tpu.memory_space<vmem>>, vector<32xbf16>,
        %unpack3A_782 = tpu.unpack_subelements %get3A_778, 0 {pack_format = #tpu.pack_format<interleaved>} : vector<32xbf16> -> vector<16xf32>
        %unpack3A_783 = tpu.unpack_subelements %get3A_778, 1 {pack_format = #tpu.pack_format<interleaved>} : vector<32xbf16> -> vector<16xf32>
        %unpack3A_784 = tpu.unpack_subelements %get3A_781, 0 {pack_format = #tpu.pack_format<interleaved>} : vector<32xbf16> -> vector<16xf32>
        %unpack3A_785 = tpu.unpack_subelements %get3A_781, 1 {pack_format = #tpu.pack_format<interleaved>} : vector<32xbf16> -> vector<16xf32>
        %mul3A_786 = arith.mulf %unpack3A_782, %unpack3A_784 : vector<16xf32>
        %add3A_787 = arith.addf %broadcast_in_dim3A_773, %mul3A_786 : vector<16xf32>
        %mul3A_788 = arith.mulf %unpack3A_783, %unpack3A_785 : vector<16xf32>
        %add3A_789 = arith.addf %broadcast_in_dim3A_775, %mul3A_788 : vector<16xf32>
        %get3A_790 = arith.index_cast %add3A_771 : i32 to index
        %get3A_791 = arith.constant 32 : index
        %get3A_792 = tpu.vector_load %arg8[%get3A_790, %get3A_791] {strides = array<i32>} : memref<240x256xbf16, #tpu.memory_space<vmem>>, vector<32xbf16>,
        %get3A_793 = arith.index_cast %add3A_771 : i32 to index
        %get3A_794 = arith.constant 32 : index
        %get3A_795 = tpu.vector_load %arg9[%get3A_793, %get3A_794] {strides = array<i32>} : memref<240x256xbf16, #tpu.memory_space<vmem>>, vector<32xbf16>,
        %unpack3A_796 = tpu.unpack_subelements %get3A_792, 0 {pack_format = #tpu.pack_format<interleaved>} : vector<32xbf16> -> vector<16xf32>
        %unpack3A_797 = tpu.unpack_subelements %get3A_792, 1 {pack_format = #tpu.pack_format<interleaved>} : vector<32xbf16> -> vector<16xf32>
        %unpack3A_798 = tpu.unpack_subelements %get3A_795, 0 {pack_format = #tpu.pack_format<interleaved>} : vector<32xbf16> -> vector<16xf32>
        %unpack3A_799 = tpu.unpack_subelements %get3A_795, 1 {pack_format = #tpu.pack_format<interleaved>} : vector<32xbf16> -> vector<16xf32>
        %mul3A_800 = arith.mulf %unpack3A_796, %unpack3A_798 : vector<16xf32>
        %add3A_801 = arith.addf %add3A_787, %mul3A_800 : vector<16xf32>
        %mul3A_802 = arith.mulf %unpack3A_797, %unpack3A_799 : vector<16xf32>
        %add3A_803 = arith.addf %add3A_789, %mul3A_802 : vector<16xf32>
        %get3A_804 = arith.index_cast %add3A_771 : i32 to index
        %get3A_805 = arith.constant 64 : index
        %get3A_806 = tpu.vector_load %arg8[%get3A_804, %get3A_805] {strides = array<i32>} : memref<240x256xbf16, #tpu.memory_space<vmem>>, vector<32xbf16>,
        %get3A_807 = arith.index_cast %add3A_771 : i32 to index
        %get3A_808 = arith.constant 64 : index
        %get3A_809 = tpu.vector_load %arg9[%get3A_807, %get3A_808] {strides = array<i32>} : memref<240x256xbf16, #tpu.memory_space<vmem>>, vector<32xbf16>,
        %unpack3A_810 = tpu.unpack_subelements %get3A_806, 0 {pack_format = #tpu.pack_format<interleaved>} : vector<32xbf16> -> vector<16xf32>
        %unpack3A_811 = tpu.unpack_subelements %get3A_806, 1 {pack_format = #tpu.pack_format<interleaved>} : vector<32xbf16> -> vector<16xf32>
        %unpack3A_812 = tpu.unpack_subelements %get3A_809, 0 {pack_format = #tpu.pack_format<interleaved>} : vector<32xbf16> -> vector<16xf32>
        %unpack3A_813 = tpu.unpack_subelements %get3A_809, 1 {pack_format = #tpu.pack_format<interleaved>} : vector<32xbf16> -> vector<16xf32>
        %mul3A_814 = arith.mulf %unpack3A_810, %unpack3A_812 : vector<16xf32>
        %add3A_815 = arith.addf %add3A_801, %mul3A_814 : vector<16xf32>
        %mul3A_816 = arith.mulf %unpack3A_811, %unpack3A_813 : vector<16xf32>
        %add3A_817 = arith.addf %add3A_803, %mul3A_816 : vector<16xf32>
        %get3A_818 = arith.index_cast %add3A_771 : i32 to index
        %get3A_819 = arith.constant 96 : index
        %get3A_820 = tpu.vector_load %arg8[%get3A_818, %get3A_819] {strides = array<i32>} : memref<240x256xbf16, #tpu.memory_space<vmem>>, vector<32xbf16>,
        %get3A_821 = arith.index_cast %add3A_771 : i32 to index
        %get3A_822 = arith.constant 96 : index
        %get3A_823 = tpu.vector_load %arg9[%get3A_821, %get3A_822] {strides = array<i32>} : memref<240x256xbf16, #tpu.memory_space<vmem>>, vector<32xbf16>,
        %unpack3A_824 = tpu.unpack_subelements %get3A_820, 0 {pack_format = #tpu.pack_format<interleaved>} : vector<32xbf16> -> vector<16xf32>
        %unpack3A_825 = tpu.unpack_subelements %get3A_820, 1 {pack_format = #tpu.pack_format<interleaved>} : vector<32xbf16> -> vector<16xf32>
        %unpack3A_826 = tpu.unpack_subelements %get3A_823, 0 {pack_format = #tpu.pack_format<interleaved>} : vector<32xbf16> -> vector<16xf32>
        %unpack3A_827 = tpu.unpack_subelements %get3A_823, 1 {pack_format = #tpu.pack_format<interleaved>} : vector<32xbf16> -> vector<16xf32>
        %mul3A_828 = arith.mulf %unpack3A_824, %unpack3A_826 : vector<16xf32>
        %add3A_829 = arith.addf %add3A_815, %mul3A_828 : vector<16xf32>
        %mul3A_830 = arith.mulf %unpack3A_825, %unpack3A_827 : vector<16xf32>
        %add3A_831 = arith.addf %add3A_817, %mul3A_830 : vector<16xf32>
        %get3A_832 = arith.index_cast %add3A_771 : i32 to index
        %get3A_833 = arith.constant 128 : index
        %get3A_834 = tpu.vector_load %arg8[%get3A_832, %get3A_833] {strides = array<i32>} : memref<240x256xbf16, #tpu.memory_space<vmem>>, vector<32xbf16>,
        %get3A_835 = arith.index_cast %add3A_771 : i32 to index
        %get3A_836 = arith.constant 128 : index
        %get3A_837 = tpu.vector_load %arg9[%get3A_835, %get3A_836] {strides = array<i32>} : memref<240x256xbf16, #tpu.memory_space<vmem>>, vector<32xbf16>,
        %unpack3A_838 = tpu.unpack_subelements %get3A_834, 0 {pack_format = #tpu.pack_format<interleaved>} : vector<32xbf16> -> vector<16xf32>
        %unpack3A_839 = tpu.unpack_subelements %get3A_834, 1 {pack_format = #tpu.pack_format<interleaved>} : vector<32xbf16> -> vector<16xf32>
        %unpack3A_840 = tpu.unpack_subelements %get3A_837, 0 {pack_format = #tpu.pack_format<interleaved>} : vector<32xbf16> -> vector<16xf32>
        %unpack3A_841 = tpu.unpack_subelements %get3A_837, 1 {pack_format = #tpu.pack_format<interleaved>} : vector<32xbf16> -> vector<16xf32>
        %mul3A_842 = arith.mulf %unpack3A_838, %unpack3A_840 : vector<16xf32>
        %add3A_843 = arith.addf %add3A_829, %mul3A_842 : vector<16xf32>
        %mul3A_844 = arith.mulf %unpack3A_839, %unpack3A_841 : vector<16xf32>
        %add3A_845 = arith.addf %add3A_831, %mul3A_844 : vector<16xf32>
        %get3A_846 = arith.index_cast %add3A_771 : i32 to index
        %get3A_847 = arith.constant 160 : index
        %get3A_848 = tpu.vector_load %arg8[%get3A_846, %get3A_847] {strides = array<i32>} : memref<240x256xbf16, #tpu.memory_space<vmem>>, vector<32xbf16>,
        %get3A_849 = arith.index_cast %add3A_771 : i32 to index
        %get3A_850 = arith.constant 160 : index
        %get3A_851 = tpu.vector_load %arg9[%get3A_849, %get3A_850] {strides = array<i32>} : memref<240x256xbf16, #tpu.memory_space<vmem>>, vector<32xbf16>,
        %unpack3A_852 = tpu.unpack_subelements %get3A_848, 0 {pack_format = #tpu.pack_format<interleaved>} : vector<32xbf16> -> vector<16xf32>
        %unpack3A_853 = tpu.unpack_subelements %get3A_848, 1 {pack_format = #tpu.pack_format<interleaved>} : vector<32xbf16> -> vector<16xf32>
        %unpack3A_854 = tpu.unpack_subelements %get3A_851, 0 {pack_format = #tpu.pack_format<interleaved>} : vector<32xbf16> -> vector<16xf32>
        %unpack3A_855 = tpu.unpack_subelements %get3A_851, 1 {pack_format = #tpu.pack_format<interleaved>} : vector<32xbf16> -> vector<16xf32>
        %mul3A_856 = arith.mulf %unpack3A_852, %unpack3A_854 : vector<16xf32>
        %add3A_857 = arith.addf %add3A_843, %mul3A_856 : vector<16xf32>
        %mul3A_858 = arith.mulf %unpack3A_853, %unpack3A_855 : vector<16xf32>
        %add3A_859 = arith.addf %add3A_845, %mul3A_858 : vector<16xf32>
        %get3A_860 = arith.index_cast %add3A_771 : i32 to index
        %get3A_861 = arith.constant 192 : index
        %get3A_862 = tpu.vector_load %arg8[%get3A_860, %get3A_861] {strides = array<i32>} : memref<240x256xbf16, #tpu.memory_space<vmem>>, vector<32xbf16>,
        %get3A_863 = arith.index_cast %add3A_771 : i32 to index
        %get3A_864 = arith.constant 192 : index
        %get3A_865 = tpu.vector_load %arg9[%get3A_863, %get3A_864] {strides = array<i32>} : memref<240x256xbf16, #tpu.memory_space<vmem>>, vector<32xbf16>,
        %unpack3A_866 = tpu.unpack_subelements %get3A_862, 0 {pack_format = #tpu.pack_format<interleaved>} : vector<32xbf16> -> vector<16xf32>
        %unpack3A_867 = tpu.unpack_subelements %get3A_862, 1 {pack_format = #tpu.pack_format<interleaved>} : vector<32xbf16> -> vector<16xf32>
        %unpack3A_868 = tpu.unpack_subelements %get3A_865, 0 {pack_format = #tpu.pack_format<interleaved>} : vector<32xbf16> -> vector<16xf32>
        %unpack3A_869 = tpu.unpack_subelements %get3A_865, 1 {pack_format = #tpu.pack_format<interleaved>} : vector<32xbf16> -> vector<16xf32>
        %mul3A_870 = arith.mulf %unpack3A_866, %unpack3A_868 : vector<16xf32>
        %add3A_871 = arith.addf %add3A_857, %mul3A_870 : vector<16xf32>
        %mul3A_872 = arith.mulf %unpack3A_867, %unpack3A_869 : vector<16xf32>
        %add3A_873 = arith.addf %add3A_859, %mul3A_872 : vector<16xf32>
        %get3A_874 = arith.index_cast %add3A_771 : i32 to index
        %get3A_875 = arith.constant 224 : index
        %get3A_876 = tpu.vector_load %arg8[%get3A_874, %get3A_875] {strides = array<i32>} : memref<240x256xbf16, #tpu.memory_space<vmem>>, vector<32xbf16>,
        %get3A_877 = arith.index_cast %add3A_771 : i32 to index
        %get3A_878 = arith.constant 224 : index
        %get3A_879 = tpu.vector_load %arg9[%get3A_877, %get3A_878] {strides = array<i32>} : memref<240x256xbf16, #tpu.memory_space<vmem>>, vector<32xbf16>,
        %unpack3A_880 = tpu.unpack_subelements %get3A_876, 0 {pack_format = #tpu.pack_format<interleaved>} : vector<32xbf16> -> vector<16xf32>
        %unpack3A_881 = tpu.unpack_subelements %get3A_876, 1 {pack_format = #tpu.pack_format<interleaved>} : vector<32xbf16> -> vector<16xf32>
        %unpack3A_882 = tpu.unpack_subelements %get3A_879, 0 {pack_format = #tpu.pack_format<interleaved>} : vector<32xbf16> -> vector<16xf32>
        %unpack3A_883 = tpu.unpack_subelements %get3A_879, 1 {pack_format = #tpu.pack_format<interleaved>} : vector<32xbf16> -> vector<16xf32>
        %mul3A_884 = arith.mulf %unpack3A_880, %unpack3A_882 : vector<16xf32>
        %add3A_885 = arith.addf %add3A_871, %mul3A_884 : vector<16xf32>
        %mul3A_886 = arith.mulf %unpack3A_881, %unpack3A_883 : vector<16xf32>
        %add3A_887 = arith.addf %add3A_873, %mul3A_886 : vector<16xf32>
        %add3A_888 = arith.addf %add3A_885, %add3A_887 : vector<16xf32>
        %swap3A_889 = arith.constant 6 : i32
        %swap3A_890 = arith.index_cast %swap3A_889 : i32 to index
        %swap3A_891 = arith.constant 0 : index
        %swap3A_892 = tpu.vector_load %arg11[%swap3A_890, %swap3A_891] {strides = array<i32>} : memref<16x17xf32, #tpu.memory_space<vmem>>, vector<16xf32>,
        tpu.vector_store %arg11[%swap3A_890, %swap3A_891], %add3A_888 {strides = array<i32>} : memref<16x17xf32, #tpu.memory_space<vmem>>, vector<16xf32>,
        %add3A_893 = arith.constant 7 : i32
        %add3A_894 = arith.addi %mul3A_35, %add3A_893 : i32
        %broadcast_in_dim3A_895 = arith.constant 0.000000e+00 : f32
        %broadcast_in_dim3A_896 = vector.broadcast %broadcast_in_dim3A_895 : f32 to vector<16xf32>
        %broadcast_in_dim3A_897 = arith.constant 0.000000e+00 : f32
        %broadcast_in_dim3A_898 = vector.broadcast %broadcast_in_dim3A_897 : f32 to vector<16xf32>
        %get3A_899 = arith.index_cast %add3A_894 : i32 to index
        %get3A_900 = arith.constant 0 : index
        %get3A_901 = tpu.vector_load %arg8[%get3A_899, %get3A_900] {strides = array<i32>} : memref<240x256xbf16, #tpu.memory_space<vmem>>, vector<32xbf16>,
        %get3A_902 = arith.index_cast %add3A_894 : i32 to index
        %get3A_903 = arith.constant 0 : index
        %get3A_904 = tpu.vector_load %arg9[%get3A_902, %get3A_903] {strides = array<i32>} : memref<240x256xbf16, #tpu.memory_space<vmem>>, vector<32xbf16>,
        %unpack3A_905 = tpu.unpack_subelements %get3A_901, 0 {pack_format = #tpu.pack_format<interleaved>} : vector<32xbf16> -> vector<16xf32>
        %unpack3A_906 = tpu.unpack_subelements %get3A_901, 1 {pack_format = #tpu.pack_format<interleaved>} : vector<32xbf16> -> vector<16xf32>
        %unpack3A_907 = tpu.unpack_subelements %get3A_904, 0 {pack_format = #tpu.pack_format<interleaved>} : vector<32xbf16> -> vector<16xf32>
        %unpack3A_908 = tpu.unpack_subelements %get3A_904, 1 {pack_format = #tpu.pack_format<interleaved>} : vector<32xbf16> -> vector<16xf32>
        %mul3A_909 = arith.mulf %unpack3A_905, %unpack3A_907 : vector<16xf32>
        %add3A_910 = arith.addf %broadcast_in_dim3A_896, %mul3A_909 : vector<16xf32>
        %mul3A_911 = arith.mulf %unpack3A_906, %unpack3A_908 : vector<16xf32>
        %add3A_912 = arith.addf %broadcast_in_dim3A_898, %mul3A_911 : vector<16xf32>
        %get3A_913 = arith.index_cast %add3A_894 : i32 to index
        %get3A_914 = arith.constant 32 : index
        %get3A_915 = tpu.vector_load %arg8[%get3A_913, %get3A_914] {strides = array<i32>} : memref<240x256xbf16, #tpu.memory_space<vmem>>, vector<32xbf16>,
        %get3A_916 = arith.index_cast %add3A_894 : i32 to index
        %get3A_917 = arith.constant 32 : index
        %get3A_918 = tpu.vector_load %arg9[%get3A_916, %get3A_917] {strides = array<i32>} : memref<240x256xbf16, #tpu.memory_space<vmem>>, vector<32xbf16>,
        %unpack3A_919 = tpu.unpack_subelements %get3A_915, 0 {pack_format = #tpu.pack_format<interleaved>} : vector<32xbf16> -> vector<16xf32>
        %unpack3A_920 = tpu.unpack_subelements %get3A_915, 1 {pack_format = #tpu.pack_format<interleaved>} : vector<32xbf16> -> vector<16xf32>
        %unpack3A_921 = tpu.unpack_subelements %get3A_918, 0 {pack_format = #tpu.pack_format<interleaved>} : vector<32xbf16> -> vector<16xf32>
        %unpack3A_922 = tpu.unpack_subelements %get3A_918, 1 {pack_format = #tpu.pack_format<interleaved>} : vector<32xbf16> -> vector<16xf32>
        %mul3A_923 = arith.mulf %unpack3A_919, %unpack3A_921 : vector<16xf32>
        %add3A_924 = arith.addf %add3A_910, %mul3A_923 : vector<16xf32>
        %mul3A_925 = arith.mulf %unpack3A_920, %unpack3A_922 : vector<16xf32>
        %add3A_926 = arith.addf %add3A_912, %mul3A_925 : vector<16xf32>
        %get3A_927 = arith.index_cast %add3A_894 : i32 to index
        %get3A_928 = arith.constant 64 : index
        %get3A_929 = tpu.vector_load %arg8[%get3A_927, %get3A_928] {strides = array<i32>} : memref<240x256xbf16, #tpu.memory_space<vmem>>, vector<32xbf16>,
        %get3A_930 = arith.index_cast %add3A_894 : i32 to index
        %get3A_931 = arith.constant 64 : index
        %get3A_932 = tpu.vector_load %arg9[%get3A_930, %get3A_931] {strides = array<i32>} : memref<240x256xbf16, #tpu.memory_space<vmem>>, vector<32xbf16>,
        %unpack3A_933 = tpu.unpack_subelements %get3A_929, 0 {pack_format = #tpu.pack_format<interleaved>} : vector<32xbf16> -> vector<16xf32>
        %unpack3A_934 = tpu.unpack_subelements %get3A_929, 1 {pack_format = #tpu.pack_format<interleaved>} : vector<32xbf16> -> vector<16xf32>
        %unpack3A_935 = tpu.unpack_subelements %get3A_932, 0 {pack_format = #tpu.pack_format<interleaved>} : vector<32xbf16> -> vector<16xf32>
        %unpack3A_936 = tpu.unpack_subelements %get3A_932, 1 {pack_format = #tpu.pack_format<interleaved>} : vector<32xbf16> -> vector<16xf32>
        %mul3A_937 = arith.mulf %unpack3A_933, %unpack3A_935 : vector<16xf32>
        %add3A_938 = arith.addf %add3A_924, %mul3A_937 : vector<16xf32>
        %mul3A_939 = arith.mulf %unpack3A_934, %unpack3A_936 : vector<16xf32>
        %add3A_940 = arith.addf %add3A_926, %mul3A_939 : vector<16xf32>
        %get3A_941 = arith.index_cast %add3A_894 : i32 to index
        %get3A_942 = arith.constant 96 : index
        %get3A_943 = tpu.vector_load %arg8[%get3A_941, %get3A_942] {strides = array<i32>} : memref<240x256xbf16, #tpu.memory_space<vmem>>, vector<32xbf16>,
        %get3A_944 = arith.index_cast %add3A_894 : i32 to index
        %get3A_945 = arith.constant 96 : index
        %get3A_946 = tpu.vector_load %arg9[%get3A_944, %get3A_945] {strides = array<i32>} : memref<240x256xbf16, #tpu.memory_space<vmem>>, vector<32xbf16>,
        %unpack3A_947 = tpu.unpack_subelements %get3A_943, 0 {pack_format = #tpu.pack_format<interleaved>} : vector<32xbf16> -> vector<16xf32>
        %unpack3A_948 = tpu.unpack_subelements %get3A_943, 1 {pack_format = #tpu.pack_format<interleaved>} : vector<32xbf16> -> vector<16xf32>
        %unpack3A_949 = tpu.unpack_subelements %get3A_946, 0 {pack_format = #tpu.pack_format<interleaved>} : vector<32xbf16> -> vector<16xf32>
        %unpack3A_950 = tpu.unpack_subelements %get3A_946, 1 {pack_format = #tpu.pack_format<interleaved>} : vector<32xbf16> -> vector<16xf32>
        %mul3A_951 = arith.mulf %unpack3A_947, %unpack3A_949 : vector<16xf32>
        %add3A_952 = arith.addf %add3A_938, %mul3A_951 : vector<16xf32>
        %mul3A_953 = arith.mulf %unpack3A_948, %unpack3A_950 : vector<16xf32>
        %add3A_954 = arith.addf %add3A_940, %mul3A_953 : vector<16xf32>
        %get3A_955 = arith.index_cast %add3A_894 : i32 to index
        %get3A_956 = arith.constant 128 : index
        %get3A_957 = tpu.vector_load %arg8[%get3A_955, %get3A_956] {strides = array<i32>} : memref<240x256xbf16, #tpu.memory_space<vmem>>, vector<32xbf16>,
        %get3A_958 = arith.index_cast %add3A_894 : i32 to index
        %get3A_959 = arith.constant 128 : index
        %get3A_960 = tpu.vector_load %arg9[%get3A_958, %get3A_959] {strides = array<i32>} : memref<240x256xbf16, #tpu.memory_space<vmem>>, vector<32xbf16>,
        %unpack3A_961 = tpu.unpack_subelements %get3A_957, 0 {pack_format = #tpu.pack_format<interleaved>} : vector<32xbf16> -> vector<16xf32>
        %unpack3A_962 = tpu.unpack_subelements %get3A_957, 1 {pack_format = #tpu.pack_format<interleaved>} : vector<32xbf16> -> vector<16xf32>
        %unpack3A_963 = tpu.unpack_subelements %get3A_960, 0 {pack_format = #tpu.pack_format<interleaved>} : vector<32xbf16> -> vector<16xf32>
        %unpack3A_964 = tpu.unpack_subelements %get3A_960, 1 {pack_format = #tpu.pack_format<interleaved>} : vector<32xbf16> -> vector<16xf32>
        %mul3A_965 = arith.mulf %unpack3A_961, %unpack3A_963 : vector<16xf32>
        %add3A_966 = arith.addf %add3A_952, %mul3A_965 : vector<16xf32>
        %mul3A_967 = arith.mulf %unpack3A_962, %unpack3A_964 : vector<16xf32>
        %add3A_968 = arith.addf %add3A_954, %mul3A_967 : vector<16xf32>
        %get3A_969 = arith.index_cast %add3A_894 : i32 to index
        %get3A_970 = arith.constant 160 : index
        %get3A_971 = tpu.vector_load %arg8[%get3A_969, %get3A_970] {strides = array<i32>} : memref<240x256xbf16, #tpu.memory_space<vmem>>, vector<32xbf16>,
        %get3A_972 = arith.index_cast %add3A_894 : i32 to index
        %get3A_973 = arith.constant 160 : index
        %get3A_974 = tpu.vector_load %arg9[%get3A_972, %get3A_973] {strides = array<i32>} : memref<240x256xbf16, #tpu.memory_space<vmem>>, vector<32xbf16>,
        %unpack3A_975 = tpu.unpack_subelements %get3A_971, 0 {pack_format = #tpu.pack_format<interleaved>} : vector<32xbf16> -> vector<16xf32>
        %unpack3A_976 = tpu.unpack_subelements %get3A_971, 1 {pack_format = #tpu.pack_format<interleaved>} : vector<32xbf16> -> vector<16xf32>
        %unpack3A_977 = tpu.unpack_subelements %get3A_974, 0 {pack_format = #tpu.pack_format<interleaved>} : vector<32xbf16> -> vector<16xf32>
        %unpack3A_978 = tpu.unpack_subelements %get3A_974, 1 {pack_format = #tpu.pack_format<interleaved>} : vector<32xbf16> -> vector<16xf32>
        %mul3A_979 = arith.mulf %unpack3A_975, %unpack3A_977 : vector<16xf32>
        %add3A_980 = arith.addf %add3A_966, %mul3A_979 : vector<16xf32>
        %mul3A_981 = arith.mulf %unpack3A_976, %unpack3A_978 : vector<16xf32>
        %add3A_982 = arith.addf %add3A_968, %mul3A_981 : vector<16xf32>
        %get3A_983 = arith.index_cast %add3A_894 : i32 to index
        %get3A_984 = arith.constant 192 : index
        %get3A_985 = tpu.vector_load %arg8[%get3A_983, %get3A_984] {strides = array<i32>} : memref<240x256xbf16, #tpu.memory_space<vmem>>, vector<32xbf16>,
        %get3A_986 = arith.index_cast %add3A_894 : i32 to index
        %get3A_987 = arith.constant 192 : index
        %get3A_988 = tpu.vector_load %arg9[%get3A_986, %get3A_987] {strides = array<i32>} : memref<240x256xbf16, #tpu.memory_space<vmem>>, vector<32xbf16>,
        %unpack3A_989 = tpu.unpack_subelements %get3A_985, 0 {pack_format = #tpu.pack_format<interleaved>} : vector<32xbf16> -> vector<16xf32>
        %unpack3A_990 = tpu.unpack_subelements %get3A_985, 1 {pack_format = #tpu.pack_format<interleaved>} : vector<32xbf16> -> vector<16xf32>
        %unpack3A_991 = tpu.unpack_subelements %get3A_988, 0 {pack_format = #tpu.pack_format<interleaved>} : vector<32xbf16> -> vector<16xf32>
        %unpack3A_992 = tpu.unpack_subelements %get3A_988, 1 {pack_format = #tpu.pack_format<interleaved>} : vector<32xbf16> -> vector<16xf32>
        %mul3A_993 = arith.mulf %unpack3A_989, %unpack3A_991 : vector<16xf32>
        %add3A_994 = arith.addf %add3A_980, %mul3A_993 : vector<16xf32>
        %mul3A_995 = arith.mulf %unpack3A_990, %unpack3A_992 : vector<16xf32>
        %add3A_996 = arith.addf %add3A_982, %mul3A_995 : vector<16xf32>
        %get3A_997 = arith.index_cast %add3A_894 : i32 to index
        %get3A_998 = arith.constant 224 : index
        %get3A_999 = tpu.vector_load %arg8[%get3A_997, %get3A_998] {strides = array<i32>} : memref<240x256xbf16, #tpu.memory_space<vmem>>, vector<32xbf16>,
        %get3A_1000 = arith.index_cast %add3A_894 : i32 to index
        %get3A_1001 = arith.constant 224 : index
        %get3A_1002 = tpu.vector_load %arg9[%get3A_1000, %get3A_1001] {strides = array<i32>} : memref<240x256xbf16, #tpu.memory_space<vmem>>, vector<32xbf16>,
        %unpack3A_1003 = tpu.unpack_subelements %get3A_999, 0 {pack_format = #tpu.pack_format<interleaved>} : vector<32xbf16> -> vector<16xf32>
        %unpack3A_1004 = tpu.unpack_subelements %get3A_999, 1 {pack_format = #tpu.pack_format<interleaved>} : vector<32xbf16> -> vector<16xf32>
        %unpack3A_1005 = tpu.unpack_subelements %get3A_1002, 0 {pack_format = #tpu.pack_format<interleaved>} : vector<32xbf16> -> vector<16xf32>
        %unpack3A_1006 = tpu.unpack_subelements %get3A_1002, 1 {pack_format = #tpu.pack_format<interleaved>} : vector<32xbf16> -> vector<16xf32>
        %mul3A_1007 = arith.mulf %unpack3A_1003, %unpack3A_1005 : vector<16xf32>
        %add3A_1008 = arith.addf %add3A_994, %mul3A_1007 : vector<16xf32>
        %mul3A_1009 = arith.mulf %unpack3A_1004, %unpack3A_1006 : vector<16xf32>
        %add3A_1010 = arith.addf %add3A_996, %mul3A_1009 : vector<16xf32>
        %add3A_1011 = arith.addf %add3A_1008, %add3A_1010 : vector<16xf32>
        %swap3A_1012 = arith.constant 7 : i32
        %swap3A_1013 = arith.index_cast %swap3A_1012 : i32 to index
        %swap3A_1014 = arith.constant 0 : index
        %swap3A_1015 = tpu.vector_load %arg11[%swap3A_1013, %swap3A_1014] {strides = array<i32>} : memref<16x17xf32, #tpu.memory_space<vmem>>, vector<16xf32>,
        tpu.vector_store %arg11[%swap3A_1013, %swap3A_1014], %add3A_1011 {strides = array<i32>} : memref<16x17xf32, #tpu.memory_space<vmem>>, vector<16xf32>,
        %add3A_1016 = arith.constant 8 : i32
        %add3A_1017 = arith.addi %mul3A_35, %add3A_1016 : i32
        %broadcast_in_dim3A_1018 = arith.constant 0.000000e+00 : f32
        %broadcast_in_dim3A_1019 = vector.broadcast %broadcast_in_dim3A_1018 : f32 to vector<16xf32>
        %broadcast_in_dim3A_1020 = arith.constant 0.000000e+00 : f32
        %broadcast_in_dim3A_1021 = vector.broadcast %broadcast_in_dim3A_1020 : f32 to vector<16xf32>
        %get3A_1022 = arith.index_cast %add3A_1017 : i32 to index
        %get3A_1023 = arith.constant 0 : index
        %get3A_1024 = tpu.vector_load %arg8[%get3A_1022, %get3A_1023] {strides = array<i32>} : memref<240x256xbf16, #tpu.memory_space<vmem>>, vector<32xbf16>,
        %get3A_1025 = arith.index_cast %add3A_1017 : i32 to index
        %get3A_1026 = arith.constant 0 : index
        %get3A_1027 = tpu.vector_load %arg9[%get3A_1025, %get3A_1026] {strides = array<i32>} : memref<240x256xbf16, #tpu.memory_space<vmem>>, vector<32xbf16>,
        %unpack3A_1028 = tpu.unpack_subelements %get3A_1024, 0 {pack_format = #tpu.pack_format<interleaved>} : vector<32xbf16> -> vector<16xf32>
        %unpack3A_1029 = tpu.unpack_subelements %get3A_1024, 1 {pack_format = #tpu.pack_format<interleaved>} : vector<32xbf16> -> vector<16xf32>
        %unpack3A_1030 = tpu.unpack_subelements %get3A_1027, 0 {pack_format = #tpu.pack_format<interleaved>} : vector<32xbf16> -> vector<16xf32>
        %unpack3A_1031 = tpu.unpack_subelements %get3A_1027, 1 {pack_format = #tpu.pack_format<interleaved>} : vector<32xbf16> -> vector<16xf32>
        %mul3A_1032 = arith.mulf %unpack3A_1028, %unpack3A_1030 : vector<16xf32>
        %add3A_1033 = arith.addf %broadcast_in_dim3A_1019, %mul3A_1032 : vector<16xf32>
        %mul3A_1034 = arith.mulf %unpack3A_1029, %unpack3A_1031 : vector<16xf32>
        %add3A_1035 = arith.addf %broadcast_in_dim3A_1021, %mul3A_1034 : vector<16xf32>
        %get3A_1036 = arith.index_cast %add3A_1017 : i32 to index
        %get3A_1037 = arith.constant 32 : index
        %get3A_1038 = tpu.vector_load %arg8[%get3A_1036, %get3A_1037] {strides = array<i32>} : memref<240x256xbf16, #tpu.memory_space<vmem>>, vector<32xbf16>,
        %get3A_1039 = arith.index_cast %add3A_1017 : i32 to index
        %get3A_1040 = arith.constant 32 : index
        %get3A_1041 = tpu.vector_load %arg9[%get3A_1039, %get3A_1040] {strides = array<i32>} : memref<240x256xbf16, #tpu.memory_space<vmem>>, vector<32xbf16>,
        %unpack3A_1042 = tpu.unpack_subelements %get3A_1038, 0 {pack_format = #tpu.pack_format<interleaved>} : vector<32xbf16> -> vector<16xf32>
        %unpack3A_1043 = tpu.unpack_subelements %get3A_1038, 1 {pack_format = #tpu.pack_format<interleaved>} : vector<32xbf16> -> vector<16xf32>
        %unpack3A_1044 = tpu.unpack_subelements %get3A_1041, 0 {pack_format = #tpu.pack_format<interleaved>} : vector<32xbf16> -> vector<16xf32>
        %unpack3A_1045 = tpu.unpack_subelements %get3A_1041, 1 {pack_format = #tpu.pack_format<interleaved>} : vector<32xbf16> -> vector<16xf32>
        %mul3A_1046 = arith.mulf %unpack3A_1042, %unpack3A_1044 : vector<16xf32>
        %add3A_1047 = arith.addf %add3A_1033, %mul3A_1046 : vector<16xf32>
        %mul3A_1048 = arith.mulf %unpack3A_1043, %unpack3A_1045 : vector<16xf32>
        %add3A_1049 = arith.addf %add3A_1035, %mul3A_1048 : vector<16xf32>
        %get3A_1050 = arith.index_cast %add3A_1017 : i32 to index
        %get3A_1051 = arith.constant 64 : index
        %get3A_1052 = tpu.vector_load %arg8[%get3A_1050, %get3A_1051] {strides = array<i32>} : memref<240x256xbf16, #tpu.memory_space<vmem>>, vector<32xbf16>,
        %get3A_1053 = arith.index_cast %add3A_1017 : i32 to index
        %get3A_1054 = arith.constant 64 : index
        %get3A_1055 = tpu.vector_load %arg9[%get3A_1053, %get3A_1054] {strides = array<i32>} : memref<240x256xbf16, #tpu.memory_space<vmem>>, vector<32xbf16>,
        %unpack3A_1056 = tpu.unpack_subelements %get3A_1052, 0 {pack_format = #tpu.pack_format<interleaved>} : vector<32xbf16> -> vector<16xf32>
        %unpack3A_1057 = tpu.unpack_subelements %get3A_1052, 1 {pack_format = #tpu.pack_format<interleaved>} : vector<32xbf16> -> vector<16xf32>
        %unpack3A_1058 = tpu.unpack_subelements %get3A_1055, 0 {pack_format = #tpu.pack_format<interleaved>} : vector<32xbf16> -> vector<16xf32>
        %unpack3A_1059 = tpu.unpack_subelements %get3A_1055, 1 {pack_format = #tpu.pack_format<interleaved>} : vector<32xbf16> -> vector<16xf32>
        %mul3A_1060 = arith.mulf %unpack3A_1056, %unpack3A_1058 : vector<16xf32>
        %add3A_1061 = arith.addf %add3A_1047, %mul3A_1060 : vector<16xf32>
        %mul3A_1062 = arith.mulf %unpack3A_1057, %unpack3A_1059 : vector<16xf32>
        %add3A_1063 = arith.addf %add3A_1049, %mul3A_1062 : vector<16xf32>
        %get3A_1064 = arith.index_cast %add3A_1017 : i32 to index
        %get3A_1065 = arith.constant 96 : index
        %get3A_1066 = tpu.vector_load %arg8[%get3A_1064, %get3A_1065] {strides = array<i32>} : memref<240x256xbf16, #tpu.memory_space<vmem>>, vector<32xbf16>,
        %get3A_1067 = arith.index_cast %add3A_1017 : i32 to index
        %get3A_1068 = arith.constant 96 : index
        %get3A_1069 = tpu.vector_load %arg9[%get3A_1067, %get3A_1068] {strides = array<i32>} : memref<240x256xbf16, #tpu.memory_space<vmem>>, vector<32xbf16>,
        %unpack3A_1070 = tpu.unpack_subelements %get3A_1066, 0 {pack_format = #tpu.pack_format<interleaved>} : vector<32xbf16> -> vector<16xf32>
        %unpack3A_1071 = tpu.unpack_subelements %get3A_1066, 1 {pack_format = #tpu.pack_format<interleaved>} : vector<32xbf16> -> vector<16xf32>
        %unpack3A_1072 = tpu.unpack_subelements %get3A_1069, 0 {pack_format = #tpu.pack_format<interleaved>} : vector<32xbf16> -> vector<16xf32>
        %unpack3A_1073 = tpu.unpack_subelements %get3A_1069, 1 {pack_format = #tpu.pack_format<interleaved>} : vector<32xbf16> -> vector<16xf32>
        %mul3A_1074 = arith.mulf %unpack3A_1070, %unpack3A_1072 : vector<16xf32>
        %add3A_1075 = arith.addf %add3A_1061, %mul3A_1074 : vector<16xf32>
        %mul3A_1076 = arith.mulf %unpack3A_1071, %unpack3A_1073 : vector<16xf32>
        %add3A_1077 = arith.addf %add3A_1063, %mul3A_1076 : vector<16xf32>
        %get3A_1078 = arith.index_cast %add3A_1017 : i32 to index
        %get3A_1079 = arith.constant 128 : index
        %get3A_1080 = tpu.vector_load %arg8[%get3A_1078, %get3A_1079] {strides = array<i32>} : memref<240x256xbf16, #tpu.memory_space<vmem>>, vector<32xbf16>,
        %get3A_1081 = arith.index_cast %add3A_1017 : i32 to index
        %get3A_1082 = arith.constant 128 : index
        %get3A_1083 = tpu.vector_load %arg9[%get3A_1081, %get3A_1082] {strides = array<i32>} : memref<240x256xbf16, #tpu.memory_space<vmem>>, vector<32xbf16>,
        %unpack3A_1084 = tpu.unpack_subelements %get3A_1080, 0 {pack_format = #tpu.pack_format<interleaved>} : vector<32xbf16> -> vector<16xf32>
        %unpack3A_1085 = tpu.unpack_subelements %get3A_1080, 1 {pack_format = #tpu.pack_format<interleaved>} : vector<32xbf16> -> vector<16xf32>
        %unpack3A_1086 = tpu.unpack_subelements %get3A_1083, 0 {pack_format = #tpu.pack_format<interleaved>} : vector<32xbf16> -> vector<16xf32>
        %unpack3A_1087 = tpu.unpack_subelements %get3A_1083, 1 {pack_format = #tpu.pack_format<interleaved>} : vector<32xbf16> -> vector<16xf32>
        %mul3A_1088 = arith.mulf %unpack3A_1084, %unpack3A_1086 : vector<16xf32>
        %add3A_1089 = arith.addf %add3A_1075, %mul3A_1088 : vector<16xf32>
        %mul3A_1090 = arith.mulf %unpack3A_1085, %unpack3A_1087 : vector<16xf32>
        %add3A_1091 = arith.addf %add3A_1077, %mul3A_1090 : vector<16xf32>
        %get3A_1092 = arith.index_cast %add3A_1017 : i32 to index
        %get3A_1093 = arith.constant 160 : index
        %get3A_1094 = tpu.vector_load %arg8[%get3A_1092, %get3A_1093] {strides = array<i32>} : memref<240x256xbf16, #tpu.memory_space<vmem>>, vector<32xbf16>,
        %get3A_1095 = arith.index_cast %add3A_1017 : i32 to index
        %get3A_1096 = arith.constant 160 : index
        %get3A_1097 = tpu.vector_load %arg9[%get3A_1095, %get3A_1096] {strides = array<i32>} : memref<240x256xbf16, #tpu.memory_space<vmem>>, vector<32xbf16>,
        %unpack3A_1098 = tpu.unpack_subelements %get3A_1094, 0 {pack_format = #tpu.pack_format<interleaved>} : vector<32xbf16> -> vector<16xf32>
        %unpack3A_1099 = tpu.unpack_subelements %get3A_1094, 1 {pack_format = #tpu.pack_format<interleaved>} : vector<32xbf16> -> vector<16xf32>
        %unpack3A_1100 = tpu.unpack_subelements %get3A_1097, 0 {pack_format = #tpu.pack_format<interleaved>} : vector<32xbf16> -> vector<16xf32>
        %unpack3A_1101 = tpu.unpack_subelements %get3A_1097, 1 {pack_format = #tpu.pack_format<interleaved>} : vector<32xbf16> -> vector<16xf32>
        %mul3A_1102 = arith.mulf %unpack3A_1098, %unpack3A_1100 : vector<16xf32>
        %add3A_1103 = arith.addf %add3A_1089, %mul3A_1102 : vector<16xf32>
        %mul3A_1104 = arith.mulf %unpack3A_1099, %unpack3A_1101 : vector<16xf32>
        %add3A_1105 = arith.addf %add3A_1091, %mul3A_1104 : vector<16xf32>
        %get3A_1106 = arith.index_cast %add3A_1017 : i32 to index
        %get3A_1107 = arith.constant 192 : index
        %get3A_1108 = tpu.vector_load %arg8[%get3A_1106, %get3A_1107] {strides = array<i32>} : memref<240x256xbf16, #tpu.memory_space<vmem>>, vector<32xbf16>,
        %get3A_1109 = arith.index_cast %add3A_1017 : i32 to index
        %get3A_1110 = arith.constant 192 : index
        %get3A_1111 = tpu.vector_load %arg9[%get3A_1109, %get3A_1110] {strides = array<i32>} : memref<240x256xbf16, #tpu.memory_space<vmem>>, vector<32xbf16>,
        %unpack3A_1112 = tpu.unpack_subelements %get3A_1108, 0 {pack_format = #tpu.pack_format<interleaved>} : vector<32xbf16> -> vector<16xf32>
        %unpack3A_1113 = tpu.unpack_subelements %get3A_1108, 1 {pack_format = #tpu.pack_format<interleaved>} : vector<32xbf16> -> vector<16xf32>
        %unpack3A_1114 = tpu.unpack_subelements %get3A_1111, 0 {pack_format = #tpu.pack_format<interleaved>} : vector<32xbf16> -> vector<16xf32>
        %unpack3A_1115 = tpu.unpack_subelements %get3A_1111, 1 {pack_format = #tpu.pack_format<interleaved>} : vector<32xbf16> -> vector<16xf32>
        %mul3A_1116 = arith.mulf %unpack3A_1112, %unpack3A_1114 : vector<16xf32>
        %add3A_1117 = arith.addf %add3A_1103, %mul3A_1116 : vector<16xf32>
        %mul3A_1118 = arith.mulf %unpack3A_1113, %unpack3A_1115 : vector<16xf32>
        %add3A_1119 = arith.addf %add3A_1105, %mul3A_1118 : vector<16xf32>
        %get3A_1120 = arith.index_cast %add3A_1017 : i32 to index
        %get3A_1121 = arith.constant 224 : index
        %get3A_1122 = tpu.vector_load %arg8[%get3A_1120, %get3A_1121] {strides = array<i32>} : memref<240x256xbf16, #tpu.memory_space<vmem>>, vector<32xbf16>,
        %get3A_1123 = arith.index_cast %add3A_1017 : i32 to index
        %get3A_1124 = arith.constant 224 : index
        %get3A_1125 = tpu.vector_load %arg9[%get3A_1123, %get3A_1124] {strides = array<i32>} : memref<240x256xbf16, #tpu.memory_space<vmem>>, vector<32xbf16>,
        %unpack3A_1126 = tpu.unpack_subelements %get3A_1122, 0 {pack_format = #tpu.pack_format<interleaved>} : vector<32xbf16> -> vector<16xf32>
        %unpack3A_1127 = tpu.unpack_subelements %get3A_1122, 1 {pack_format = #tpu.pack_format<interleaved>} : vector<32xbf16> -> vector<16xf32>
        %unpack3A_1128 = tpu.unpack_subelements %get3A_1125, 0 {pack_format = #tpu.pack_format<interleaved>} : vector<32xbf16> -> vector<16xf32>
        %unpack3A_1129 = tpu.unpack_subelements %get3A_1125, 1 {pack_format = #tpu.pack_format<interleaved>} : vector<32xbf16> -> vector<16xf32>
        %mul3A_1130 = arith.mulf %unpack3A_1126, %unpack3A_1128 : vector<16xf32>
        %add3A_1131 = arith.addf %add3A_1117, %mul3A_1130 : vector<16xf32>
        %mul3A_1132 = arith.mulf %unpack3A_1127, %unpack3A_1129 : vector<16xf32>
        %add3A_1133 = arith.addf %add3A_1119, %mul3A_1132 : vector<16xf32>
        %add3A_1134 = arith.addf %add3A_1131, %add3A_1133 : vector<16xf32>
        %swap3A_1135 = arith.constant 8 : i32
        %swap3A_1136 = arith.index_cast %swap3A_1135 : i32 to index
        %swap3A_1137 = arith.constant 0 : index
        %swap3A_1138 = tpu.vector_load %arg11[%swap3A_1136, %swap3A_1137] {strides = array<i32>} : memref<16x17xf32, #tpu.memory_space<vmem>>, vector<16xf32>,
        tpu.vector_store %arg11[%swap3A_1136, %swap3A_1137], %add3A_1134 {strides = array<i32>} : memref<16x17xf32, #tpu.memory_space<vmem>>, vector<16xf32>,
        %add3A_1139 = arith.constant 9 : i32
        %add3A_1140 = arith.addi %mul3A_35, %add3A_1139 : i32
        %broadcast_in_dim3A_1141 = arith.constant 0.000000e+00 : f32
        %broadcast_in_dim3A_1142 = vector.broadcast %broadcast_in_dim3A_1141 : f32 to vector<16xf32>
        %broadcast_in_dim3A_1143 = arith.constant 0.000000e+00 : f32
        %broadcast_in_dim3A_1144 = vector.broadcast %broadcast_in_dim3A_1143 : f32 to vector<16xf32>
        %get3A_1145 = arith.index_cast %add3A_1140 : i32 to index
        %get3A_1146 = arith.constant 0 : index
        %get3A_1147 = tpu.vector_load %arg8[%get3A_1145, %get3A_1146] {strides = array<i32>} : memref<240x256xbf16, #tpu.memory_space<vmem>>, vector<32xbf16>,
        %get3A_1148 = arith.index_cast %add3A_1140 : i32 to index
        %get3A_1149 = arith.constant 0 : index
        %get3A_1150 = tpu.vector_load %arg9[%get3A_1148, %get3A_1149] {strides = array<i32>} : memref<240x256xbf16, #tpu.memory_space<vmem>>, vector<32xbf16>,
        %unpack3A_1151 = tpu.unpack_subelements %get3A_1147, 0 {pack_format = #tpu.pack_format<interleaved>} : vector<32xbf16> -> vector<16xf32>
        %unpack3A_1152 = tpu.unpack_subelements %get3A_1147, 1 {pack_format = #tpu.pack_format<interleaved>} : vector<32xbf16> -> vector<16xf32>
        %unpack3A_1153 = tpu.unpack_subelements %get3A_1150, 0 {pack_format = #tpu.pack_format<interleaved>} : vector<32xbf16> -> vector<16xf32>
        %unpack3A_1154 = tpu.unpack_subelements %get3A_1150, 1 {pack_format = #tpu.pack_format<interleaved>} : vector<32xbf16> -> vector<16xf32>
        %mul3A_1155 = arith.mulf %unpack3A_1151, %unpack3A_1153 : vector<16xf32>
        %add3A_1156 = arith.addf %broadcast_in_dim3A_1142, %mul3A_1155 : vector<16xf32>
        %mul3A_1157 = arith.mulf %unpack3A_1152, %unpack3A_1154 : vector<16xf32>
        %add3A_1158 = arith.addf %broadcast_in_dim3A_1144, %mul3A_1157 : vector<16xf32>
        %get3A_1159 = arith.index_cast %add3A_1140 : i32 to index
        %get3A_1160 = arith.constant 32 : index
        %get3A_1161 = tpu.vector_load %arg8[%get3A_1159, %get3A_1160] {strides = array<i32>} : memref<240x256xbf16, #tpu.memory_space<vmem>>, vector<32xbf16>,
        %get3A_1162 = arith.index_cast %add3A_1140 : i32 to index
        %get3A_1163 = arith.constant 32 : index
        %get3A_1164 = tpu.vector_load %arg9[%get3A_1162, %get3A_1163] {strides = array<i32>} : memref<240x256xbf16, #tpu.memory_space<vmem>>, vector<32xbf16>,
        %unpack3A_1165 = tpu.unpack_subelements %get3A_1161, 0 {pack_format = #tpu.pack_format<interleaved>} : vector<32xbf16> -> vector<16xf32>
        %unpack3A_1166 = tpu.unpack_subelements %get3A_1161, 1 {pack_format = #tpu.pack_format<interleaved>} : vector<32xbf16> -> vector<16xf32>
        %unpack3A_1167 = tpu.unpack_subelements %get3A_1164, 0 {pack_format = #tpu.pack_format<interleaved>} : vector<32xbf16> -> vector<16xf32>
        %unpack3A_1168 = tpu.unpack_subelements %get3A_1164, 1 {pack_format = #tpu.pack_format<interleaved>} : vector<32xbf16> -> vector<16xf32>
        %mul3A_1169 = arith.mulf %unpack3A_1165, %unpack3A_1167 : vector<16xf32>
        %add3A_1170 = arith.addf %add3A_1156, %mul3A_1169 : vector<16xf32>
        %mul3A_1171 = arith.mulf %unpack3A_1166, %unpack3A_1168 : vector<16xf32>
        %add3A_1172 = arith.addf %add3A_1158, %mul3A_1171 : vector<16xf32>
        %get3A_1173 = arith.index_cast %add3A_1140 : i32 to index
        %get3A_1174 = arith.constant 64 : index
        %get3A_1175 = tpu.vector_load %arg8[%get3A_1173, %get3A_1174] {strides = array<i32>} : memref<240x256xbf16, #tpu.memory_space<vmem>>, vector<32xbf16>,
        %get3A_1176 = arith.index_cast %add3A_1140 : i32 to index
        %get3A_1177 = arith.constant 64 : index
        %get3A_1178 = tpu.vector_load %arg9[%get3A_1176, %get3A_1177] {strides = array<i32>} : memref<240x256xbf16, #tpu.memory_space<vmem>>, vector<32xbf16>,
        %unpack3A_1179 = tpu.unpack_subelements %get3A_1175, 0 {pack_format = #tpu.pack_format<interleaved>} : vector<32xbf16> -> vector<16xf32>
        %unpack3A_1180 = tpu.unpack_subelements %get3A_1175, 1 {pack_format = #tpu.pack_format<interleaved>} : vector<32xbf16> -> vector<16xf32>
        %unpack3A_1181 = tpu.unpack_subelements %get3A_1178, 0 {pack_format = #tpu.pack_format<interleaved>} : vector<32xbf16> -> vector<16xf32>
        %unpack3A_1182 = tpu.unpack_subelements %get3A_1178, 1 {pack_format = #tpu.pack_format<interleaved>} : vector<32xbf16> -> vector<16xf32>
        %mul3A_1183 = arith.mulf %unpack3A_1179, %unpack3A_1181 : vector<16xf32>
        %add3A_1184 = arith.addf %add3A_1170, %mul3A_1183 : vector<16xf32>
        %mul3A_1185 = arith.mulf %unpack3A_1180, %unpack3A_1182 : vector<16xf32>
        %add3A_1186 = arith.addf %add3A_1172, %mul3A_1185 : vector<16xf32>
        %get3A_1187 = arith.index_cast %add3A_1140 : i32 to index
        %get3A_1188 = arith.constant 96 : index
        %get3A_1189 = tpu.vector_load %arg8[%get3A_1187, %get3A_1188] {strides = array<i32>} : memref<240x256xbf16, #tpu.memory_space<vmem>>, vector<32xbf16>,
        %get3A_1190 = arith.index_cast %add3A_1140 : i32 to index
        %get3A_1191 = arith.constant 96 : index
        %get3A_1192 = tpu.vector_load %arg9[%get3A_1190, %get3A_1191] {strides = array<i32>} : memref<240x256xbf16, #tpu.memory_space<vmem>>, vector<32xbf16>,
        %unpack3A_1193 = tpu.unpack_subelements %get3A_1189, 0 {pack_format = #tpu.pack_format<interleaved>} : vector<32xbf16> -> vector<16xf32>
        %unpack3A_1194 = tpu.unpack_subelements %get3A_1189, 1 {pack_format = #tpu.pack_format<interleaved>} : vector<32xbf16> -> vector<16xf32>
        %unpack3A_1195 = tpu.unpack_subelements %get3A_1192, 0 {pack_format = #tpu.pack_format<interleaved>} : vector<32xbf16> -> vector<16xf32>
        %unpack3A_1196 = tpu.unpack_subelements %get3A_1192, 1 {pack_format = #tpu.pack_format<interleaved>} : vector<32xbf16> -> vector<16xf32>
        %mul3A_1197 = arith.mulf %unpack3A_1193, %unpack3A_1195 : vector<16xf32>
        %add3A_1198 = arith.addf %add3A_1184, %mul3A_1197 : vector<16xf32>
        %mul3A_1199 = arith.mulf %unpack3A_1194, %unpack3A_1196 : vector<16xf32>
        %add3A_1200 = arith.addf %add3A_1186, %mul3A_1199 : vector<16xf32>
        %get3A_1201 = arith.index_cast %add3A_1140 : i32 to index
        %get3A_1202 = arith.constant 128 : index
        %get3A_1203 = tpu.vector_load %arg8[%get3A_1201, %get3A_1202] {strides = array<i32>} : memref<240x256xbf16, #tpu.memory_space<vmem>>, vector<32xbf16>,
        %get3A_1204 = arith.index_cast %add3A_1140 : i32 to index
        %get3A_1205 = arith.constant 128 : index
        %get3A_1206 = tpu.vector_load %arg9[%get3A_1204, %get3A_1205] {strides = array<i32>} : memref<240x256xbf16, #tpu.memory_space<vmem>>, vector<32xbf16>,
        %unpack3A_1207 = tpu.unpack_subelements %get3A_1203, 0 {pack_format = #tpu.pack_format<interleaved>} : vector<32xbf16> -> vector<16xf32>
        %unpack3A_1208 = tpu.unpack_subelements %get3A_1203, 1 {pack_format = #tpu.pack_format<interleaved>} : vector<32xbf16> -> vector<16xf32>
        %unpack3A_1209 = tpu.unpack_subelements %get3A_1206, 0 {pack_format = #tpu.pack_format<interleaved>} : vector<32xbf16> -> vector<16xf32>
        %unpack3A_1210 = tpu.unpack_subelements %get3A_1206, 1 {pack_format = #tpu.pack_format<interleaved>} : vector<32xbf16> -> vector<16xf32>
        %mul3A_1211 = arith.mulf %unpack3A_1207, %unpack3A_1209 : vector<16xf32>
        %add3A_1212 = arith.addf %add3A_1198, %mul3A_1211 : vector<16xf32>
        %mul3A_1213 = arith.mulf %unpack3A_1208, %unpack3A_1210 : vector<16xf32>
        %add3A_1214 = arith.addf %add3A_1200, %mul3A_1213 : vector<16xf32>
        %get3A_1215 = arith.index_cast %add3A_1140 : i32 to index
        %get3A_1216 = arith.constant 160 : index
        %get3A_1217 = tpu.vector_load %arg8[%get3A_1215, %get3A_1216] {strides = array<i32>} : memref<240x256xbf16, #tpu.memory_space<vmem>>, vector<32xbf16>,
        %get3A_1218 = arith.index_cast %add3A_1140 : i32 to index
        %get3A_1219 = arith.constant 160 : index
        %get3A_1220 = tpu.vector_load %arg9[%get3A_1218, %get3A_1219] {strides = array<i32>} : memref<240x256xbf16, #tpu.memory_space<vmem>>, vector<32xbf16>,
        %unpack3A_1221 = tpu.unpack_subelements %get3A_1217, 0 {pack_format = #tpu.pack_format<interleaved>} : vector<32xbf16> -> vector<16xf32>
        %unpack3A_1222 = tpu.unpack_subelements %get3A_1217, 1 {pack_format = #tpu.pack_format<interleaved>} : vector<32xbf16> -> vector<16xf32>
        %unpack3A_1223 = tpu.unpack_subelements %get3A_1220, 0 {pack_format = #tpu.pack_format<interleaved>} : vector<32xbf16> -> vector<16xf32>
        %unpack3A_1224 = tpu.unpack_subelements %get3A_1220, 1 {pack_format = #tpu.pack_format<interleaved>} : vector<32xbf16> -> vector<16xf32>
        %mul3A_1225 = arith.mulf %unpack3A_1221, %unpack3A_1223 : vector<16xf32>
        %add3A_1226 = arith.addf %add3A_1212, %mul3A_1225 : vector<16xf32>
        %mul3A_1227 = arith.mulf %unpack3A_1222, %unpack3A_1224 : vector<16xf32>
        %add3A_1228 = arith.addf %add3A_1214, %mul3A_1227 : vector<16xf32>
        %get3A_1229 = arith.index_cast %add3A_1140 : i32 to index
        %get3A_1230 = arith.constant 192 : index
        %get3A_1231 = tpu.vector_load %arg8[%get3A_1229, %get3A_1230] {strides = array<i32>} : memref<240x256xbf16, #tpu.memory_space<vmem>>, vector<32xbf16>,
        %get3A_1232 = arith.index_cast %add3A_1140 : i32 to index
        %get3A_1233 = arith.constant 192 : index
        %get3A_1234 = tpu.vector_load %arg9[%get3A_1232, %get3A_1233] {strides = array<i32>} : memref<240x256xbf16, #tpu.memory_space<vmem>>, vector<32xbf16>,
        %unpack3A_1235 = tpu.unpack_subelements %get3A_1231, 0 {pack_format = #tpu.pack_format<interleaved>} : vector<32xbf16> -> vector<16xf32>
        %unpack3A_1236 = tpu.unpack_subelements %get3A_1231, 1 {pack_format = #tpu.pack_format<interleaved>} : vector<32xbf16> -> vector<16xf32>
        %unpack3A_1237 = tpu.unpack_subelements %get3A_1234, 0 {pack_format = #tpu.pack_format<interleaved>} : vector<32xbf16> -> vector<16xf32>
        %unpack3A_1238 = tpu.unpack_subelements %get3A_1234, 1 {pack_format = #tpu.pack_format<interleaved>} : vector<32xbf16> -> vector<16xf32>
        %mul3A_1239 = arith.mulf %unpack3A_1235, %unpack3A_1237 : vector<16xf32>
        %add3A_1240 = arith.addf %add3A_1226, %mul3A_1239 : vector<16xf32>
        %mul3A_1241 = arith.mulf %unpack3A_1236, %unpack3A_1238 : vector<16xf32>
        %add3A_1242 = arith.addf %add3A_1228, %mul3A_1241 : vector<16xf32>
        %get3A_1243 = arith.index_cast %add3A_1140 : i32 to index
        %get3A_1244 = arith.constant 224 : index
        %get3A_1245 = tpu.vector_load %arg8[%get3A_1243, %get3A_1244] {strides = array<i32>} : memref<240x256xbf16, #tpu.memory_space<vmem>>, vector<32xbf16>,
        %get3A_1246 = arith.index_cast %add3A_1140 : i32 to index
        %get3A_1247 = arith.constant 224 : index
        %get3A_1248 = tpu.vector_load %arg9[%get3A_1246, %get3A_1247] {strides = array<i32>} : memref<240x256xbf16, #tpu.memory_space<vmem>>, vector<32xbf16>,
        %unpack3A_1249 = tpu.unpack_subelements %get3A_1245, 0 {pack_format = #tpu.pack_format<interleaved>} : vector<32xbf16> -> vector<16xf32>
        %unpack3A_1250 = tpu.unpack_subelements %get3A_1245, 1 {pack_format = #tpu.pack_format<interleaved>} : vector<32xbf16> -> vector<16xf32>
        %unpack3A_1251 = tpu.unpack_subelements %get3A_1248, 0 {pack_format = #tpu.pack_format<interleaved>} : vector<32xbf16> -> vector<16xf32>
        %unpack3A_1252 = tpu.unpack_subelements %get3A_1248, 1 {pack_format = #tpu.pack_format<interleaved>} : vector<32xbf16> -> vector<16xf32>
        %mul3A_1253 = arith.mulf %unpack3A_1249, %unpack3A_1251 : vector<16xf32>
        %add3A_1254 = arith.addf %add3A_1240, %mul3A_1253 : vector<16xf32>
        %mul3A_1255 = arith.mulf %unpack3A_1250, %unpack3A_1252 : vector<16xf32>
        %add3A_1256 = arith.addf %add3A_1242, %mul3A_1255 : vector<16xf32>
        %add3A_1257 = arith.addf %add3A_1254, %add3A_1256 : vector<16xf32>
        %swap3A_1258 = arith.constant 9 : i32
        %swap3A_1259 = arith.index_cast %swap3A_1258 : i32 to index
        %swap3A_1260 = arith.constant 0 : index
        %swap3A_1261 = tpu.vector_load %arg11[%swap3A_1259, %swap3A_1260] {strides = array<i32>} : memref<16x17xf32, #tpu.memory_space<vmem>>, vector<16xf32>,
        tpu.vector_store %arg11[%swap3A_1259, %swap3A_1260], %add3A_1257 {strides = array<i32>} : memref<16x17xf32, #tpu.memory_space<vmem>>, vector<16xf32>,
        %add3A_1262 = arith.constant 10 : i32
        %add3A_1263 = arith.addi %mul3A_35, %add3A_1262 : i32
        %broadcast_in_dim3A_1264 = arith.constant 0.000000e+00 : f32
        %broadcast_in_dim3A_1265 = vector.broadcast %broadcast_in_dim3A_1264 : f32 to vector<16xf32>
        %broadcast_in_dim3A_1266 = arith.constant 0.000000e+00 : f32
        %broadcast_in_dim3A_1267 = vector.broadcast %broadcast_in_dim3A_1266 : f32 to vector<16xf32>
        %get3A_1268 = arith.index_cast %add3A_1263 : i32 to index
        %get3A_1269 = arith.constant 0 : index
        %get3A_1270 = tpu.vector_load %arg8[%get3A_1268, %get3A_1269] {strides = array<i32>} : memref<240x256xbf16, #tpu.memory_space<vmem>>, vector<32xbf16>,
        %get3A_1271 = arith.index_cast %add3A_1263 : i32 to index
        %get3A_1272 = arith.constant 0 : index
        %get3A_1273 = tpu.vector_load %arg9[%get3A_1271, %get3A_1272] {strides = array<i32>} : memref<240x256xbf16, #tpu.memory_space<vmem>>, vector<32xbf16>,
        %unpack3A_1274 = tpu.unpack_subelements %get3A_1270, 0 {pack_format = #tpu.pack_format<interleaved>} : vector<32xbf16> -> vector<16xf32>
        %unpack3A_1275 = tpu.unpack_subelements %get3A_1270, 1 {pack_format = #tpu.pack_format<interleaved>} : vector<32xbf16> -> vector<16xf32>
        %unpack3A_1276 = tpu.unpack_subelements %get3A_1273, 0 {pack_format = #tpu.pack_format<interleaved>} : vector<32xbf16> -> vector<16xf32>
        %unpack3A_1277 = tpu.unpack_subelements %get3A_1273, 1 {pack_format = #tpu.pack_format<interleaved>} : vector<32xbf16> -> vector<16xf32>
        %mul3A_1278 = arith.mulf %unpack3A_1274, %unpack3A_1276 : vector<16xf32>
        %add3A_1279 = arith.addf %broadcast_in_dim3A_1265, %mul3A_1278 : vector<16xf32>
        %mul3A_1280 = arith.mulf %unpack3A_1275, %unpack3A_1277 : vector<16xf32>
        %add3A_1281 = arith.addf %broadcast_in_dim3A_1267, %mul3A_1280 : vector<16xf32>
        %get3A_1282 = arith.index_cast %add3A_1263 : i32 to index
        %get3A_1283 = arith.constant 32 : index
        %get3A_1284 = tpu.vector_load %arg8[%get3A_1282, %get3A_1283] {strides = array<i32>} : memref<240x256xbf16, #tpu.memory_space<vmem>>, vector<32xbf16>,
        %get3A_1285 = arith.index_cast %add3A_1263 : i32 to index
        %get3A_1286 = arith.constant 32 : index
        %get3A_1287 = tpu.vector_load %arg9[%get3A_1285, %get3A_1286] {strides = array<i32>} : memref<240x256xbf16, #tpu.memory_space<vmem>>, vector<32xbf16>,
        %unpack3A_1288 = tpu.unpack_subelements %get3A_1284, 0 {pack_format = #tpu.pack_format<interleaved>} : vector<32xbf16> -> vector<16xf32>
        %unpack3A_1289 = tpu.unpack_subelements %get3A_1284, 1 {pack_format = #tpu.pack_format<interleaved>} : vector<32xbf16> -> vector<16xf32>
        %unpack3A_1290 = tpu.unpack_subelements %get3A_1287, 0 {pack_format = #tpu.pack_format<interleaved>} : vector<32xbf16> -> vector<16xf32>
        %unpack3A_1291 = tpu.unpack_subelements %get3A_1287, 1 {pack_format = #tpu.pack_format<interleaved>} : vector<32xbf16> -> vector<16xf32>
        %mul3A_1292 = arith.mulf %unpack3A_1288, %unpack3A_1290 : vector<16xf32>
        %add3A_1293 = arith.addf %add3A_1279, %mul3A_1292 : vector<16xf32>
        %mul3A_1294 = arith.mulf %unpack3A_1289, %unpack3A_1291 : vector<16xf32>
        %add3A_1295 = arith.addf %add3A_1281, %mul3A_1294 : vector<16xf32>
        %get3A_1296 = arith.index_cast %add3A_1263 : i32 to index
        %get3A_1297 = arith.constant 64 : index
        %get3A_1298 = tpu.vector_load %arg8[%get3A_1296, %get3A_1297] {strides = array<i32>} : memref<240x256xbf16, #tpu.memory_space<vmem>>, vector<32xbf16>,
        %get3A_1299 = arith.index_cast %add3A_1263 : i32 to index
        %get3A_1300 = arith.constant 64 : index
        %get3A_1301 = tpu.vector_load %arg9[%get3A_1299, %get3A_1300] {strides = array<i32>} : memref<240x256xbf16, #tpu.memory_space<vmem>>, vector<32xbf16>,
        %unpack3A_1302 = tpu.unpack_subelements %get3A_1298, 0 {pack_format = #tpu.pack_format<interleaved>} : vector<32xbf16> -> vector<16xf32>
        %unpack3A_1303 = tpu.unpack_subelements %get3A_1298, 1 {pack_format = #tpu.pack_format<interleaved>} : vector<32xbf16> -> vector<16xf32>
        %unpack3A_1304 = tpu.unpack_subelements %get3A_1301, 0 {pack_format = #tpu.pack_format<interleaved>} : vector<32xbf16> -> vector<16xf32>
        %unpack3A_1305 = tpu.unpack_subelements %get3A_1301, 1 {pack_format = #tpu.pack_format<interleaved>} : vector<32xbf16> -> vector<16xf32>
        %mul3A_1306 = arith.mulf %unpack3A_1302, %unpack3A_1304 : vector<16xf32>
        %add3A_1307 = arith.addf %add3A_1293, %mul3A_1306 : vector<16xf32>
        %mul3A_1308 = arith.mulf %unpack3A_1303, %unpack3A_1305 : vector<16xf32>
        %add3A_1309 = arith.addf %add3A_1295, %mul3A_1308 : vector<16xf32>
        %get3A_1310 = arith.index_cast %add3A_1263 : i32 to index
        %get3A_1311 = arith.constant 96 : index
        %get3A_1312 = tpu.vector_load %arg8[%get3A_1310, %get3A_1311] {strides = array<i32>} : memref<240x256xbf16, #tpu.memory_space<vmem>>, vector<32xbf16>,
        %get3A_1313 = arith.index_cast %add3A_1263 : i32 to index
        %get3A_1314 = arith.constant 96 : index
        %get3A_1315 = tpu.vector_load %arg9[%get3A_1313, %get3A_1314] {strides = array<i32>} : memref<240x256xbf16, #tpu.memory_space<vmem>>, vector<32xbf16>,
        %unpack3A_1316 = tpu.unpack_subelements %get3A_1312, 0 {pack_format = #tpu.pack_format<interleaved>} : vector<32xbf16> -> vector<16xf32>
        %unpack3A_1317 = tpu.unpack_subelements %get3A_1312, 1 {pack_format = #tpu.pack_format<interleaved>} : vector<32xbf16> -> vector<16xf32>
        %unpack3A_1318 = tpu.unpack_subelements %get3A_1315, 0 {pack_format = #tpu.pack_format<interleaved>} : vector<32xbf16> -> vector<16xf32>
        %unpack3A_1319 = tpu.unpack_subelements %get3A_1315, 1 {pack_format = #tpu.pack_format<interleaved>} : vector<32xbf16> -> vector<16xf32>
        %mul3A_1320 = arith.mulf %unpack3A_1316, %unpack3A_1318 : vector<16xf32>
        %add3A_1321 = arith.addf %add3A_1307, %mul3A_1320 : vector<16xf32>
        %mul3A_1322 = arith.mulf %unpack3A_1317, %unpack3A_1319 : vector<16xf32>
        %add3A_1323 = arith.addf %add3A_1309, %mul3A_1322 : vector<16xf32>
        %get3A_1324 = arith.index_cast %add3A_1263 : i32 to index
        %get3A_1325 = arith.constant 128 : index
        %get3A_1326 = tpu.vector_load %arg8[%get3A_1324, %get3A_1325] {strides = array<i32>} : memref<240x256xbf16, #tpu.memory_space<vmem>>, vector<32xbf16>,
        %get3A_1327 = arith.index_cast %add3A_1263 : i32 to index
        %get3A_1328 = arith.constant 128 : index
        %get3A_1329 = tpu.vector_load %arg9[%get3A_1327, %get3A_1328] {strides = array<i32>} : memref<240x256xbf16, #tpu.memory_space<vmem>>, vector<32xbf16>,
        %unpack3A_1330 = tpu.unpack_subelements %get3A_1326, 0 {pack_format = #tpu.pack_format<interleaved>} : vector<32xbf16> -> vector<16xf32>
        %unpack3A_1331 = tpu.unpack_subelements %get3A_1326, 1 {pack_format = #tpu.pack_format<interleaved>} : vector<32xbf16> -> vector<16xf32>
        %unpack3A_1332 = tpu.unpack_subelements %get3A_1329, 0 {pack_format = #tpu.pack_format<interleaved>} : vector<32xbf16> -> vector<16xf32>
        %unpack3A_1333 = tpu.unpack_subelements %get3A_1329, 1 {pack_format = #tpu.pack_format<interleaved>} : vector<32xbf16> -> vector<16xf32>
        %mul3A_1334 = arith.mulf %unpack3A_1330, %unpack3A_1332 : vector<16xf32>
        %add3A_1335 = arith.addf %add3A_1321, %mul3A_1334 : vector<16xf32>
        %mul3A_1336 = arith.mulf %unpack3A_1331, %unpack3A_1333 : vector<16xf32>
        %add3A_1337 = arith.addf %add3A_1323, %mul3A_1336 : vector<16xf32>
        %get3A_1338 = arith.index_cast %add3A_1263 : i32 to index
        %get3A_1339 = arith.constant 160 : index
        %get3A_1340 = tpu.vector_load %arg8[%get3A_1338, %get3A_1339] {strides = array<i32>} : memref<240x256xbf16, #tpu.memory_space<vmem>>, vector<32xbf16>,
        %get3A_1341 = arith.index_cast %add3A_1263 : i32 to index
        %get3A_1342 = arith.constant 160 : index
        %get3A_1343 = tpu.vector_load %arg9[%get3A_1341, %get3A_1342] {strides = array<i32>} : memref<240x256xbf16, #tpu.memory_space<vmem>>, vector<32xbf16>,
        %unpack3A_1344 = tpu.unpack_subelements %get3A_1340, 0 {pack_format = #tpu.pack_format<interleaved>} : vector<32xbf16> -> vector<16xf32>
        %unpack3A_1345 = tpu.unpack_subelements %get3A_1340, 1 {pack_format = #tpu.pack_format<interleaved>} : vector<32xbf16> -> vector<16xf32>
        %unpack3A_1346 = tpu.unpack_subelements %get3A_1343, 0 {pack_format = #tpu.pack_format<interleaved>} : vector<32xbf16> -> vector<16xf32>
        %unpack3A_1347 = tpu.unpack_subelements %get3A_1343, 1 {pack_format = #tpu.pack_format<interleaved>} : vector<32xbf16> -> vector<16xf32>
        %mul3A_1348 = arith.mulf %unpack3A_1344, %unpack3A_1346 : vector<16xf32>
        %add3A_1349 = arith.addf %add3A_1335, %mul3A_1348 : vector<16xf32>
        %mul3A_1350 = arith.mulf %unpack3A_1345, %unpack3A_1347 : vector<16xf32>
        %add3A_1351 = arith.addf %add3A_1337, %mul3A_1350 : vector<16xf32>
        %get3A_1352 = arith.index_cast %add3A_1263 : i32 to index
        %get3A_1353 = arith.constant 192 : index
        %get3A_1354 = tpu.vector_load %arg8[%get3A_1352, %get3A_1353] {strides = array<i32>} : memref<240x256xbf16, #tpu.memory_space<vmem>>, vector<32xbf16>,
        %get3A_1355 = arith.index_cast %add3A_1263 : i32 to index
        %get3A_1356 = arith.constant 192 : index
        %get3A_1357 = tpu.vector_load %arg9[%get3A_1355, %get3A_1356] {strides = array<i32>} : memref<240x256xbf16, #tpu.memory_space<vmem>>, vector<32xbf16>,
        %unpack3A_1358 = tpu.unpack_subelements %get3A_1354, 0 {pack_format = #tpu.pack_format<interleaved>} : vector<32xbf16> -> vector<16xf32>
        %unpack3A_1359 = tpu.unpack_subelements %get3A_1354, 1 {pack_format = #tpu.pack_format<interleaved>} : vector<32xbf16> -> vector<16xf32>
        %unpack3A_1360 = tpu.unpack_subelements %get3A_1357, 0 {pack_format = #tpu.pack_format<interleaved>} : vector<32xbf16> -> vector<16xf32>
        %unpack3A_1361 = tpu.unpack_subelements %get3A_1357, 1 {pack_format = #tpu.pack_format<interleaved>} : vector<32xbf16> -> vector<16xf32>
        %mul3A_1362 = arith.mulf %unpack3A_1358, %unpack3A_1360 : vector<16xf32>
        %add3A_1363 = arith.addf %add3A_1349, %mul3A_1362 : vector<16xf32>
        %mul3A_1364 = arith.mulf %unpack3A_1359, %unpack3A_1361 : vector<16xf32>
        %add3A_1365 = arith.addf %add3A_1351, %mul3A_1364 : vector<16xf32>
        %get3A_1366 = arith.index_cast %add3A_1263 : i32 to index
        %get3A_1367 = arith.constant 224 : index
        %get3A_1368 = tpu.vector_load %arg8[%get3A_1366, %get3A_1367] {strides = array<i32>} : memref<240x256xbf16, #tpu.memory_space<vmem>>, vector<32xbf16>,
        %get3A_1369 = arith.index_cast %add3A_1263 : i32 to index
        %get3A_1370 = arith.constant 224 : index
        %get3A_1371 = tpu.vector_load %arg9[%get3A_1369, %get3A_1370] {strides = array<i32>} : memref<240x256xbf16, #tpu.memory_space<vmem>>, vector<32xbf16>,
        %unpack3A_1372 = tpu.unpack_subelements %get3A_1368, 0 {pack_format = #tpu.pack_format<interleaved>} : vector<32xbf16> -> vector<16xf32>
        %unpack3A_1373 = tpu.unpack_subelements %get3A_1368, 1 {pack_format = #tpu.pack_format<interleaved>} : vector<32xbf16> -> vector<16xf32>
        %unpack3A_1374 = tpu.unpack_subelements %get3A_1371, 0 {pack_format = #tpu.pack_format<interleaved>} : vector<32xbf16> -> vector<16xf32>
        %unpack3A_1375 = tpu.unpack_subelements %get3A_1371, 1 {pack_format = #tpu.pack_format<interleaved>} : vector<32xbf16> -> vector<16xf32>
        %mul3A_1376 = arith.mulf %unpack3A_1372, %unpack3A_1374 : vector<16xf32>
        %add3A_1377 = arith.addf %add3A_1363, %mul3A_1376 : vector<16xf32>
        %mul3A_1378 = arith.mulf %unpack3A_1373, %unpack3A_1375 : vector<16xf32>
        %add3A_1379 = arith.addf %add3A_1365, %mul3A_1378 : vector<16xf32>
        %add3A_1380 = arith.addf %add3A_1377, %add3A_1379 : vector<16xf32>
        %swap3A_1381 = arith.constant 10 : i32
        %swap3A_1382 = arith.index_cast %swap3A_1381 : i32 to index
        %swap3A_1383 = arith.constant 0 : index
        %swap3A_1384 = tpu.vector_load %arg11[%swap3A_1382, %swap3A_1383] {strides = array<i32>} : memref<16x17xf32, #tpu.memory_space<vmem>>, vector<16xf32>,
        tpu.vector_store %arg11[%swap3A_1382, %swap3A_1383], %add3A_1380 {strides = array<i32>} : memref<16x17xf32, #tpu.memory_space<vmem>>, vector<16xf32>,
        %add3A_1385 = arith.constant 11 : i32
        %add3A_1386 = arith.addi %mul3A_35, %add3A_1385 : i32
        %broadcast_in_dim3A_1387 = arith.constant 0.000000e+00 : f32
        %broadcast_in_dim3A_1388 = vector.broadcast %broadcast_in_dim3A_1387 : f32 to vector<16xf32>
        %broadcast_in_dim3A_1389 = arith.constant 0.000000e+00 : f32
        %broadcast_in_dim3A_1390 = vector.broadcast %broadcast_in_dim3A_1389 : f32 to vector<16xf32>
        %get3A_1391 = arith.index_cast %add3A_1386 : i32 to index
        %get3A_1392 = arith.constant 0 : index
        %get3A_1393 = tpu.vector_load %arg8[%get3A_1391, %get3A_1392] {strides = array<i32>} : memref<240x256xbf16, #tpu.memory_space<vmem>>, vector<32xbf16>,
        %get3A_1394 = arith.index_cast %add3A_1386 : i32 to index
        %get3A_1395 = arith.constant 0 : index
        %get3A_1396 = tpu.vector_load %arg9[%get3A_1394, %get3A_1395] {strides = array<i32>} : memref<240x256xbf16, #tpu.memory_space<vmem>>, vector<32xbf16>,
        %unpack3A_1397 = tpu.unpack_subelements %get3A_1393, 0 {pack_format = #tpu.pack_format<interleaved>} : vector<32xbf16> -> vector<16xf32>
        %unpack3A_1398 = tpu.unpack_subelements %get3A_1393, 1 {pack_format = #tpu.pack_format<interleaved>} : vector<32xbf16> -> vector<16xf32>
        %unpack3A_1399 = tpu.unpack_subelements %get3A_1396, 0 {pack_format = #tpu.pack_format<interleaved>} : vector<32xbf16> -> vector<16xf32>
        %unpack3A_1400 = tpu.unpack_subelements %get3A_1396, 1 {pack_format = #tpu.pack_format<interleaved>} : vector<32xbf16> -> vector<16xf32>
        %mul3A_1401 = arith.mulf %unpack3A_1397, %unpack3A_1399 : vector<16xf32>
        %add3A_1402 = arith.addf %broadcast_in_dim3A_1388, %mul3A_1401 : vector<16xf32>
        %mul3A_1403 = arith.mulf %unpack3A_1398, %unpack3A_1400 : vector<16xf32>
        %add3A_1404 = arith.addf %broadcast_in_dim3A_1390, %mul3A_1403 : vector<16xf32>
        %get3A_1405 = arith.index_cast %add3A_1386 : i32 to index
        %get3A_1406 = arith.constant 32 : index
        %get3A_1407 = tpu.vector_load %arg8[%get3A_1405, %get3A_1406] {strides = array<i32>} : memref<240x256xbf16, #tpu.memory_space<vmem>>, vector<32xbf16>,
        %get3A_1408 = arith.index_cast %add3A_1386 : i32 to index
        %get3A_1409 = arith.constant 32 : index
        %get3A_1410 = tpu.vector_load %arg9[%get3A_1408, %get3A_1409] {strides = array<i32>} : memref<240x256xbf16, #tpu.memory_space<vmem>>, vector<32xbf16>,
        %unpack3A_1411 = tpu.unpack_subelements %get3A_1407, 0 {pack_format = #tpu.pack_format<interleaved>} : vector<32xbf16> -> vector<16xf32>
        %unpack3A_1412 = tpu.unpack_subelements %get3A_1407, 1 {pack_format = #tpu.pack_format<interleaved>} : vector<32xbf16> -> vector<16xf32>
        %unpack3A_1413 = tpu.unpack_subelements %get3A_1410, 0 {pack_format = #tpu.pack_format<interleaved>} : vector<32xbf16> -> vector<16xf32>
        %unpack3A_1414 = tpu.unpack_subelements %get3A_1410, 1 {pack_format = #tpu.pack_format<interleaved>} : vector<32xbf16> -> vector<16xf32>
        %mul3A_1415 = arith.mulf %unpack3A_1411, %unpack3A_1413 : vector<16xf32>
        %add3A_1416 = arith.addf %add3A_1402, %mul3A_1415 : vector<16xf32>
        %mul3A_1417 = arith.mulf %unpack3A_1412, %unpack3A_1414 : vector<16xf32>
        %add3A_1418 = arith.addf %add3A_1404, %mul3A_1417 : vector<16xf32>
        %get3A_1419 = arith.index_cast %add3A_1386 : i32 to index
        %get3A_1420 = arith.constant 64 : index
        %get3A_1421 = tpu.vector_load %arg8[%get3A_1419, %get3A_1420] {strides = array<i32>} : memref<240x256xbf16, #tpu.memory_space<vmem>>, vector<32xbf16>,
        %get3A_1422 = arith.index_cast %add3A_1386 : i32 to index
        %get3A_1423 = arith.constant 64 : index
        %get3A_1424 = tpu.vector_load %arg9[%get3A_1422, %get3A_1423] {strides = array<i32>} : memref<240x256xbf16, #tpu.memory_space<vmem>>, vector<32xbf16>,
        %unpack3A_1425 = tpu.unpack_subelements %get3A_1421, 0 {pack_format = #tpu.pack_format<interleaved>} : vector<32xbf16> -> vector<16xf32>
        %unpack3A_1426 = tpu.unpack_subelements %get3A_1421, 1 {pack_format = #tpu.pack_format<interleaved>} : vector<32xbf16> -> vector<16xf32>
        %unpack3A_1427 = tpu.unpack_subelements %get3A_1424, 0 {pack_format = #tpu.pack_format<interleaved>} : vector<32xbf16> -> vector<16xf32>
        %unpack3A_1428 = tpu.unpack_subelements %get3A_1424, 1 {pack_format = #tpu.pack_format<interleaved>} : vector<32xbf16> -> vector<16xf32>
        %mul3A_1429 = arith.mulf %unpack3A_1425, %unpack3A_1427 : vector<16xf32>
        %add3A_1430 = arith.addf %add3A_1416, %mul3A_1429 : vector<16xf32>
        %mul3A_1431 = arith.mulf %unpack3A_1426, %unpack3A_1428 : vector<16xf32>
        %add3A_1432 = arith.addf %add3A_1418, %mul3A_1431 : vector<16xf32>
        %get3A_1433 = arith.index_cast %add3A_1386 : i32 to index
        %get3A_1434 = arith.constant 96 : index
        %get3A_1435 = tpu.vector_load %arg8[%get3A_1433, %get3A_1434] {strides = array<i32>} : memref<240x256xbf16, #tpu.memory_space<vmem>>, vector<32xbf16>,
        %get3A_1436 = arith.index_cast %add3A_1386 : i32 to index
        %get3A_1437 = arith.constant 96 : index
        %get3A_1438 = tpu.vector_load %arg9[%get3A_1436, %get3A_1437] {strides = array<i32>} : memref<240x256xbf16, #tpu.memory_space<vmem>>, vector<32xbf16>,
        %unpack3A_1439 = tpu.unpack_subelements %get3A_1435, 0 {pack_format = #tpu.pack_format<interleaved>} : vector<32xbf16> -> vector<16xf32>
        %unpack3A_1440 = tpu.unpack_subelements %get3A_1435, 1 {pack_format = #tpu.pack_format<interleaved>} : vector<32xbf16> -> vector<16xf32>
        %unpack3A_1441 = tpu.unpack_subelements %get3A_1438, 0 {pack_format = #tpu.pack_format<interleaved>} : vector<32xbf16> -> vector<16xf32>
        %unpack3A_1442 = tpu.unpack_subelements %get3A_1438, 1 {pack_format = #tpu.pack_format<interleaved>} : vector<32xbf16> -> vector<16xf32>
        %mul3A_1443 = arith.mulf %unpack3A_1439, %unpack3A_1441 : vector<16xf32>
        %add3A_1444 = arith.addf %add3A_1430, %mul3A_1443 : vector<16xf32>
        %mul3A_1445 = arith.mulf %unpack3A_1440, %unpack3A_1442 : vector<16xf32>
        %add3A_1446 = arith.addf %add3A_1432, %mul3A_1445 : vector<16xf32>
        %get3A_1447 = arith.index_cast %add3A_1386 : i32 to index
        %get3A_1448 = arith.constant 128 : index
        %get3A_1449 = tpu.vector_load %arg8[%get3A_1447, %get3A_1448] {strides = array<i32>} : memref<240x256xbf16, #tpu.memory_space<vmem>>, vector<32xbf16>,
        %get3A_1450 = arith.index_cast %add3A_1386 : i32 to index
        %get3A_1451 = arith.constant 128 : index
        %get3A_1452 = tpu.vector_load %arg9[%get3A_1450, %get3A_1451] {strides = array<i32>} : memref<240x256xbf16, #tpu.memory_space<vmem>>, vector<32xbf16>,
        %unpack3A_1453 = tpu.unpack_subelements %get3A_1449, 0 {pack_format = #tpu.pack_format<interleaved>} : vector<32xbf16> -> vector<16xf32>
        %unpack3A_1454 = tpu.unpack_subelements %get3A_1449, 1 {pack_format = #tpu.pack_format<interleaved>} : vector<32xbf16> -> vector<16xf32>
        %unpack3A_1455 = tpu.unpack_subelements %get3A_1452, 0 {pack_format = #tpu.pack_format<interleaved>} : vector<32xbf16> -> vector<16xf32>
        %unpack3A_1456 = tpu.unpack_subelements %get3A_1452, 1 {pack_format = #tpu.pack_format<interleaved>} : vector<32xbf16> -> vector<16xf32>
        %mul3A_1457 = arith.mulf %unpack3A_1453, %unpack3A_1455 : vector<16xf32>
        %add3A_1458 = arith.addf %add3A_1444, %mul3A_1457 : vector<16xf32>
        %mul3A_1459 = arith.mulf %unpack3A_1454, %unpack3A_1456 : vector<16xf32>
        %add3A_1460 = arith.addf %add3A_1446, %mul3A_1459 : vector<16xf32>
        %get3A_1461 = arith.index_cast %add3A_1386 : i32 to index
        %get3A_1462 = arith.constant 160 : index
        %get3A_1463 = tpu.vector_load %arg8[%get3A_1461, %get3A_1462] {strides = array<i32>} : memref<240x256xbf16, #tpu.memory_space<vmem>>, vector<32xbf16>,
        %get3A_1464 = arith.index_cast %add3A_1386 : i32 to index
        %get3A_1465 = arith.constant 160 : index
        %get3A_1466 = tpu.vector_load %arg9[%get3A_1464, %get3A_1465] {strides = array<i32>} : memref<240x256xbf16, #tpu.memory_space<vmem>>, vector<32xbf16>,
        %unpack3A_1467 = tpu.unpack_subelements %get3A_1463, 0 {pack_format = #tpu.pack_format<interleaved>} : vector<32xbf16> -> vector<16xf32>
        %unpack3A_1468 = tpu.unpack_subelements %get3A_1463, 1 {pack_format = #tpu.pack_format<interleaved>} : vector<32xbf16> -> vector<16xf32>
        %unpack3A_1469 = tpu.unpack_subelements %get3A_1466, 0 {pack_format = #tpu.pack_format<interleaved>} : vector<32xbf16> -> vector<16xf32>
        %unpack3A_1470 = tpu.unpack_subelements %get3A_1466, 1 {pack_format = #tpu.pack_format<interleaved>} : vector<32xbf16> -> vector<16xf32>
        %mul3A_1471 = arith.mulf %unpack3A_1467, %unpack3A_1469 : vector<16xf32>
        %add3A_1472 = arith.addf %add3A_1458, %mul3A_1471 : vector<16xf32>
        %mul3A_1473 = arith.mulf %unpack3A_1468, %unpack3A_1470 : vector<16xf32>
        %add3A_1474 = arith.addf %add3A_1460, %mul3A_1473 : vector<16xf32>
        %get3A_1475 = arith.index_cast %add3A_1386 : i32 to index
        %get3A_1476 = arith.constant 192 : index
        %get3A_1477 = tpu.vector_load %arg8[%get3A_1475, %get3A_1476] {strides = array<i32>} : memref<240x256xbf16, #tpu.memory_space<vmem>>, vector<32xbf16>,
        %get3A_1478 = arith.index_cast %add3A_1386 : i32 to index
        %get3A_1479 = arith.constant 192 : index
        %get3A_1480 = tpu.vector_load %arg9[%get3A_1478, %get3A_1479] {strides = array<i32>} : memref<240x256xbf16, #tpu.memory_space<vmem>>, vector<32xbf16>,
        %unpack3A_1481 = tpu.unpack_subelements %get3A_1477, 0 {pack_format = #tpu.pack_format<interleaved>} : vector<32xbf16> -> vector<16xf32>
        %unpack3A_1482 = tpu.unpack_subelements %get3A_1477, 1 {pack_format = #tpu.pack_format<interleaved>} : vector<32xbf16> -> vector<16xf32>
        %unpack3A_1483 = tpu.unpack_subelements %get3A_1480, 0 {pack_format = #tpu.pack_format<interleaved>} : vector<32xbf16> -> vector<16xf32>
        %unpack3A_1484 = tpu.unpack_subelements %get3A_1480, 1 {pack_format = #tpu.pack_format<interleaved>} : vector<32xbf16> -> vector<16xf32>
        %mul3A_1485 = arith.mulf %unpack3A_1481, %unpack3A_1483 : vector<16xf32>
        %add3A_1486 = arith.addf %add3A_1472, %mul3A_1485 : vector<16xf32>
        %mul3A_1487 = arith.mulf %unpack3A_1482, %unpack3A_1484 : vector<16xf32>
        %add3A_1488 = arith.addf %add3A_1474, %mul3A_1487 : vector<16xf32>
        %get3A_1489 = arith.index_cast %add3A_1386 : i32 to index
        %get3A_1490 = arith.constant 224 : index
        %get3A_1491 = tpu.vector_load %arg8[%get3A_1489, %get3A_1490] {strides = array<i32>} : memref<240x256xbf16, #tpu.memory_space<vmem>>, vector<32xbf16>,
        %get3A_1492 = arith.index_cast %add3A_1386 : i32 to index
        %get3A_1493 = arith.constant 224 : index
        %get3A_1494 = tpu.vector_load %arg9[%get3A_1492, %get3A_1493] {strides = array<i32>} : memref<240x256xbf16, #tpu.memory_space<vmem>>, vector<32xbf16>,
        %unpack3A_1495 = tpu.unpack_subelements %get3A_1491, 0 {pack_format = #tpu.pack_format<interleaved>} : vector<32xbf16> -> vector<16xf32>
        %unpack3A_1496 = tpu.unpack_subelements %get3A_1491, 1 {pack_format = #tpu.pack_format<interleaved>} : vector<32xbf16> -> vector<16xf32>
        %unpack3A_1497 = tpu.unpack_subelements %get3A_1494, 0 {pack_format = #tpu.pack_format<interleaved>} : vector<32xbf16> -> vector<16xf32>
        %unpack3A_1498 = tpu.unpack_subelements %get3A_1494, 1 {pack_format = #tpu.pack_format<interleaved>} : vector<32xbf16> -> vector<16xf32>
        %mul3A_1499 = arith.mulf %unpack3A_1495, %unpack3A_1497 : vector<16xf32>
        %add3A_1500 = arith.addf %add3A_1486, %mul3A_1499 : vector<16xf32>
        %mul3A_1501 = arith.mulf %unpack3A_1496, %unpack3A_1498 : vector<16xf32>
        %add3A_1502 = arith.addf %add3A_1488, %mul3A_1501 : vector<16xf32>
        %add3A_1503 = arith.addf %add3A_1500, %add3A_1502 : vector<16xf32>
        %swap3A_1504 = arith.constant 11 : i32
        %swap3A_1505 = arith.index_cast %swap3A_1504 : i32 to index
        %swap3A_1506 = arith.constant 0 : index
        %swap3A_1507 = tpu.vector_load %arg11[%swap3A_1505, %swap3A_1506] {strides = array<i32>} : memref<16x17xf32, #tpu.memory_space<vmem>>, vector<16xf32>,
        tpu.vector_store %arg11[%swap3A_1505, %swap3A_1506], %add3A_1503 {strides = array<i32>} : memref<16x17xf32, #tpu.memory_space<vmem>>, vector<16xf32>,
        %add3A_1508 = arith.constant 12 : i32
        %add3A_1509 = arith.addi %mul3A_35, %add3A_1508 : i32
        %broadcast_in_dim3A_1510 = arith.constant 0.000000e+00 : f32
        %broadcast_in_dim3A_1511 = vector.broadcast %broadcast_in_dim3A_1510 : f32 to vector<16xf32>
        %broadcast_in_dim3A_1512 = arith.constant 0.000000e+00 : f32
        %broadcast_in_dim3A_1513 = vector.broadcast %broadcast_in_dim3A_1512 : f32 to vector<16xf32>
        %get3A_1514 = arith.index_cast %add3A_1509 : i32 to index
        %get3A_1515 = arith.constant 0 : index
        %get3A_1516 = tpu.vector_load %arg8[%get3A_1514, %get3A_1515] {strides = array<i32>} : memref<240x256xbf16, #tpu.memory_space<vmem>>, vector<32xbf16>,
        %get3A_1517 = arith.index_cast %add3A_1509 : i32 to index
        %get3A_1518 = arith.constant 0 : index
        %get3A_1519 = tpu.vector_load %arg9[%get3A_1517, %get3A_1518] {strides = array<i32>} : memref<240x256xbf16, #tpu.memory_space<vmem>>, vector<32xbf16>,
        %unpack3A_1520 = tpu.unpack_subelements %get3A_1516, 0 {pack_format = #tpu.pack_format<interleaved>} : vector<32xbf16> -> vector<16xf32>
        %unpack3A_1521 = tpu.unpack_subelements %get3A_1516, 1 {pack_format = #tpu.pack_format<interleaved>} : vector<32xbf16> -> vector<16xf32>
        %unpack3A_1522 = tpu.unpack_subelements %get3A_1519, 0 {pack_format = #tpu.pack_format<interleaved>} : vector<32xbf16> -> vector<16xf32>
        %unpack3A_1523 = tpu.unpack_subelements %get3A_1519, 1 {pack_format = #tpu.pack_format<interleaved>} : vector<32xbf16> -> vector<16xf32>
        %mul3A_1524 = arith.mulf %unpack3A_1520, %unpack3A_1522 : vector<16xf32>
        %add3A_1525 = arith.addf %broadcast_in_dim3A_1511, %mul3A_1524 : vector<16xf32>
        %mul3A_1526 = arith.mulf %unpack3A_1521, %unpack3A_1523 : vector<16xf32>
        %add3A_1527 = arith.addf %broadcast_in_dim3A_1513, %mul3A_1526 : vector<16xf32>
        %get3A_1528 = arith.index_cast %add3A_1509 : i32 to index
        %get3A_1529 = arith.constant 32 : index
        %get3A_1530 = tpu.vector_load %arg8[%get3A_1528, %get3A_1529] {strides = array<i32>} : memref<240x256xbf16, #tpu.memory_space<vmem>>, vector<32xbf16>,
        %get3A_1531 = arith.index_cast %add3A_1509 : i32 to index
        %get3A_1532 = arith.constant 32 : index
        %get3A_1533 = tpu.vector_load %arg9[%get3A_1531, %get3A_1532] {strides = array<i32>} : memref<240x256xbf16, #tpu.memory_space<vmem>>, vector<32xbf16>,
        %unpack3A_1534 = tpu.unpack_subelements %get3A_1530, 0 {pack_format = #tpu.pack_format<interleaved>} : vector<32xbf16> -> vector<16xf32>
        %unpack3A_1535 = tpu.unpack_subelements %get3A_1530, 1 {pack_format = #tpu.pack_format<interleaved>} : vector<32xbf16> -> vector<16xf32>
        %unpack3A_1536 = tpu.unpack_subelements %get3A_1533, 0 {pack_format = #tpu.pack_format<interleaved>} : vector<32xbf16> -> vector<16xf32>
        %unpack3A_1537 = tpu.unpack_subelements %get3A_1533, 1 {pack_format = #tpu.pack_format<interleaved>} : vector<32xbf16> -> vector<16xf32>
        %mul3A_1538 = arith.mulf %unpack3A_1534, %unpack3A_1536 : vector<16xf32>
        %add3A_1539 = arith.addf %add3A_1525, %mul3A_1538 : vector<16xf32>
        %mul3A_1540 = arith.mulf %unpack3A_1535, %unpack3A_1537 : vector<16xf32>
        %add3A_1541 = arith.addf %add3A_1527, %mul3A_1540 : vector<16xf32>
        %get3A_1542 = arith.index_cast %add3A_1509 : i32 to index
        %get3A_1543 = arith.constant 64 : index
        %get3A_1544 = tpu.vector_load %arg8[%get3A_1542, %get3A_1543] {strides = array<i32>} : memref<240x256xbf16, #tpu.memory_space<vmem>>, vector<32xbf16>,
        %get3A_1545 = arith.index_cast %add3A_1509 : i32 to index
        %get3A_1546 = arith.constant 64 : index
        %get3A_1547 = tpu.vector_load %arg9[%get3A_1545, %get3A_1546] {strides = array<i32>} : memref<240x256xbf16, #tpu.memory_space<vmem>>, vector<32xbf16>,
        %unpack3A_1548 = tpu.unpack_subelements %get3A_1544, 0 {pack_format = #tpu.pack_format<interleaved>} : vector<32xbf16> -> vector<16xf32>
        %unpack3A_1549 = tpu.unpack_subelements %get3A_1544, 1 {pack_format = #tpu.pack_format<interleaved>} : vector<32xbf16> -> vector<16xf32>
        %unpack3A_1550 = tpu.unpack_subelements %get3A_1547, 0 {pack_format = #tpu.pack_format<interleaved>} : vector<32xbf16> -> vector<16xf32>
        %unpack3A_1551 = tpu.unpack_subelements %get3A_1547, 1 {pack_format = #tpu.pack_format<interleaved>} : vector<32xbf16> -> vector<16xf32>
        %mul3A_1552 = arith.mulf %unpack3A_1548, %unpack3A_1550 : vector<16xf32>
        %add3A_1553 = arith.addf %add3A_1539, %mul3A_1552 : vector<16xf32>
        %mul3A_1554 = arith.mulf %unpack3A_1549, %unpack3A_1551 : vector<16xf32>
        %add3A_1555 = arith.addf %add3A_1541, %mul3A_1554 : vector<16xf32>
        %get3A_1556 = arith.index_cast %add3A_1509 : i32 to index
        %get3A_1557 = arith.constant 96 : index
        %get3A_1558 = tpu.vector_load %arg8[%get3A_1556, %get3A_1557] {strides = array<i32>} : memref<240x256xbf16, #tpu.memory_space<vmem>>, vector<32xbf16>,
        %get3A_1559 = arith.index_cast %add3A_1509 : i32 to index
        %get3A_1560 = arith.constant 96 : index
        %get3A_1561 = tpu.vector_load %arg9[%get3A_1559, %get3A_1560] {strides = array<i32>} : memref<240x256xbf16, #tpu.memory_space<vmem>>, vector<32xbf16>,
        %unpack3A_1562 = tpu.unpack_subelements %get3A_1558, 0 {pack_format = #tpu.pack_format<interleaved>} : vector<32xbf16> -> vector<16xf32>
        %unpack3A_1563 = tpu.unpack_subelements %get3A_1558, 1 {pack_format = #tpu.pack_format<interleaved>} : vector<32xbf16> -> vector<16xf32>
        %unpack3A_1564 = tpu.unpack_subelements %get3A_1561, 0 {pack_format = #tpu.pack_format<interleaved>} : vector<32xbf16> -> vector<16xf32>
        %unpack3A_1565 = tpu.unpack_subelements %get3A_1561, 1 {pack_format = #tpu.pack_format<interleaved>} : vector<32xbf16> -> vector<16xf32>
        %mul3A_1566 = arith.mulf %unpack3A_1562, %unpack3A_1564 : vector<16xf32>
        %add3A_1567 = arith.addf %add3A_1553, %mul3A_1566 : vector<16xf32>
        %mul3A_1568 = arith.mulf %unpack3A_1563, %unpack3A_1565 : vector<16xf32>
        %add3A_1569 = arith.addf %add3A_1555, %mul3A_1568 : vector<16xf32>
        %get3A_1570 = arith.index_cast %add3A_1509 : i32 to index
        %get3A_1571 = arith.constant 128 : index
        %get3A_1572 = tpu.vector_load %arg8[%get3A_1570, %get3A_1571] {strides = array<i32>} : memref<240x256xbf16, #tpu.memory_space<vmem>>, vector<32xbf16>,
        %get3A_1573 = arith.index_cast %add3A_1509 : i32 to index
        %get3A_1574 = arith.constant 128 : index
        %get3A_1575 = tpu.vector_load %arg9[%get3A_1573, %get3A_1574] {strides = array<i32>} : memref<240x256xbf16, #tpu.memory_space<vmem>>, vector<32xbf16>,
        %unpack3A_1576 = tpu.unpack_subelements %get3A_1572, 0 {pack_format = #tpu.pack_format<interleaved>} : vector<32xbf16> -> vector<16xf32>
        %unpack3A_1577 = tpu.unpack_subelements %get3A_1572, 1 {pack_format = #tpu.pack_format<interleaved>} : vector<32xbf16> -> vector<16xf32>
        %unpack3A_1578 = tpu.unpack_subelements %get3A_1575, 0 {pack_format = #tpu.pack_format<interleaved>} : vector<32xbf16> -> vector<16xf32>
        %unpack3A_1579 = tpu.unpack_subelements %get3A_1575, 1 {pack_format = #tpu.pack_format<interleaved>} : vector<32xbf16> -> vector<16xf32>
        %mul3A_1580 = arith.mulf %unpack3A_1576, %unpack3A_1578 : vector<16xf32>
        %add3A_1581 = arith.addf %add3A_1567, %mul3A_1580 : vector<16xf32>
        %mul3A_1582 = arith.mulf %unpack3A_1577, %unpack3A_1579 : vector<16xf32>
        %add3A_1583 = arith.addf %add3A_1569, %mul3A_1582 : vector<16xf32>
        %get3A_1584 = arith.index_cast %add3A_1509 : i32 to index
        %get3A_1585 = arith.constant 160 : index
        %get3A_1586 = tpu.vector_load %arg8[%get3A_1584, %get3A_1585] {strides = array<i32>} : memref<240x256xbf16, #tpu.memory_space<vmem>>, vector<32xbf16>,
        %get3A_1587 = arith.index_cast %add3A_1509 : i32 to index
        %get3A_1588 = arith.constant 160 : index
        %get3A_1589 = tpu.vector_load %arg9[%get3A_1587, %get3A_1588] {strides = array<i32>} : memref<240x256xbf16, #tpu.memory_space<vmem>>, vector<32xbf16>,
        %unpack3A_1590 = tpu.unpack_subelements %get3A_1586, 0 {pack_format = #tpu.pack_format<interleaved>} : vector<32xbf16> -> vector<16xf32>
        %unpack3A_1591 = tpu.unpack_subelements %get3A_1586, 1 {pack_format = #tpu.pack_format<interleaved>} : vector<32xbf16> -> vector<16xf32>
        %unpack3A_1592 = tpu.unpack_subelements %get3A_1589, 0 {pack_format = #tpu.pack_format<interleaved>} : vector<32xbf16> -> vector<16xf32>
        %unpack3A_1593 = tpu.unpack_subelements %get3A_1589, 1 {pack_format = #tpu.pack_format<interleaved>} : vector<32xbf16> -> vector<16xf32>
        %mul3A_1594 = arith.mulf %unpack3A_1590, %unpack3A_1592 : vector<16xf32>
        %add3A_1595 = arith.addf %add3A_1581, %mul3A_1594 : vector<16xf32>
        %mul3A_1596 = arith.mulf %unpack3A_1591, %unpack3A_1593 : vector<16xf32>
        %add3A_1597 = arith.addf %add3A_1583, %mul3A_1596 : vector<16xf32>
        %get3A_1598 = arith.index_cast %add3A_1509 : i32 to index
        %get3A_1599 = arith.constant 192 : index
        %get3A_1600 = tpu.vector_load %arg8[%get3A_1598, %get3A_1599] {strides = array<i32>} : memref<240x256xbf16, #tpu.memory_space<vmem>>, vector<32xbf16>,
        %get3A_1601 = arith.index_cast %add3A_1509 : i32 to index
        %get3A_1602 = arith.constant 192 : index
        %get3A_1603 = tpu.vector_load %arg9[%get3A_1601, %get3A_1602] {strides = array<i32>} : memref<240x256xbf16, #tpu.memory_space<vmem>>, vector<32xbf16>,
        %unpack3A_1604 = tpu.unpack_subelements %get3A_1600, 0 {pack_format = #tpu.pack_format<interleaved>} : vector<32xbf16> -> vector<16xf32>
        %unpack3A_1605 = tpu.unpack_subelements %get3A_1600, 1 {pack_format = #tpu.pack_format<interleaved>} : vector<32xbf16> -> vector<16xf32>
        %unpack3A_1606 = tpu.unpack_subelements %get3A_1603, 0 {pack_format = #tpu.pack_format<interleaved>} : vector<32xbf16> -> vector<16xf32>
        %unpack3A_1607 = tpu.unpack_subelements %get3A_1603, 1 {pack_format = #tpu.pack_format<interleaved>} : vector<32xbf16> -> vector<16xf32>
        %mul3A_1608 = arith.mulf %unpack3A_1604, %unpack3A_1606 : vector<16xf32>
        %add3A_1609 = arith.addf %add3A_1595, %mul3A_1608 : vector<16xf32>
        %mul3A_1610 = arith.mulf %unpack3A_1605, %unpack3A_1607 : vector<16xf32>
        %add3A_1611 = arith.addf %add3A_1597, %mul3A_1610 : vector<16xf32>
        %get3A_1612 = arith.index_cast %add3A_1509 : i32 to index
        %get3A_1613 = arith.constant 224 : index
        %get3A_1614 = tpu.vector_load %arg8[%get3A_1612, %get3A_1613] {strides = array<i32>} : memref<240x256xbf16, #tpu.memory_space<vmem>>, vector<32xbf16>,
        %get3A_1615 = arith.index_cast %add3A_1509 : i32 to index
        %get3A_1616 = arith.constant 224 : index
        %get3A_1617 = tpu.vector_load %arg9[%get3A_1615, %get3A_1616] {strides = array<i32>} : memref<240x256xbf16, #tpu.memory_space<vmem>>, vector<32xbf16>,
        %unpack3A_1618 = tpu.unpack_subelements %get3A_1614, 0 {pack_format = #tpu.pack_format<interleaved>} : vector<32xbf16> -> vector<16xf32>
        %unpack3A_1619 = tpu.unpack_subelements %get3A_1614, 1 {pack_format = #tpu.pack_format<interleaved>} : vector<32xbf16> -> vector<16xf32>
        %unpack3A_1620 = tpu.unpack_subelements %get3A_1617, 0 {pack_format = #tpu.pack_format<interleaved>} : vector<32xbf16> -> vector<16xf32>
        %unpack3A_1621 = tpu.unpack_subelements %get3A_1617, 1 {pack_format = #tpu.pack_format<interleaved>} : vector<32xbf16> -> vector<16xf32>
        %mul3A_1622 = arith.mulf %unpack3A_1618, %unpack3A_1620 : vector<16xf32>
        %add3A_1623 = arith.addf %add3A_1609, %mul3A_1622 : vector<16xf32>
        %mul3A_1624 = arith.mulf %unpack3A_1619, %unpack3A_1621 : vector<16xf32>
        %add3A_1625 = arith.addf %add3A_1611, %mul3A_1624 : vector<16xf32>
        %add3A_1626 = arith.addf %add3A_1623, %add3A_1625 : vector<16xf32>
        %swap3A_1627 = arith.constant 12 : i32
        %swap3A_1628 = arith.index_cast %swap3A_1627 : i32 to index
        %swap3A_1629 = arith.constant 0 : index
        %swap3A_1630 = tpu.vector_load %arg11[%swap3A_1628, %swap3A_1629] {strides = array<i32>} : memref<16x17xf32, #tpu.memory_space<vmem>>, vector<16xf32>,
        tpu.vector_store %arg11[%swap3A_1628, %swap3A_1629], %add3A_1626 {strides = array<i32>} : memref<16x17xf32, #tpu.memory_space<vmem>>, vector<16xf32>,
        %add3A_1631 = arith.constant 13 : i32
        %add3A_1632 = arith.addi %mul3A_35, %add3A_1631 : i32
        %broadcast_in_dim3A_1633 = arith.constant 0.000000e+00 : f32
        %broadcast_in_dim3A_1634 = vector.broadcast %broadcast_in_dim3A_1633 : f32 to vector<16xf32>
        %broadcast_in_dim3A_1635 = arith.constant 0.000000e+00 : f32
        %broadcast_in_dim3A_1636 = vector.broadcast %broadcast_in_dim3A_1635 : f32 to vector<16xf32>
        %get3A_1637 = arith.index_cast %add3A_1632 : i32 to index
        %get3A_1638 = arith.constant 0 : index
        %get3A_1639 = tpu.vector_load %arg8[%get3A_1637, %get3A_1638] {strides = array<i32>} : memref<240x256xbf16, #tpu.memory_space<vmem>>, vector<32xbf16>,
        %get3A_1640 = arith.index_cast %add3A_1632 : i32 to index
        %get3A_1641 = arith.constant 0 : index
        %get3A_1642 = tpu.vector_load %arg9[%get3A_1640, %get3A_1641] {strides = array<i32>} : memref<240x256xbf16, #tpu.memory_space<vmem>>, vector<32xbf16>,
        %unpack3A_1643 = tpu.unpack_subelements %get3A_1639, 0 {pack_format = #tpu.pack_format<interleaved>} : vector<32xbf16> -> vector<16xf32>
        %unpack3A_1644 = tpu.unpack_subelements %get3A_1639, 1 {pack_format = #tpu.pack_format<interleaved>} : vector<32xbf16> -> vector<16xf32>
        %unpack3A_1645 = tpu.unpack_subelements %get3A_1642, 0 {pack_format = #tpu.pack_format<interleaved>} : vector<32xbf16> -> vector<16xf32>
        %unpack3A_1646 = tpu.unpack_subelements %get3A_1642, 1 {pack_format = #tpu.pack_format<interleaved>} : vector<32xbf16> -> vector<16xf32>
        %mul3A_1647 = arith.mulf %unpack3A_1643, %unpack3A_1645 : vector<16xf32>
        %add3A_1648 = arith.addf %broadcast_in_dim3A_1634, %mul3A_1647 : vector<16xf32>
        %mul3A_1649 = arith.mulf %unpack3A_1644, %unpack3A_1646 : vector<16xf32>
        %add3A_1650 = arith.addf %broadcast_in_dim3A_1636, %mul3A_1649 : vector<16xf32>
        %get3A_1651 = arith.index_cast %add3A_1632 : i32 to index
        %get3A_1652 = arith.constant 32 : index
        %get3A_1653 = tpu.vector_load %arg8[%get3A_1651, %get3A_1652] {strides = array<i32>} : memref<240x256xbf16, #tpu.memory_space<vmem>>, vector<32xbf16>,
        %get3A_1654 = arith.index_cast %add3A_1632 : i32 to index
        %get3A_1655 = arith.constant 32 : index
        %get3A_1656 = tpu.vector_load %arg9[%get3A_1654, %get3A_1655] {strides = array<i32>} : memref<240x256xbf16, #tpu.memory_space<vmem>>, vector<32xbf16>,
        %unpack3A_1657 = tpu.unpack_subelements %get3A_1653, 0 {pack_format = #tpu.pack_format<interleaved>} : vector<32xbf16> -> vector<16xf32>
        %unpack3A_1658 = tpu.unpack_subelements %get3A_1653, 1 {pack_format = #tpu.pack_format<interleaved>} : vector<32xbf16> -> vector<16xf32>
        %unpack3A_1659 = tpu.unpack_subelements %get3A_1656, 0 {pack_format = #tpu.pack_format<interleaved>} : vector<32xbf16> -> vector<16xf32>
        %unpack3A_1660 = tpu.unpack_subelements %get3A_1656, 1 {pack_format = #tpu.pack_format<interleaved>} : vector<32xbf16> -> vector<16xf32>
        %mul3A_1661 = arith.mulf %unpack3A_1657, %unpack3A_1659 : vector<16xf32>
        %add3A_1662 = arith.addf %add3A_1648, %mul3A_1661 : vector<16xf32>
        %mul3A_1663 = arith.mulf %unpack3A_1658, %unpack3A_1660 : vector<16xf32>
        %add3A_1664 = arith.addf %add3A_1650, %mul3A_1663 : vector<16xf32>
        %get3A_1665 = arith.index_cast %add3A_1632 : i32 to index
        %get3A_1666 = arith.constant 64 : index
        %get3A_1667 = tpu.vector_load %arg8[%get3A_1665, %get3A_1666] {strides = array<i32>} : memref<240x256xbf16, #tpu.memory_space<vmem>>, vector<32xbf16>,
        %get3A_1668 = arith.index_cast %add3A_1632 : i32 to index
        %get3A_1669 = arith.constant 64 : index
        %get3A_1670 = tpu.vector_load %arg9[%get3A_1668, %get3A_1669] {strides = array<i32>} : memref<240x256xbf16, #tpu.memory_space<vmem>>, vector<32xbf16>,
        %unpack3A_1671 = tpu.unpack_subelements %get3A_1667, 0 {pack_format = #tpu.pack_format<interleaved>} : vector<32xbf16> -> vector<16xf32>
        %unpack3A_1672 = tpu.unpack_subelements %get3A_1667, 1 {pack_format = #tpu.pack_format<interleaved>} : vector<32xbf16> -> vector<16xf32>
        %unpack3A_1673 = tpu.unpack_subelements %get3A_1670, 0 {pack_format = #tpu.pack_format<interleaved>} : vector<32xbf16> -> vector<16xf32>
        %unpack3A_1674 = tpu.unpack_subelements %get3A_1670, 1 {pack_format = #tpu.pack_format<interleaved>} : vector<32xbf16> -> vector<16xf32>
        %mul3A_1675 = arith.mulf %unpack3A_1671, %unpack3A_1673 : vector<16xf32>
        %add3A_1676 = arith.addf %add3A_1662, %mul3A_1675 : vector<16xf32>
        %mul3A_1677 = arith.mulf %unpack3A_1672, %unpack3A_1674 : vector<16xf32>
        %add3A_1678 = arith.addf %add3A_1664, %mul3A_1677 : vector<16xf32>
        %get3A_1679 = arith.index_cast %add3A_1632 : i32 to index
        %get3A_1680 = arith.constant 96 : index
        %get3A_1681 = tpu.vector_load %arg8[%get3A_1679, %get3A_1680] {strides = array<i32>} : memref<240x256xbf16, #tpu.memory_space<vmem>>, vector<32xbf16>,
        %get3A_1682 = arith.index_cast %add3A_1632 : i32 to index
        %get3A_1683 = arith.constant 96 : index
        %get3A_1684 = tpu.vector_load %arg9[%get3A_1682, %get3A_1683] {strides = array<i32>} : memref<240x256xbf16, #tpu.memory_space<vmem>>, vector<32xbf16>,
        %unpack3A_1685 = tpu.unpack_subelements %get3A_1681, 0 {pack_format = #tpu.pack_format<interleaved>} : vector<32xbf16> -> vector<16xf32>
        %unpack3A_1686 = tpu.unpack_subelements %get3A_1681, 1 {pack_format = #tpu.pack_format<interleaved>} : vector<32xbf16> -> vector<16xf32>
        %unpack3A_1687 = tpu.unpack_subelements %get3A_1684, 0 {pack_format = #tpu.pack_format<interleaved>} : vector<32xbf16> -> vector<16xf32>
        %unpack3A_1688 = tpu.unpack_subelements %get3A_1684, 1 {pack_format = #tpu.pack_format<interleaved>} : vector<32xbf16> -> vector<16xf32>
        %mul3A_1689 = arith.mulf %unpack3A_1685, %unpack3A_1687 : vector<16xf32>
        %add3A_1690 = arith.addf %add3A_1676, %mul3A_1689 : vector<16xf32>
        %mul3A_1691 = arith.mulf %unpack3A_1686, %unpack3A_1688 : vector<16xf32>
        %add3A_1692 = arith.addf %add3A_1678, %mul3A_1691 : vector<16xf32>
        %get3A_1693 = arith.index_cast %add3A_1632 : i32 to index
        %get3A_1694 = arith.constant 128 : index
        %get3A_1695 = tpu.vector_load %arg8[%get3A_1693, %get3A_1694] {strides = array<i32>} : memref<240x256xbf16, #tpu.memory_space<vmem>>, vector<32xbf16>,
        %get3A_1696 = arith.index_cast %add3A_1632 : i32 to index
        %get3A_1697 = arith.constant 128 : index
        %get3A_1698 = tpu.vector_load %arg9[%get3A_1696, %get3A_1697] {strides = array<i32>} : memref<240x256xbf16, #tpu.memory_space<vmem>>, vector<32xbf16>,
        %unpack3A_1699 = tpu.unpack_subelements %get3A_1695, 0 {pack_format = #tpu.pack_format<interleaved>} : vector<32xbf16> -> vector<16xf32>
        %unpack3A_1700 = tpu.unpack_subelements %get3A_1695, 1 {pack_format = #tpu.pack_format<interleaved>} : vector<32xbf16> -> vector<16xf32>
        %unpack3A_1701 = tpu.unpack_subelements %get3A_1698, 0 {pack_format = #tpu.pack_format<interleaved>} : vector<32xbf16> -> vector<16xf32>
        %unpack3A_1702 = tpu.unpack_subelements %get3A_1698, 1 {pack_format = #tpu.pack_format<interleaved>} : vector<32xbf16> -> vector<16xf32>
        %mul3A_1703 = arith.mulf %unpack3A_1699, %unpack3A_1701 : vector<16xf32>
        %add3A_1704 = arith.addf %add3A_1690, %mul3A_1703 : vector<16xf32>
        %mul3A_1705 = arith.mulf %unpack3A_1700, %unpack3A_1702 : vector<16xf32>
        %add3A_1706 = arith.addf %add3A_1692, %mul3A_1705 : vector<16xf32>
        %get3A_1707 = arith.index_cast %add3A_1632 : i32 to index
        %get3A_1708 = arith.constant 160 : index
        %get3A_1709 = tpu.vector_load %arg8[%get3A_1707, %get3A_1708] {strides = array<i32>} : memref<240x256xbf16, #tpu.memory_space<vmem>>, vector<32xbf16>,
        %get3A_1710 = arith.index_cast %add3A_1632 : i32 to index
        %get3A_1711 = arith.constant 160 : index
        %get3A_1712 = tpu.vector_load %arg9[%get3A_1710, %get3A_1711] {strides = array<i32>} : memref<240x256xbf16, #tpu.memory_space<vmem>>, vector<32xbf16>,
        %unpack3A_1713 = tpu.unpack_subelements %get3A_1709, 0 {pack_format = #tpu.pack_format<interleaved>} : vector<32xbf16> -> vector<16xf32>
        %unpack3A_1714 = tpu.unpack_subelements %get3A_1709, 1 {pack_format = #tpu.pack_format<interleaved>} : vector<32xbf16> -> vector<16xf32>
        %unpack3A_1715 = tpu.unpack_subelements %get3A_1712, 0 {pack_format = #tpu.pack_format<interleaved>} : vector<32xbf16> -> vector<16xf32>
        %unpack3A_1716 = tpu.unpack_subelements %get3A_1712, 1 {pack_format = #tpu.pack_format<interleaved>} : vector<32xbf16> -> vector<16xf32>
        %mul3A_1717 = arith.mulf %unpack3A_1713, %unpack3A_1715 : vector<16xf32>
        %add3A_1718 = arith.addf %add3A_1704, %mul3A_1717 : vector<16xf32>
        %mul3A_1719 = arith.mulf %unpack3A_1714, %unpack3A_1716 : vector<16xf32>
        %add3A_1720 = arith.addf %add3A_1706, %mul3A_1719 : vector<16xf32>
        %get3A_1721 = arith.index_cast %add3A_1632 : i32 to index
        %get3A_1722 = arith.constant 192 : index
        %get3A_1723 = tpu.vector_load %arg8[%get3A_1721, %get3A_1722] {strides = array<i32>} : memref<240x256xbf16, #tpu.memory_space<vmem>>, vector<32xbf16>,
        %get3A_1724 = arith.index_cast %add3A_1632 : i32 to index
        %get3A_1725 = arith.constant 192 : index
        %get3A_1726 = tpu.vector_load %arg9[%get3A_1724, %get3A_1725] {strides = array<i32>} : memref<240x256xbf16, #tpu.memory_space<vmem>>, vector<32xbf16>,
        %unpack3A_1727 = tpu.unpack_subelements %get3A_1723, 0 {pack_format = #tpu.pack_format<interleaved>} : vector<32xbf16> -> vector<16xf32>
        %unpack3A_1728 = tpu.unpack_subelements %get3A_1723, 1 {pack_format = #tpu.pack_format<interleaved>} : vector<32xbf16> -> vector<16xf32>
        %unpack3A_1729 = tpu.unpack_subelements %get3A_1726, 0 {pack_format = #tpu.pack_format<interleaved>} : vector<32xbf16> -> vector<16xf32>
        %unpack3A_1730 = tpu.unpack_subelements %get3A_1726, 1 {pack_format = #tpu.pack_format<interleaved>} : vector<32xbf16> -> vector<16xf32>
        %mul3A_1731 = arith.mulf %unpack3A_1727, %unpack3A_1729 : vector<16xf32>
        %add3A_1732 = arith.addf %add3A_1718, %mul3A_1731 : vector<16xf32>
        %mul3A_1733 = arith.mulf %unpack3A_1728, %unpack3A_1730 : vector<16xf32>
        %add3A_1734 = arith.addf %add3A_1720, %mul3A_1733 : vector<16xf32>
        %get3A_1735 = arith.index_cast %add3A_1632 : i32 to index
        %get3A_1736 = arith.constant 224 : index
        %get3A_1737 = tpu.vector_load %arg8[%get3A_1735, %get3A_1736] {strides = array<i32>} : memref<240x256xbf16, #tpu.memory_space<vmem>>, vector<32xbf16>,
        %get3A_1738 = arith.index_cast %add3A_1632 : i32 to index
        %get3A_1739 = arith.constant 224 : index
        %get3A_1740 = tpu.vector_load %arg9[%get3A_1738, %get3A_1739] {strides = array<i32>} : memref<240x256xbf16, #tpu.memory_space<vmem>>, vector<32xbf16>,
        %unpack3A_1741 = tpu.unpack_subelements %get3A_1737, 0 {pack_format = #tpu.pack_format<interleaved>} : vector<32xbf16> -> vector<16xf32>
        %unpack3A_1742 = tpu.unpack_subelements %get3A_1737, 1 {pack_format = #tpu.pack_format<interleaved>} : vector<32xbf16> -> vector<16xf32>
        %unpack3A_1743 = tpu.unpack_subelements %get3A_1740, 0 {pack_format = #tpu.pack_format<interleaved>} : vector<32xbf16> -> vector<16xf32>
        %unpack3A_1744 = tpu.unpack_subelements %get3A_1740, 1 {pack_format = #tpu.pack_format<interleaved>} : vector<32xbf16> -> vector<16xf32>
        %mul3A_1745 = arith.mulf %unpack3A_1741, %unpack3A_1743 : vector<16xf32>
        %add3A_1746 = arith.addf %add3A_1732, %mul3A_1745 : vector<16xf32>
        %mul3A_1747 = arith.mulf %unpack3A_1742, %unpack3A_1744 : vector<16xf32>
        %add3A_1748 = arith.addf %add3A_1734, %mul3A_1747 : vector<16xf32>
        %add3A_1749 = arith.addf %add3A_1746, %add3A_1748 : vector<16xf32>
        %swap3A_1750 = arith.constant 13 : i32
        %swap3A_1751 = arith.index_cast %swap3A_1750 : i32 to index
        %swap3A_1752 = arith.constant 0 : index
        %swap3A_1753 = tpu.vector_load %arg11[%swap3A_1751, %swap3A_1752] {strides = array<i32>} : memref<16x17xf32, #tpu.memory_space<vmem>>, vector<16xf32>,
        tpu.vector_store %arg11[%swap3A_1751, %swap3A_1752], %add3A_1749 {strides = array<i32>} : memref<16x17xf32, #tpu.memory_space<vmem>>, vector<16xf32>,
        %add3A_1754 = arith.constant 14 : i32
        %add3A_1755 = arith.addi %mul3A_35, %add3A_1754 : i32
        %broadcast_in_dim3A_1756 = arith.constant 0.000000e+00 : f32
        %broadcast_in_dim3A_1757 = vector.broadcast %broadcast_in_dim3A_1756 : f32 to vector<16xf32>
        %broadcast_in_dim3A_1758 = arith.constant 0.000000e+00 : f32
        %broadcast_in_dim3A_1759 = vector.broadcast %broadcast_in_dim3A_1758 : f32 to vector<16xf32>
        %get3A_1760 = arith.index_cast %add3A_1755 : i32 to index
        %get3A_1761 = arith.constant 0 : index
        %get3A_1762 = tpu.vector_load %arg8[%get3A_1760, %get3A_1761] {strides = array<i32>} : memref<240x256xbf16, #tpu.memory_space<vmem>>, vector<32xbf16>,
        %get3A_1763 = arith.index_cast %add3A_1755 : i32 to index
        %get3A_1764 = arith.constant 0 : index
        %get3A_1765 = tpu.vector_load %arg9[%get3A_1763, %get3A_1764] {strides = array<i32>} : memref<240x256xbf16, #tpu.memory_space<vmem>>, vector<32xbf16>,
        %unpack3A_1766 = tpu.unpack_subelements %get3A_1762, 0 {pack_format = #tpu.pack_format<interleaved>} : vector<32xbf16> -> vector<16xf32>
        %unpack3A_1767 = tpu.unpack_subelements %get3A_1762, 1 {pack_format = #tpu.pack_format<interleaved>} : vector<32xbf16> -> vector<16xf32>
        %unpack3A_1768 = tpu.unpack_subelements %get3A_1765, 0 {pack_format = #tpu.pack_format<interleaved>} : vector<32xbf16> -> vector<16xf32>
        %unpack3A_1769 = tpu.unpack_subelements %get3A_1765, 1 {pack_format = #tpu.pack_format<interleaved>} : vector<32xbf16> -> vector<16xf32>
        %mul3A_1770 = arith.mulf %unpack3A_1766, %unpack3A_1768 : vector<16xf32>
        %add3A_1771 = arith.addf %broadcast_in_dim3A_1757, %mul3A_1770 : vector<16xf32>
        %mul3A_1772 = arith.mulf %unpack3A_1767, %unpack3A_1769 : vector<16xf32>
        %add3A_1773 = arith.addf %broadcast_in_dim3A_1759, %mul3A_1772 : vector<16xf32>
        %get3A_1774 = arith.index_cast %add3A_1755 : i32 to index
        %get3A_1775 = arith.constant 32 : index
        %get3A_1776 = tpu.vector_load %arg8[%get3A_1774, %get3A_1775] {strides = array<i32>} : memref<240x256xbf16, #tpu.memory_space<vmem>>, vector<32xbf16>,
        %get3A_1777 = arith.index_cast %add3A_1755 : i32 to index
        %get3A_1778 = arith.constant 32 : index
        %get3A_1779 = tpu.vector_load %arg9[%get3A_1777, %get3A_1778] {strides = array<i32>} : memref<240x256xbf16, #tpu.memory_space<vmem>>, vector<32xbf16>,
        %unpack3A_1780 = tpu.unpack_subelements %get3A_1776, 0 {pack_format = #tpu.pack_format<interleaved>} : vector<32xbf16> -> vector<16xf32>
        %unpack3A_1781 = tpu.unpack_subelements %get3A_1776, 1 {pack_format = #tpu.pack_format<interleaved>} : vector<32xbf16> -> vector<16xf32>
        %unpack3A_1782 = tpu.unpack_subelements %get3A_1779, 0 {pack_format = #tpu.pack_format<interleaved>} : vector<32xbf16> -> vector<16xf32>
        %unpack3A_1783 = tpu.unpack_subelements %get3A_1779, 1 {pack_format = #tpu.pack_format<interleaved>} : vector<32xbf16> -> vector<16xf32>
        %mul3A_1784 = arith.mulf %unpack3A_1780, %unpack3A_1782 : vector<16xf32>
        %add3A_1785 = arith.addf %add3A_1771, %mul3A_1784 : vector<16xf32>
        %mul3A_1786 = arith.mulf %unpack3A_1781, %unpack3A_1783 : vector<16xf32>
        %add3A_1787 = arith.addf %add3A_1773, %mul3A_1786 : vector<16xf32>
        %get3A_1788 = arith.index_cast %add3A_1755 : i32 to index
        %get3A_1789 = arith.constant 64 : index
        %get3A_1790 = tpu.vector_load %arg8[%get3A_1788, %get3A_1789] {strides = array<i32>} : memref<240x256xbf16, #tpu.memory_space<vmem>>, vector<32xbf16>,
        %get3A_1791 = arith.index_cast %add3A_1755 : i32 to index
        %get3A_1792 = arith.constant 64 : index
        %get3A_1793 = tpu.vector_load %arg9[%get3A_1791, %get3A_1792] {strides = array<i32>} : memref<240x256xbf16, #tpu.memory_space<vmem>>, vector<32xbf16>,
        %unpack3A_1794 = tpu.unpack_subelements %get3A_1790, 0 {pack_format = #tpu.pack_format<interleaved>} : vector<32xbf16> -> vector<16xf32>
        %unpack3A_1795 = tpu.unpack_subelements %get3A_1790, 1 {pack_format = #tpu.pack_format<interleaved>} : vector<32xbf16> -> vector<16xf32>
        %unpack3A_1796 = tpu.unpack_subelements %get3A_1793, 0 {pack_format = #tpu.pack_format<interleaved>} : vector<32xbf16> -> vector<16xf32>
        %unpack3A_1797 = tpu.unpack_subelements %get3A_1793, 1 {pack_format = #tpu.pack_format<interleaved>} : vector<32xbf16> -> vector<16xf32>
        %mul3A_1798 = arith.mulf %unpack3A_1794, %unpack3A_1796 : vector<16xf32>
        %add3A_1799 = arith.addf %add3A_1785, %mul3A_1798 : vector<16xf32>
        %mul3A_1800 = arith.mulf %unpack3A_1795, %unpack3A_1797 : vector<16xf32>
        %add3A_1801 = arith.addf %add3A_1787, %mul3A_1800 : vector<16xf32>
        %get3A_1802 = arith.index_cast %add3A_1755 : i32 to index
        %get3A_1803 = arith.constant 96 : index
        %get3A_1804 = tpu.vector_load %arg8[%get3A_1802, %get3A_1803] {strides = array<i32>} : memref<240x256xbf16, #tpu.memory_space<vmem>>, vector<32xbf16>,
        %get3A_1805 = arith.index_cast %add3A_1755 : i32 to index
        %get3A_1806 = arith.constant 96 : index
        %get3A_1807 = tpu.vector_load %arg9[%get3A_1805, %get3A_1806] {strides = array<i32>} : memref<240x256xbf16, #tpu.memory_space<vmem>>, vector<32xbf16>,
        %unpack3A_1808 = tpu.unpack_subelements %get3A_1804, 0 {pack_format = #tpu.pack_format<interleaved>} : vector<32xbf16> -> vector<16xf32>
        %unpack3A_1809 = tpu.unpack_subelements %get3A_1804, 1 {pack_format = #tpu.pack_format<interleaved>} : vector<32xbf16> -> vector<16xf32>
        %unpack3A_1810 = tpu.unpack_subelements %get3A_1807, 0 {pack_format = #tpu.pack_format<interleaved>} : vector<32xbf16> -> vector<16xf32>
        %unpack3A_1811 = tpu.unpack_subelements %get3A_1807, 1 {pack_format = #tpu.pack_format<interleaved>} : vector<32xbf16> -> vector<16xf32>
        %mul3A_1812 = arith.mulf %unpack3A_1808, %unpack3A_1810 : vector<16xf32>
        %add3A_1813 = arith.addf %add3A_1799, %mul3A_1812 : vector<16xf32>
        %mul3A_1814 = arith.mulf %unpack3A_1809, %unpack3A_1811 : vector<16xf32>
        %add3A_1815 = arith.addf %add3A_1801, %mul3A_1814 : vector<16xf32>
        %get3A_1816 = arith.index_cast %add3A_1755 : i32 to index
        %get3A_1817 = arith.constant 128 : index
        %get3A_1818 = tpu.vector_load %arg8[%get3A_1816, %get3A_1817] {strides = array<i32>} : memref<240x256xbf16, #tpu.memory_space<vmem>>, vector<32xbf16>,
        %get3A_1819 = arith.index_cast %add3A_1755 : i32 to index
        %get3A_1820 = arith.constant 128 : index
        %get3A_1821 = tpu.vector_load %arg9[%get3A_1819, %get3A_1820] {strides = array<i32>} : memref<240x256xbf16, #tpu.memory_space<vmem>>, vector<32xbf16>,
        %unpack3A_1822 = tpu.unpack_subelements %get3A_1818, 0 {pack_format = #tpu.pack_format<interleaved>} : vector<32xbf16> -> vector<16xf32>
        %unpack3A_1823 = tpu.unpack_subelements %get3A_1818, 1 {pack_format = #tpu.pack_format<interleaved>} : vector<32xbf16> -> vector<16xf32>
        %unpack3A_1824 = tpu.unpack_subelements %get3A_1821, 0 {pack_format = #tpu.pack_format<interleaved>} : vector<32xbf16> -> vector<16xf32>
        %unpack3A_1825 = tpu.unpack_subelements %get3A_1821, 1 {pack_format = #tpu.pack_format<interleaved>} : vector<32xbf16> -> vector<16xf32>
        %mul3A_1826 = arith.mulf %unpack3A_1822, %unpack3A_1824 : vector<16xf32>
        %add3A_1827 = arith.addf %add3A_1813, %mul3A_1826 : vector<16xf32>
        %mul3A_1828 = arith.mulf %unpack3A_1823, %unpack3A_1825 : vector<16xf32>
        %add3A_1829 = arith.addf %add3A_1815, %mul3A_1828 : vector<16xf32>
        %get3A_1830 = arith.index_cast %add3A_1755 : i32 to index
        %get3A_1831 = arith.constant 160 : index
        %get3A_1832 = tpu.vector_load %arg8[%get3A_1830, %get3A_1831] {strides = array<i32>} : memref<240x256xbf16, #tpu.memory_space<vmem>>, vector<32xbf16>,
        %get3A_1833 = arith.index_cast %add3A_1755 : i32 to index
        %get3A_1834 = arith.constant 160 : index
        %get3A_1835 = tpu.vector_load %arg9[%get3A_1833, %get3A_1834] {strides = array<i32>} : memref<240x256xbf16, #tpu.memory_space<vmem>>, vector<32xbf16>,
        %unpack3A_1836 = tpu.unpack_subelements %get3A_1832, 0 {pack_format = #tpu.pack_format<interleaved>} : vector<32xbf16> -> vector<16xf32>
        %unpack3A_1837 = tpu.unpack_subelements %get3A_1832, 1 {pack_format = #tpu.pack_format<interleaved>} : vector<32xbf16> -> vector<16xf32>
        %unpack3A_1838 = tpu.unpack_subelements %get3A_1835, 0 {pack_format = #tpu.pack_format<interleaved>} : vector<32xbf16> -> vector<16xf32>
        %unpack3A_1839 = tpu.unpack_subelements %get3A_1835, 1 {pack_format = #tpu.pack_format<interleaved>} : vector<32xbf16> -> vector<16xf32>
        %mul3A_1840 = arith.mulf %unpack3A_1836, %unpack3A_1838 : vector<16xf32>
        %add3A_1841 = arith.addf %add3A_1827, %mul3A_1840 : vector<16xf32>
        %mul3A_1842 = arith.mulf %unpack3A_1837, %unpack3A_1839 : vector<16xf32>
        %add3A_1843 = arith.addf %add3A_1829, %mul3A_1842 : vector<16xf32>
        %get3A_1844 = arith.index_cast %add3A_1755 : i32 to index
        %get3A_1845 = arith.constant 192 : index
        %get3A_1846 = tpu.vector_load %arg8[%get3A_1844, %get3A_1845] {strides = array<i32>} : memref<240x256xbf16, #tpu.memory_space<vmem>>, vector<32xbf16>,
        %get3A_1847 = arith.index_cast %add3A_1755 : i32 to index
        %get3A_1848 = arith.constant 192 : index
        %get3A_1849 = tpu.vector_load %arg9[%get3A_1847, %get3A_1848] {strides = array<i32>} : memref<240x256xbf16, #tpu.memory_space<vmem>>, vector<32xbf16>,
        %unpack3A_1850 = tpu.unpack_subelements %get3A_1846, 0 {pack_format = #tpu.pack_format<interleaved>} : vector<32xbf16> -> vector<16xf32>
        %unpack3A_1851 = tpu.unpack_subelements %get3A_1846, 1 {pack_format = #tpu.pack_format<interleaved>} : vector<32xbf16> -> vector<16xf32>
        %unpack3A_1852 = tpu.unpack_subelements %get3A_1849, 0 {pack_format = #tpu.pack_format<interleaved>} : vector<32xbf16> -> vector<16xf32>
        %unpack3A_1853 = tpu.unpack_subelements %get3A_1849, 1 {pack_format = #tpu.pack_format<interleaved>} : vector<32xbf16> -> vector<16xf32>
        %mul3A_1854 = arith.mulf %unpack3A_1850, %unpack3A_1852 : vector<16xf32>
        %add3A_1855 = arith.addf %add3A_1841, %mul3A_1854 : vector<16xf32>
        %mul3A_1856 = arith.mulf %unpack3A_1851, %unpack3A_1853 : vector<16xf32>
        %add3A_1857 = arith.addf %add3A_1843, %mul3A_1856 : vector<16xf32>
        %get3A_1858 = arith.index_cast %add3A_1755 : i32 to index
        %get3A_1859 = arith.constant 224 : index
        %get3A_1860 = tpu.vector_load %arg8[%get3A_1858, %get3A_1859] {strides = array<i32>} : memref<240x256xbf16, #tpu.memory_space<vmem>>, vector<32xbf16>,
        %get3A_1861 = arith.index_cast %add3A_1755 : i32 to index
        %get3A_1862 = arith.constant 224 : index
        %get3A_1863 = tpu.vector_load %arg9[%get3A_1861, %get3A_1862] {strides = array<i32>} : memref<240x256xbf16, #tpu.memory_space<vmem>>, vector<32xbf16>,
        %unpack3A_1864 = tpu.unpack_subelements %get3A_1860, 0 {pack_format = #tpu.pack_format<interleaved>} : vector<32xbf16> -> vector<16xf32>
        %unpack3A_1865 = tpu.unpack_subelements %get3A_1860, 1 {pack_format = #tpu.pack_format<interleaved>} : vector<32xbf16> -> vector<16xf32>
        %unpack3A_1866 = tpu.unpack_subelements %get3A_1863, 0 {pack_format = #tpu.pack_format<interleaved>} : vector<32xbf16> -> vector<16xf32>
        %unpack3A_1867 = tpu.unpack_subelements %get3A_1863, 1 {pack_format = #tpu.pack_format<interleaved>} : vector<32xbf16> -> vector<16xf32>
        %mul3A_1868 = arith.mulf %unpack3A_1864, %unpack3A_1866 : vector<16xf32>
        %add3A_1869 = arith.addf %add3A_1855, %mul3A_1868 : vector<16xf32>
        %mul3A_1870 = arith.mulf %unpack3A_1865, %unpack3A_1867 : vector<16xf32>
        %add3A_1871 = arith.addf %add3A_1857, %mul3A_1870 : vector<16xf32>
        %add3A_1872 = arith.addf %add3A_1869, %add3A_1871 : vector<16xf32>
        %swap3A_1873 = arith.constant 14 : i32
        %swap3A_1874 = arith.index_cast %swap3A_1873 : i32 to index
        %swap3A_1875 = arith.constant 0 : index
        %swap3A_1876 = tpu.vector_load %arg11[%swap3A_1874, %swap3A_1875] {strides = array<i32>} : memref<16x17xf32, #tpu.memory_space<vmem>>, vector<16xf32>,
        tpu.vector_store %arg11[%swap3A_1874, %swap3A_1875], %add3A_1872 {strides = array<i32>} : memref<16x17xf32, #tpu.memory_space<vmem>>, vector<16xf32>,
        %add3A_1877 = arith.constant 15 : i32
        %add3A_1878 = arith.addi %mul3A_35, %add3A_1877 : i32
        %broadcast_in_dim3A_1879 = arith.constant 0.000000e+00 : f32
        %broadcast_in_dim3A_1880 = vector.broadcast %broadcast_in_dim3A_1879 : f32 to vector<16xf32>
        %broadcast_in_dim3A_1881 = arith.constant 0.000000e+00 : f32
        %broadcast_in_dim3A_1882 = vector.broadcast %broadcast_in_dim3A_1881 : f32 to vector<16xf32>
        %get3A_1883 = arith.index_cast %add3A_1878 : i32 to index
        %get3A_1884 = arith.constant 0 : index
        %get3A_1885 = tpu.vector_load %arg8[%get3A_1883, %get3A_1884] {strides = array<i32>} : memref<240x256xbf16, #tpu.memory_space<vmem>>, vector<32xbf16>,
        %get3A_1886 = arith.index_cast %add3A_1878 : i32 to index
        %get3A_1887 = arith.constant 0 : index
        %get3A_1888 = tpu.vector_load %arg9[%get3A_1886, %get3A_1887] {strides = array<i32>} : memref<240x256xbf16, #tpu.memory_space<vmem>>, vector<32xbf16>,
        %unpack3A_1889 = tpu.unpack_subelements %get3A_1885, 0 {pack_format = #tpu.pack_format<interleaved>} : vector<32xbf16> -> vector<16xf32>
        %unpack3A_1890 = tpu.unpack_subelements %get3A_1885, 1 {pack_format = #tpu.pack_format<interleaved>} : vector<32xbf16> -> vector<16xf32>
        %unpack3A_1891 = tpu.unpack_subelements %get3A_1888, 0 {pack_format = #tpu.pack_format<interleaved>} : vector<32xbf16> -> vector<16xf32>
        %unpack3A_1892 = tpu.unpack_subelements %get3A_1888, 1 {pack_format = #tpu.pack_format<interleaved>} : vector<32xbf16> -> vector<16xf32>
        %mul3A_1893 = arith.mulf %unpack3A_1889, %unpack3A_1891 : vector<16xf32>
        %add3A_1894 = arith.addf %broadcast_in_dim3A_1880, %mul3A_1893 : vector<16xf32>
        %mul3A_1895 = arith.mulf %unpack3A_1890, %unpack3A_1892 : vector<16xf32>
        %add3A_1896 = arith.addf %broadcast_in_dim3A_1882, %mul3A_1895 : vector<16xf32>
        %get3A_1897 = arith.index_cast %add3A_1878 : i32 to index
        %get3A_1898 = arith.constant 32 : index
        %get3A_1899 = tpu.vector_load %arg8[%get3A_1897, %get3A_1898] {strides = array<i32>} : memref<240x256xbf16, #tpu.memory_space<vmem>>, vector<32xbf16>,
        %get3A_1900 = arith.index_cast %add3A_1878 : i32 to index
        %get3A_1901 = arith.constant 32 : index
        %get3A_1902 = tpu.vector_load %arg9[%get3A_1900, %get3A_1901] {strides = array<i32>} : memref<240x256xbf16, #tpu.memory_space<vmem>>, vector<32xbf16>,
        %unpack3A_1903 = tpu.unpack_subelements %get3A_1899, 0 {pack_format = #tpu.pack_format<interleaved>} : vector<32xbf16> -> vector<16xf32>
        %unpack3A_1904 = tpu.unpack_subelements %get3A_1899, 1 {pack_format = #tpu.pack_format<interleaved>} : vector<32xbf16> -> vector<16xf32>
        %unpack3A_1905 = tpu.unpack_subelements %get3A_1902, 0 {pack_format = #tpu.pack_format<interleaved>} : vector<32xbf16> -> vector<16xf32>
        %unpack3A_1906 = tpu.unpack_subelements %get3A_1902, 1 {pack_format = #tpu.pack_format<interleaved>} : vector<32xbf16> -> vector<16xf32>
        %mul3A_1907 = arith.mulf %unpack3A_1903, %unpack3A_1905 : vector<16xf32>
        %add3A_1908 = arith.addf %add3A_1894, %mul3A_1907 : vector<16xf32>
        %mul3A_1909 = arith.mulf %unpack3A_1904, %unpack3A_1906 : vector<16xf32>
        %add3A_1910 = arith.addf %add3A_1896, %mul3A_1909 : vector<16xf32>
        %get3A_1911 = arith.index_cast %add3A_1878 : i32 to index
        %get3A_1912 = arith.constant 64 : index
        %get3A_1913 = tpu.vector_load %arg8[%get3A_1911, %get3A_1912] {strides = array<i32>} : memref<240x256xbf16, #tpu.memory_space<vmem>>, vector<32xbf16>,
        %get3A_1914 = arith.index_cast %add3A_1878 : i32 to index
        %get3A_1915 = arith.constant 64 : index
        %get3A_1916 = tpu.vector_load %arg9[%get3A_1914, %get3A_1915] {strides = array<i32>} : memref<240x256xbf16, #tpu.memory_space<vmem>>, vector<32xbf16>,
        %unpack3A_1917 = tpu.unpack_subelements %get3A_1913, 0 {pack_format = #tpu.pack_format<interleaved>} : vector<32xbf16> -> vector<16xf32>
        %unpack3A_1918 = tpu.unpack_subelements %get3A_1913, 1 {pack_format = #tpu.pack_format<interleaved>} : vector<32xbf16> -> vector<16xf32>
        %unpack3A_1919 = tpu.unpack_subelements %get3A_1916, 0 {pack_format = #tpu.pack_format<interleaved>} : vector<32xbf16> -> vector<16xf32>
        %unpack3A_1920 = tpu.unpack_subelements %get3A_1916, 1 {pack_format = #tpu.pack_format<interleaved>} : vector<32xbf16> -> vector<16xf32>
        %mul3A_1921 = arith.mulf %unpack3A_1917, %unpack3A_1919 : vector<16xf32>
        %add3A_1922 = arith.addf %add3A_1908, %mul3A_1921 : vector<16xf32>
        %mul3A_1923 = arith.mulf %unpack3A_1918, %unpack3A_1920 : vector<16xf32>
        %add3A_1924 = arith.addf %add3A_1910, %mul3A_1923 : vector<16xf32>
        %get3A_1925 = arith.index_cast %add3A_1878 : i32 to index
        %get3A_1926 = arith.constant 96 : index
        %get3A_1927 = tpu.vector_load %arg8[%get3A_1925, %get3A_1926] {strides = array<i32>} : memref<240x256xbf16, #tpu.memory_space<vmem>>, vector<32xbf16>,
        %get3A_1928 = arith.index_cast %add3A_1878 : i32 to index
        %get3A_1929 = arith.constant 96 : index
        %get3A_1930 = tpu.vector_load %arg9[%get3A_1928, %get3A_1929] {strides = array<i32>} : memref<240x256xbf16, #tpu.memory_space<vmem>>, vector<32xbf16>,
        %unpack3A_1931 = tpu.unpack_subelements %get3A_1927, 0 {pack_format = #tpu.pack_format<interleaved>} : vector<32xbf16> -> vector<16xf32>
        %unpack3A_1932 = tpu.unpack_subelements %get3A_1927, 1 {pack_format = #tpu.pack_format<interleaved>} : vector<32xbf16> -> vector<16xf32>
        %unpack3A_1933 = tpu.unpack_subelements %get3A_1930, 0 {pack_format = #tpu.pack_format<interleaved>} : vector<32xbf16> -> vector<16xf32>
        %unpack3A_1934 = tpu.unpack_subelements %get3A_1930, 1 {pack_format = #tpu.pack_format<interleaved>} : vector<32xbf16> -> vector<16xf32>
        %mul3A_1935 = arith.mulf %unpack3A_1931, %unpack3A_1933 : vector<16xf32>
        %add3A_1936 = arith.addf %add3A_1922, %mul3A_1935 : vector<16xf32>
        %mul3A_1937 = arith.mulf %unpack3A_1932, %unpack3A_1934 : vector<16xf32>
        %add3A_1938 = arith.addf %add3A_1924, %mul3A_1937 : vector<16xf32>
        %get3A_1939 = arith.index_cast %add3A_1878 : i32 to index
        %get3A_1940 = arith.constant 128 : index
        %get3A_1941 = tpu.vector_load %arg8[%get3A_1939, %get3A_1940] {strides = array<i32>} : memref<240x256xbf16, #tpu.memory_space<vmem>>, vector<32xbf16>,
        %get3A_1942 = arith.index_cast %add3A_1878 : i32 to index
        %get3A_1943 = arith.constant 128 : index
        %get3A_1944 = tpu.vector_load %arg9[%get3A_1942, %get3A_1943] {strides = array<i32>} : memref<240x256xbf16, #tpu.memory_space<vmem>>, vector<32xbf16>,
        %unpack3A_1945 = tpu.unpack_subelements %get3A_1941, 0 {pack_format = #tpu.pack_format<interleaved>} : vector<32xbf16> -> vector<16xf32>
        %unpack3A_1946 = tpu.unpack_subelements %get3A_1941, 1 {pack_format = #tpu.pack_format<interleaved>} : vector<32xbf16> -> vector<16xf32>
        %unpack3A_1947 = tpu.unpack_subelements %get3A_1944, 0 {pack_format = #tpu.pack_format<interleaved>} : vector<32xbf16> -> vector<16xf32>
        %unpack3A_1948 = tpu.unpack_subelements %get3A_1944, 1 {pack_format = #tpu.pack_format<interleaved>} : vector<32xbf16> -> vector<16xf32>
        %mul3A_1949 = arith.mulf %unpack3A_1945, %unpack3A_1947 : vector<16xf32>
        %add3A_1950 = arith.addf %add3A_1936, %mul3A_1949 : vector<16xf32>
        %mul3A_1951 = arith.mulf %unpack3A_1946, %unpack3A_1948 : vector<16xf32>
        %add3A_1952 = arith.addf %add3A_1938, %mul3A_1951 : vector<16xf32>
        %get3A_1953 = arith.index_cast %add3A_1878 : i32 to index
        %get3A_1954 = arith.constant 160 : index
        %get3A_1955 = tpu.vector_load %arg8[%get3A_1953, %get3A_1954] {strides = array<i32>} : memref<240x256xbf16, #tpu.memory_space<vmem>>, vector<32xbf16>,
        %get3A_1956 = arith.index_cast %add3A_1878 : i32 to index
        %get3A_1957 = arith.constant 160 : index
        %get3A_1958 = tpu.vector_load %arg9[%get3A_1956, %get3A_1957] {strides = array<i32>} : memref<240x256xbf16, #tpu.memory_space<vmem>>, vector<32xbf16>,
        %unpack3A_1959 = tpu.unpack_subelements %get3A_1955, 0 {pack_format = #tpu.pack_format<interleaved>} : vector<32xbf16> -> vector<16xf32>
        %unpack3A_1960 = tpu.unpack_subelements %get3A_1955, 1 {pack_format = #tpu.pack_format<interleaved>} : vector<32xbf16> -> vector<16xf32>
        %unpack3A_1961 = tpu.unpack_subelements %get3A_1958, 0 {pack_format = #tpu.pack_format<interleaved>} : vector<32xbf16> -> vector<16xf32>
        %unpack3A_1962 = tpu.unpack_subelements %get3A_1958, 1 {pack_format = #tpu.pack_format<interleaved>} : vector<32xbf16> -> vector<16xf32>
        %mul3A_1963 = arith.mulf %unpack3A_1959, %unpack3A_1961 : vector<16xf32>
        %add3A_1964 = arith.addf %add3A_1950, %mul3A_1963 : vector<16xf32>
        %mul3A_1965 = arith.mulf %unpack3A_1960, %unpack3A_1962 : vector<16xf32>
        %add3A_1966 = arith.addf %add3A_1952, %mul3A_1965 : vector<16xf32>
        %get3A_1967 = arith.index_cast %add3A_1878 : i32 to index
        %get3A_1968 = arith.constant 192 : index
        %get3A_1969 = tpu.vector_load %arg8[%get3A_1967, %get3A_1968] {strides = array<i32>} : memref<240x256xbf16, #tpu.memory_space<vmem>>, vector<32xbf16>,
        %get3A_1970 = arith.index_cast %add3A_1878 : i32 to index
        %get3A_1971 = arith.constant 192 : index
        %get3A_1972 = tpu.vector_load %arg9[%get3A_1970, %get3A_1971] {strides = array<i32>} : memref<240x256xbf16, #tpu.memory_space<vmem>>, vector<32xbf16>,
        %unpack3A_1973 = tpu.unpack_subelements %get3A_1969, 0 {pack_format = #tpu.pack_format<interleaved>} : vector<32xbf16> -> vector<16xf32>
        %unpack3A_1974 = tpu.unpack_subelements %get3A_1969, 1 {pack_format = #tpu.pack_format<interleaved>} : vector<32xbf16> -> vector<16xf32>
        %unpack3A_1975 = tpu.unpack_subelements %get3A_1972, 0 {pack_format = #tpu.pack_format<interleaved>} : vector<32xbf16> -> vector<16xf32>
        %unpack3A_1976 = tpu.unpack_subelements %get3A_1972, 1 {pack_format = #tpu.pack_format<interleaved>} : vector<32xbf16> -> vector<16xf32>
        %mul3A_1977 = arith.mulf %unpack3A_1973, %unpack3A_1975 : vector<16xf32>
        %add3A_1978 = arith.addf %add3A_1964, %mul3A_1977 : vector<16xf32>
        %mul3A_1979 = arith.mulf %unpack3A_1974, %unpack3A_1976 : vector<16xf32>
        %add3A_1980 = arith.addf %add3A_1966, %mul3A_1979 : vector<16xf32>
        %get3A_1981 = arith.index_cast %add3A_1878 : i32 to index
        %get3A_1982 = arith.constant 224 : index
        %get3A_1983 = tpu.vector_load %arg8[%get3A_1981, %get3A_1982] {strides = array<i32>} : memref<240x256xbf16, #tpu.memory_space<vmem>>, vector<32xbf16>,
        %get3A_1984 = arith.index_cast %add3A_1878 : i32 to index
        %get3A_1985 = arith.constant 224 : index
        %get3A_1986 = tpu.vector_load %arg9[%get3A_1984, %get3A_1985] {strides = array<i32>} : memref<240x256xbf16, #tpu.memory_space<vmem>>, vector<32xbf16>,
        %unpack3A_1987 = tpu.unpack_subelements %get3A_1983, 0 {pack_format = #tpu.pack_format<interleaved>} : vector<32xbf16> -> vector<16xf32>
        %unpack3A_1988 = tpu.unpack_subelements %get3A_1983, 1 {pack_format = #tpu.pack_format<interleaved>} : vector<32xbf16> -> vector<16xf32>
        %unpack3A_1989 = tpu.unpack_subelements %get3A_1986, 0 {pack_format = #tpu.pack_format<interleaved>} : vector<32xbf16> -> vector<16xf32>
        %unpack3A_1990 = tpu.unpack_subelements %get3A_1986, 1 {pack_format = #tpu.pack_format<interleaved>} : vector<32xbf16> -> vector<16xf32>
        %mul3A_1991 = arith.mulf %unpack3A_1987, %unpack3A_1989 : vector<16xf32>
        %add3A_1992 = arith.addf %add3A_1978, %mul3A_1991 : vector<16xf32>
        %mul3A_1993 = arith.mulf %unpack3A_1988, %unpack3A_1990 : vector<16xf32>
        %add3A_1994 = arith.addf %add3A_1980, %mul3A_1993 : vector<16xf32>
        %add3A_1995 = arith.addf %add3A_1992, %add3A_1994 : vector<16xf32>
        %swap3A_1996 = arith.constant 15 : i32
        %swap3A_1997 = arith.index_cast %swap3A_1996 : i32 to index
        %swap3A_1998 = arith.constant 0 : index
        %swap3A_1999 = tpu.vector_load %arg11[%swap3A_1997, %swap3A_1998] {strides = array<i32>} : memref<16x17xf32, #tpu.memory_space<vmem>>, vector<16xf32>,
        tpu.vector_store %arg11[%swap3A_1997, %swap3A_1998], %add3A_1995 {strides = array<i32>} : memref<16x17xf32, #tpu.memory_space<vmem>>, vector<16xf32>,
        %iota3A = tpu.iota {dimensions = array<i32: 0>} : vector<16xi32>
        %broadcast_in_dim3A_2000 = arith.constant 0 : i32
        %broadcast_in_dim3A_2001 = vector.broadcast %broadcast_in_dim3A_2000 : i32 to vector<16xi32>
        %gather3A = tpu.vector_load_idx %arg11[%iota3A, %broadcast_in_dim3A_2001] : memref<16x17xf32, #tpu.memory_space<vmem>>[vector<16xi32>, vector<16xi32>], vector<16xf32>,
        %broadcast_in_dim3A_2002 = arith.constant 1 : i32
        %broadcast_in_dim3A_2003 = vector.broadcast %broadcast_in_dim3A_2002 : i32 to vector<16xi32>
        %gather3A_2004 = tpu.vector_load_idx %arg11[%iota3A, %broadcast_in_dim3A_2003] : memref<16x17xf32, #tpu.memory_space<vmem>>[vector<16xi32>, vector<16xi32>], vector<16xf32>,
        %add3A_2005 = arith.addf %gather3A, %gather3A_2004 : vector<16xf32>
        %broadcast_in_dim3A_2006 = arith.constant 2 : i32
        %broadcast_in_dim3A_2007 = vector.broadcast %broadcast_in_dim3A_2006 : i32 to vector<16xi32>
        %gather3A_2008 = tpu.vector_load_idx %arg11[%iota3A, %broadcast_in_dim3A_2007] : memref<16x17xf32, #tpu.memory_space<vmem>>[vector<16xi32>, vector<16xi32>], vector<16xf32>,
        %add3A_2009 = arith.addf %add3A_2005, %gather3A_2008 : vector<16xf32>
        %broadcast_in_dim3A_2010 = arith.constant 3 : i32
        %broadcast_in_dim3A_2011 = vector.broadcast %broadcast_in_dim3A_2010 : i32 to vector<16xi32>
        %gather3A_2012 = tpu.vector_load_idx %arg11[%iota3A, %broadcast_in_dim3A_2011] : memref<16x17xf32, #tpu.memory_space<vmem>>[vector<16xi32>, vector<16xi32>], vector<16xf32>,
        %add3A_2013 = arith.addf %add3A_2009, %gather3A_2012 : vector<16xf32>
        %broadcast_in_dim3A_2014 = arith.constant 4 : i32
        %broadcast_in_dim3A_2015 = vector.broadcast %broadcast_in_dim3A_2014 : i32 to vector<16xi32>
        %gather3A_2016 = tpu.vector_load_idx %arg11[%iota3A, %broadcast_in_dim3A_2015] : memref<16x17xf32, #tpu.memory_space<vmem>>[vector<16xi32>, vector<16xi32>], vector<16xf32>,
        %add3A_2017 = arith.addf %add3A_2013, %gather3A_2016 : vector<16xf32>
        %broadcast_in_dim3A_2018 = arith.constant 5 : i32
        %broadcast_in_dim3A_2019 = vector.broadcast %broadcast_in_dim3A_2018 : i32 to vector<16xi32>
        %gather3A_2020 = tpu.vector_load_idx %arg11[%iota3A, %broadcast_in_dim3A_2019] : memref<16x17xf32, #tpu.memory_space<vmem>>[vector<16xi32>, vector<16xi32>], vector<16xf32>,
        %add3A_2021 = arith.addf %add3A_2017, %gather3A_2020 : vector<16xf32>
        %broadcast_in_dim3A_2022 = arith.constant 6 : i32
        %broadcast_in_dim3A_2023 = vector.broadcast %broadcast_in_dim3A_2022 : i32 to vector<16xi32>
        %gather3A_2024 = tpu.vector_load_idx %arg11[%iota3A, %broadcast_in_dim3A_2023] : memref<16x17xf32, #tpu.memory_space<vmem>>[vector<16xi32>, vector<16xi32>], vector<16xf32>,
        %add3A_2025 = arith.addf %add3A_2021, %gather3A_2024 : vector<16xf32>
        %broadcast_in_dim3A_2026 = arith.constant 7 : i32
        %broadcast_in_dim3A_2027 = vector.broadcast %broadcast_in_dim3A_2026 : i32 to vector<16xi32>
        %gather3A_2028 = tpu.vector_load_idx %arg11[%iota3A, %broadcast_in_dim3A_2027] : memref<16x17xf32, #tpu.memory_space<vmem>>[vector<16xi32>, vector<16xi32>], vector<16xf32>,
        %add3A_2029 = arith.addf %add3A_2025, %gather3A_2028 : vector<16xf32>
        %broadcast_in_dim3A_2030 = arith.constant 8 : i32
        %broadcast_in_dim3A_2031 = vector.broadcast %broadcast_in_dim3A_2030 : i32 to vector<16xi32>
        %gather3A_2032 = tpu.vector_load_idx %arg11[%iota3A, %broadcast_in_dim3A_2031] : memref<16x17xf32, #tpu.memory_space<vmem>>[vector<16xi32>, vector<16xi32>], vector<16xf32>,
        %add3A_2033 = arith.addf %add3A_2029, %gather3A_2032 : vector<16xf32>
        %broadcast_in_dim3A_2034 = arith.constant 9 : i32
        %broadcast_in_dim3A_2035 = vector.broadcast %broadcast_in_dim3A_2034 : i32 to vector<16xi32>
        %gather3A_2036 = tpu.vector_load_idx %arg11[%iota3A, %broadcast_in_dim3A_2035] : memref<16x17xf32, #tpu.memory_space<vmem>>[vector<16xi32>, vector<16xi32>], vector<16xf32>,
        %add3A_2037 = arith.addf %add3A_2033, %gather3A_2036 : vector<16xf32>
        %broadcast_in_dim3A_2038 = arith.constant 10 : i32
        %broadcast_in_dim3A_2039 = vector.broadcast %broadcast_in_dim3A_2038 : i32 to vector<16xi32>
        %gather3A_2040 = tpu.vector_load_idx %arg11[%iota3A, %broadcast_in_dim3A_2039] : memref<16x17xf32, #tpu.memory_space<vmem>>[vector<16xi32>, vector<16xi32>], vector<16xf32>,
        %add3A_2041 = arith.addf %add3A_2037, %gather3A_2040 : vector<16xf32>
        %broadcast_in_dim3A_2042 = arith.constant 11 : i32
        %broadcast_in_dim3A_2043 = vector.broadcast %broadcast_in_dim3A_2042 : i32 to vector<16xi32>
        %gather3A_2044 = tpu.vector_load_idx %arg11[%iota3A, %broadcast_in_dim3A_2043] : memref<16x17xf32, #tpu.memory_space<vmem>>[vector<16xi32>, vector<16xi32>], vector<16xf32>,
        %add3A_2045 = arith.addf %add3A_2041, %gather3A_2044 : vector<16xf32>
        %broadcast_in_dim3A_2046 = arith.constant 12 : i32
        %broadcast_in_dim3A_2047 = vector.broadcast %broadcast_in_dim3A_2046 : i32 to vector<16xi32>
        %gather3A_2048 = tpu.vector_load_idx %arg11[%iota3A, %broadcast_in_dim3A_2047] : memref<16x17xf32, #tpu.memory_space<vmem>>[vector<16xi32>, vector<16xi32>], vector<16xf32>,
        %add3A_2049 = arith.addf %add3A_2045, %gather3A_2048 : vector<16xf32>
        %broadcast_in_dim3A_2050 = arith.constant 13 : i32
        %broadcast_in_dim3A_2051 = vector.broadcast %broadcast_in_dim3A_2050 : i32 to vector<16xi32>
        %gather3A_2052 = tpu.vector_load_idx %arg11[%iota3A, %broadcast_in_dim3A_2051] : memref<16x17xf32, #tpu.memory_space<vmem>>[vector<16xi32>, vector<16xi32>], vector<16xf32>,
        %add3A_2053 = arith.addf %add3A_2049, %gather3A_2052 : vector<16xf32>
        %broadcast_in_dim3A_2054 = arith.constant 14 : i32
        %broadcast_in_dim3A_2055 = vector.broadcast %broadcast_in_dim3A_2054 : i32 to vector<16xi32>
        %gather3A_2056 = tpu.vector_load_idx %arg11[%iota3A, %broadcast_in_dim3A_2055] : memref<16x17xf32, #tpu.memory_space<vmem>>[vector<16xi32>, vector<16xi32>], vector<16xf32>,
        %add3A_2057 = arith.addf %add3A_2053, %gather3A_2056 : vector<16xf32>
        %broadcast_in_dim3A_2058 = arith.constant 15 : i32
        %broadcast_in_dim3A_2059 = vector.broadcast %broadcast_in_dim3A_2058 : i32 to vector<16xi32>
        %gather3A_2060 = tpu.vector_load_idx %arg11[%iota3A, %broadcast_in_dim3A_2059] : memref<16x17xf32, #tpu.memory_space<vmem>>[vector<16xi32>, vector<16xi32>], vector<16xf32>,
        %add3A_2061 = arith.addf %add3A_2057, %gather3A_2060 : vector<16xf32>
        %swap3A_2062 = arith.index_cast %mul3A_35 : i32 to index
        %swap3A_2063 = tpu.vector_load %arg10[%swap3A_2062] {strides = array<i32>} : memref<240xf32, #tpu.memory_space<vmem>>, vector<16xf32>,
        tpu.vector_store %arg10[%swap3A_2062], %add3A_2061 {strides = array<i32>} : memref<240xf32, #tpu.memory_space<vmem>>, vector<16xf32>,
        %scan3A_2064 = arith.constant 0 : i32
        scf.yield %scan3A_2064 : i32
      }
      %scan3A_30 = arith.constant 15 : i32
      "tpu.region"() ({
        %run_scoped3A = tpu.sem_alloc : memref<!tpu.dma_semaphore, #tpu.memory_space<semaphore_mem>>
        %dma_start3A_32 = tpu.memref_slice %arg5[%add3A_13] : memref<960000xf32, #tpu.memory_space<hbm>> -> memref<240xf32, #tpu.memory_space<hbm>>
        %dma_start3A_33 = tpu.memref_slice %arg5[%add3A_13] : memref<960000xf32, #tpu.memory_space<hbm>> -> memref<240xf32, #tpu.memory_space<hbm>>
        tpu.enqueue_dma source(%arg10 : memref<240xf32, #tpu.memory_space<vmem>>) target(%dma_start3A_33 : memref<240xf32, #tpu.memory_space<hbm>>) target_semaphore(%run_scoped3A : memref<!tpu.dma_semaphore, #tpu.memory_space<semaphore_mem>>)
        %dma_wait3A_34 = tpu.memref_slice %arg5[%add3A_13] : memref<960000xf32, #tpu.memory_space<hbm>> -> memref<240xf32, #tpu.memory_space<hbm>>
        %dma_wait3A_35 = tpu.memref_slice %arg5[%add3A_13] : memref<960000xf32, #tpu.memory_space<hbm>> -> memref<240xf32, #tpu.memory_space<hbm>>
        tpu.wait_dma2 semaphore(%run_scoped3A : memref<!tpu.dma_semaphore, #tpu.memory_space<semaphore_mem>>) src(%arg10 : memref<240xf32, #tpu.memory_space<vmem>>) dst(%dma_wait3A_35 : memref<240xf32, #tpu.memory_space<hbm>>)
        tpu.yield
      }) : () -> ()
      %scan3A_31 = arith.constant 0 : i32
      scf.yield %scan3A_31 : i32
    }
    %scan3A_8 = arith.constant 125 : i32
    return
  }
}

module attributes {stable_mosaic.version = 14 : i64} {
  func.func @_transform_body(%arg0: i32, %arg1: i32, %arg2: memref<2000x256xf32, #tpu.memory_space<vmem>>, %arg3: memref<2000x256xf32, #tpu.memory_space<vmem>>, %arg4: memref<256x256xf32, #tpu.memory_space<vmem>>, %arg5: memref<256x256xf32, #tpu.memory_space<vmem>>, %arg6: memref<256x256xf32, #tpu.memory_space<vmem>>, %arg7: memref<8x256xf32, #tpu.memory_space<vmem>>, %arg8: memref<1x2000x256xbf16, #tpu.memory_space<vmem>>) attributes {dimension_semantics = [#tpu.dimension_semantics<arbitrary>, #tpu.dimension_semantics<arbitrary>], iteration_bounds = array<i64: 7, 5>, scalar_prefetch = 0 : i64, scratch_operands = 0 : i64, tpu.core_type = #tpu.core_type<tc>, window_params = [{transform_indices = @transform_0, window_bounds = array<i64: 2000, 256>}, {transform_indices = @transform_1, window_bounds = array<i64: 2000, 256>}, {pipeline_mode = #tpu.pipeline_mode<synchronous>, transform_indices = @transform_2, window_bounds = array<i64: 256, 256>}, {pipeline_mode = #tpu.pipeline_mode<synchronous>, transform_indices = @transform_3, window_bounds = array<i64: 256, 256>}, {pipeline_mode = #tpu.pipeline_mode<synchronous>, transform_indices = @transform_4, window_bounds = array<i64: 256, 256>}, {pipeline_mode = #tpu.pipeline_mode<synchronous>, transform_indices = @transform_5, window_bounds = array<i64: 8, 256>}, {transform_indices = @transform_6, window_bounds = array<i64: 1, 2000, 256>}]} {
    %eq3A = arith.constant 0 : i32
    %eq3A_0 = arith.cmpi eq, %arg0, %eq3A : i32
    %eq3A_1 = arith.constant 2 : i32
    %eq3A_2 = arith.cmpi eq, %arg0, %eq3A_1 : i32
    %or3A = arith.ori %eq3A_0, %eq3A_2 : i1
    %get3A = arith.constant 0 : index
    %get3A_3 = arith.constant 0 : index
    %get3A_4 = vector.load %arg2[%get3A, %get3A_3] : memref<2000x256xf32, #tpu.memory_space<vmem>>, vector<2000x256xf32>
    %get3A_5 = arith.constant 0 : index
    %get3A_6 = arith.constant 0 : index
    %get3A_7 = vector.load %arg3[%get3A_5, %get3A_6] : memref<2000x256xf32, #tpu.memory_space<vmem>>, vector<2000x256xf32>
    %select_n3A = arith.select %or3A, %get3A_4, %get3A_7 : vector<2000x256xf32>
    %iota3A = tpu.iota {dimensions = array<i32: 0>} : vector<256x256xi32>
    %iota3A_8 = tpu.iota {dimensions = array<i32: 1>} : vector<256x256xi32>
    %eq3A_9 = arith.cmpi eq, %iota3A, %iota3A_8 : vector<256x256xi32>
    %convert_element_type3A = arith.extui %eq3A_9 : vector<256x256xi1> to vector<256x256xi32>
    %convert_element_type3A_10 = arith.sitofp %convert_element_type3A : vector<256x256xi32> to vector<256x256xf32>
    %le3A = arith.constant 1 : i32
    %le3A_11 = arith.cmpi sle, %arg0, %le3A : i32
    %eq3A_12 = arith.constant 2 : i32
    %eq3A_13 = arith.cmpi eq, %arg0, %eq3A_12 : i32
    %get3A_14 = arith.constant 0 : index
    %get3A_15 = arith.constant 0 : index
    %get3A_16 = vector.load %arg4[%get3A_14, %get3A_15] : memref<256x256xf32, #tpu.memory_space<vmem>>, vector<256x256xf32>
    %eq3A_17 = arith.constant 3 : i32
    %eq3A_18 = arith.cmpi eq, %arg0, %eq3A_17 : i32
    %get3A_19 = arith.constant 0 : index
    %get3A_20 = arith.constant 0 : index
    %get3A_21 = vector.load %arg6[%get3A_19, %get3A_20] : memref<256x256xf32, #tpu.memory_space<vmem>>, vector<256x256xf32>
    %get3A_22 = arith.constant 0 : index
    %get3A_23 = arith.constant 0 : index
    %get3A_24 = vector.load %arg5[%get3A_22, %get3A_23] : memref<256x256xf32, #tpu.memory_space<vmem>>, vector<256x256xf32>
    %select_n3A_25 = arith.select %eq3A_18, %get3A_21, %get3A_24 : vector<256x256xf32>
    %select_n3A_26 = arith.select %eq3A_13, %get3A_16, %select_n3A_25 : vector<256x256xf32>
    %select_n3A_27 = arith.select %le3A_11, %convert_element_type3A_10, %select_n3A_26 : vector<256x256xf32>
    %eq3A_28 = arith.constant 4 : i32
    %eq3A_29 = arith.cmpi eq, %arg0, %eq3A_28 : i32
    %get3A_30 = arith.constant 0 : index
    %get3A_31 = arith.constant 0 : index
    %get3A_32 = vector.load %arg7[%get3A_30, %get3A_31] : memref<8x256xf32, #tpu.memory_space<vmem>>, vector<1x256xf32>
    %eq3A_33 = arith.constant 5 : i32
    %eq3A_34 = arith.cmpi eq, %arg0, %eq3A_33 : i32
    %get3A_35 = arith.constant 1 : index
    %get3A_36 = arith.constant 0 : index
    %get3A_37 = vector.load %arg7[%get3A_35, %get3A_36] : memref<8x256xf32, #tpu.memory_space<vmem>>, vector<1x256xf32>
    %get3A_38 = arith.constant 2 : index
    %get3A_39 = arith.constant 0 : index
    %get3A_40 = vector.load %arg7[%get3A_38, %get3A_39] : memref<8x256xf32, #tpu.memory_space<vmem>>, vector<1x256xf32>
    %select_n3A_41 = arith.select %eq3A_34, %get3A_37, %get3A_40 : vector<1x256xf32>
    %select_n3A_42 = arith.select %eq3A_29, %get3A_32, %select_n3A_41 : vector<1x256xf32>
    %ge3A = arith.constant 4 : i32
    %ge3A_43 = arith.cmpi sge, %arg0, %ge3A : i32
    %broadcast_in_dim3A = arith.constant 1.000000e+00 : f32
    %broadcast_in_dim3A_44 = vector.broadcast %broadcast_in_dim3A : f32 to vector<1x256xf32>
    %select_n3A_45 = arith.select %ge3A_43, %select_n3A_42, %broadcast_in_dim3A_44 : vector<1x256xf32>
    %mul3A = vector.broadcast %select_n3A_45 : vector<1x256xf32> to vector<2000x256xf32>
    %mul3A_46 = arith.mulf %select_n3A, %mul3A : vector<2000x256xf32>
    %dot_general3A = arith.constant dense<0.000000e+00> : vector<2000x256xf32>
    %dot_general3A_47 = tpu.matmul %mul3A_46, %select_n3A_27, %dot_general3A {dimension_numbers = #tpu.dot_dimension_numbers<[1], [0], [0], [1], [0, 0, 1, 1], [], []>, transpose_lhs_hint = false} : vector<2000x256xf32>, vector<256x256xf32>, vector<2000x256xf32> -> vector<2000x256xf32>
    %mul3A_48 = vector.broadcast %select_n3A_45 : vector<1x256xf32> to vector<2000x256xf32>
    %mul3A_49 = arith.mulf %dot_general3A_47, %mul3A_48 : vector<2000x256xf32>
    %convert_element_type3A_50 = arith.truncf %mul3A_49 : vector<2000x256xf32> to vector<2000x256xbf16>
    %swap3A = arith.constant 0 : index
    %swap3A_51 = arith.constant 0 : index
    %swap3A_52 = arith.constant 0 : index
    %swap3A_53 = vector.load %arg8[%swap3A, %swap3A_51, %swap3A_52] : memref<1x2000x256xbf16, #tpu.memory_space<vmem>>, vector<1x2000x256xbf16>
    %swap3A_54 = vector.shape_cast %swap3A_53 : vector<1x2000x256xbf16> to vector<2000x256xbf16>
    %swap3A_55 = vector.shape_cast %convert_element_type3A_50 : vector<2000x256xbf16> to vector<1x2000x256xbf16>
    tpu.vector_store %arg8[%swap3A, %swap3A_51, %swap3A_52], %swap3A_55 {strides = array<i32>} : memref<1x2000x256xbf16, #tpu.memory_space<vmem>>, vector<1x2000x256xbf16>,
    return
  }
  func.func @transform_0(%arg0: i32, %arg1: i32) -> (i32, i32) {
    %c0_i32 = arith.constant 0 : i32
    %c0_i32_0 = arith.constant 0 : i32
    return %arg1, %c0_i32 : i32, i32
  }
  func.func @transform_1(%arg0: i32, %arg1: i32) -> (i32, i32) {
    %c0_i32 = arith.constant 0 : i32
    %c0_i32_0 = arith.constant 0 : i32
    return %arg1, %c0_i32 : i32, i32
  }
  func.func @transform_2(%arg0: i32, %arg1: i32) -> (i32, i32) {
    %c0_i32 = arith.constant 0 : i32
    %c0_i32_0 = arith.constant 0 : i32
    %c0_i32_1 = arith.constant 0 : i32
    return %c0_i32, %c0_i32_0 : i32, i32
  }
  func.func @transform_3(%arg0: i32, %arg1: i32) -> (i32, i32) {
    %c0_i32 = arith.constant 0 : i32
    %c0_i32_0 = arith.constant 0 : i32
    %c0_i32_1 = arith.constant 0 : i32
    return %c0_i32, %c0_i32_0 : i32, i32
  }
  func.func @transform_4(%arg0: i32, %arg1: i32) -> (i32, i32) {
    %c0_i32 = arith.constant 0 : i32
    %c0_i32_0 = arith.constant 0 : i32
    %c0_i32_1 = arith.constant 0 : i32
    return %c0_i32, %c0_i32_0 : i32, i32
  }
  func.func @transform_5(%arg0: i32, %arg1: i32) -> (i32, i32) {
    %c0_i32 = arith.constant 0 : i32
    %c0_i32_0 = arith.constant 0 : i32
    %c0_i32_1 = arith.constant 0 : i32
    return %c0_i32, %c0_i32_0 : i32, i32
  }
  func.func @transform_6(%arg0: i32, %arg1: i32) -> (i32, i32, i32) {
    %c0_i32 = arith.constant 0 : i32
    %c0_i32_0 = arith.constant 0 : i32
    return %arg0, %arg1, %c0_i32 : i32, i32, i32
  }
}

</mosaic_0001>

<sc_bundles>
// kernel: kernel.4.cloned.1.call-start
scs
__scs_entry_jumppad:
0x0: {  	(pc) =	sbr.rel $0x88, $3  }
0x1: {  	(tag) =	ssettag $0x0;
	lr =	simm.s32 $0x1  }
0x2: {  	[smem:$0x3F97] =	sst lr;
	_ =	strace $0xD0000000  }
0x3: {  	_ = 	snop  }
0x4: {  	_ = 	snop  }
0x5: {  	_ = 	snop  }
0x6: {  	_ = 	snop  }
0x7: {  	_ = 	snop  }
__scs_overlays_trampoline_lowered:
0x8: {  	[smem:$0x3FA6] =	sst s0  }
0x9: {  	[smem:$0x3FA7] =	sst s1  }
0xa: {  	[smem:$0x3FA8] =	sst s2  }
0xb: {  	[smem:$0x3FA9] =	sst s3  }
0xc: {  	[smem:$0x3FAA] =	sst s4  }
0xd: {  	[smem:$0x3FAB] =	sst s5  }
0xe: {  	[smem:$0x3FAC] =	sst s6  }
0xf: {  	[smem:$0x3FAD] =	sst s7  }
0x10: {  	[smem:$0x3FAE] =	sst s8  }
0x11: {  	[smem:$0x3FAF] =	sst s9;
	s0 =	simm.s32 @!p0 $0x0  }
0x12: {  	s1 =	sld [smem:$0x3F95];
	s0 =	simm.s32 @p0 $0x1  }
0x13: {  	[smem:$0x3FB0] =	sst s0;
	s0 =	simm.s32 @!p1 $0x0  }
0x14: {  	s2 =	sld [smem:$0x3F94];
	s0 =	simm.s32 @p1 $0x1  }
0x15: {  	[smem:$0x3FB1] =	sst s0;
	s0 =	simm.s32 @!p2 $0x0  }
0x16: {  	s3 =	sld [smem:$0x3FDB];
	s0 =	simm.s32 @p2 $0x1  }
0x17: {  	s4 =	simm.s32 $0x1BF5;
	[smem:$0x3FB3] =	sst s0  }
0x18: {  	s0 =	sld [smem:$0x3F96];
	_ =	swait.ge [sflag:s4], $0x0  }
0x19: {  	s7 =	sld [smem:$0x3F97]  }
0x1a: {  	s8 =	sadd.s32 $0xFFFFE003, lr  }
0x1b: {  	s9 =	sadd.s32 $0xFFFFFEF7, lr;
	s5 =	simm.s32 $0xFFFFFFFF;
	p2 =	slt.u32 s8, $0xFFFFF086  }
0x1c: {  	p1 =	slt.u32 s9, $0xF7A;
	s5 =	simm.s32 @!p2 $0x0  }
0x1d: {  	s5 =	simm.s32 @p1 $0x1;
	p0 =	seq.s32 s7, s2  }
0x1e: {  	s7 =	smul.u32 @!p0 $0xF7A, s2;
	p2 =	seq.s32 @!p0 s5, $0x0  }
0x1f: {  	s9 =	smul.u32 $0xF7A, s1;
	s8 =	simm.s32 @!p0 $0x1BF5;
	p2 =	por !p2, p0  }
0x20: {  	[sflag:s8] =	ssyncset.s32 @!p0 $0xFFFFF086;
	s6 =	sadd.s32 @!p0 s3, s7;
	s7 =	simm.s32 @!p0 $0x108  }
0x21: {  	s3 =	sadd.s32 s3, s9;
	s6 =	sadd.s32 @!p0 $0x88, s6;
	s7 =	simm.s32 @p2 $0x1082  }
0x22: {  	[simem:s7], [sflag:s8] =	dma.local @!p0 [hbm:s6], $0xF7A  }
0x23: {  	s9 =	sor.u32 $0xD0000000, s2;
	s6 =	simm.s32 $0x108;
	_ =	swait.ge @!p0 [sflag:s8], $0x0  }
0x24: {  	s3 =	sadd.s32 $0x88, s3;
	s6 =	simm.s32 @!p1 $0x1082;
	[sflag:s4] =	ssyncset.s32 $0xFFFFF086  }
0x25: {  	[simem:s6], [sflag:s4] =	dma.local [hbm:s3], $0xF7A  }
0x26: {  	[smem:$0x3F97] =	sst s1;
	(tag) =	ssettag s2;
	_ =	strace s9  }
0x27: {  	s1 =	sld [smem:$0x3FA7]  }
0x28: {  	s2 =	sld [smem:$0x3FA8]  }
0x29: {  	s4 =	sld [smem:$0x3FAA]  }
0x2a: {  	p0 =	seq.s32 s5, $0x0;
	s5 =	sld [smem:$0x3FAB]  }
0x2b: {  	s6 =	sld [smem:$0x3FAC]  }
0x2c: {  	s7 =	sld [smem:$0x3FAD]  }
0x2d: {  	s3 =	simm.s32 $0x108;
	s8 =	sld [smem:$0x3FAE]  }
0x2e: {  	s3 =	simm.s32 @!p0 $0x1082;
	s9 =	sld [smem:$0x3FAF]  }
0x2f: {  	lr =	sadd.s32 s0, s3;
	s0 =	sld [smem:$0x3FA6]  }
0x30: {  	s3 =	sld [smem:$0x3FA9]  }
0x31: {  	[smem:$0x3FB2] =	sst s10  }
0x32: {  	s10 =	sld [smem:$0x3FB0];
	_ =	sdelay $0x3  }
0x33: {  	p0 =	seq.s32 s10, $0x1;
	s10 =	sld [smem:$0x3FB2];
	_ =	sdelay $0x3  }
0x34: {  	[smem:$0x3FB2] =	sst s10  }
0x35: {  	s10 =	sld [smem:$0x3FB1];
	_ =	sdelay $0x3  }
0x36: {  	p1 =	seq.s32 s10, $0x1;
	s10 =	sld [smem:$0x3FB2];
	_ =	sdelay $0x3  }
0x37: {  	[smem:$0x3FB2] =	sst s10  }
0x38: {  	s10 =	sld [smem:$0x3FB3]  }
0x39: {  	_ = 	snop;
	(pc) =	sbr.ind lr, $3  }
0x3a: {  	_ = 	snop  }
0x3b: {  	_ = 	snop  }
0x3c: {  	p2 =	seq.s32 s10, $0x1;
	s10 =	sld [smem:$0x3FB2]  }
0x3d: {  	_ =	shalt  }
0x3e: {  	_ =	shalt  }
0x3f: {  	_ =	shalt  }
0x40: {  	_ =	shalt  }
0x41: {  	_ =	shalt  }
0x42: {  	_ =	shalt  }
0x43: {  	_ =	shalt  }
0x44: {  	_ =	shalt  }
0x45: {  	_ =	shalt  }
0x46: {  	_ =	shalt  }
0x47: {  	_ =	shalt  }
0x48: {  	_ =	shalt  }
0x49: {  	_ =	shalt  }
0x4a: {  	_ =	shalt  }
0x4b: {  	_ =	shalt  }
0x4c: {  	_ =	shalt  }
0x4d: {  	_ =	shalt  }
0x4e: {  	_ =	shalt  }
0x4f: {  	_ =	shalt  }
0x50: {  	_ =	shalt  }
0x51: {  	_ =	shalt  }
0x52: {  	_ =	shalt  }
0x53: {  	_ =	shalt  }
0x54: {  	_ =	shalt  }
0x55: {  	_ =	shalt  }
0x56: {  	_ =	shalt  }
0x57: {  	_ =	shalt  }
0x58: {  	_ =	shalt  }
0x59: {  	_ =	shalt  }
0x5a: {  	_ =	shalt  }
0x5b: {  	_ =	shalt  }
0x5c: {  	_ =	shalt  }
0x5d: {  	_ =	shalt  }
0x5e: {  	_ =	shalt  }
0x5f: {  	_ =	shalt  }
0x60: {  	_ =	shalt  }
0x61: {  	_ =	shalt  }
0x62: {  	_ =	shalt  }
0x63: {  	_ =	shalt  }
0x64: {  	_ =	shalt  }
0x65: {  	_ =	shalt  }
0x66: {  	_ =	shalt  }
0x67: {  	_ =	shalt  }
0x68: {  	_ =	shalt  }
0x69: {  	_ =	shalt  }
0x6a: {  	_ =	shalt  }
0x6b: {  	_ =	shalt  }
0x6c: {  	_ =	shalt  }
0x6d: {  	_ =	shalt  }
0x6e: {  	_ =	shalt  }
0x6f: {  	_ =	shalt  }
0x70: {  	_ =	shalt  }
0x71: {  	_ =	shalt  }
0x72: {  	_ =	shalt  }
0x73: {  	_ =	shalt  }
0x74: {  	_ =	shalt  }
0x75: {  	_ =	shalt  }
0x76: {  	_ =	shalt  }
0x77: {  	_ =	shalt  }
0x78: {  	_ =	shalt  }
0x79: {  	_ =	shalt  }
0x7a: {  	_ =	shalt  }
0x7b: {  	_ =	shalt  }
0x7c: {  	_ =	shalt  }
0x7d: {  	_ =	shalt  }
0x7e: {  	_ =	shalt  }
0x7f: {  	_ =	shalt  }
0x80: {  	_ =	shalt  }
0x81: {  	_ =	shalt  }
0x82: {  	_ =	shalt  }
0x83: {  	_ =	shalt  }
0x84: {  	_ =	shalt  }
0x85: {  	_ =	shalt  }
0x86: {  	_ =	shalt  }
0x87: {  	_ =	shalt  }
.Lfunc_end0:
.L_simem_size_0:
called_computation.1_lowered:
.L_overlay_start_0:
0x88: {  	s2 =	sld [smem:$0x3FD9]  }
0x89: {  	s3 =	sld [smem:$0x3FFE];
	_ =	sdelay $0x1  }
0x8a: {  	s1 =	srdreg.scid  }
0x8b: {  	s0 =	sand.u32 $0x1, s1  }
0x8c: {  	s17 =	sshll.u32 s0, $0xA;
	s2 =	sadd.s32 s3, s2  }
0x8d: {  	s2 =	sadd.s32 s2, s17  }
0x8e: {  	[smem:$0x3FBE] =	sst s2  }
0x8f: {  	_ = 	snop  }
0x90: {  	s2 =	sld [smem:$0x3FD0];
	(tm) =	ssettm $0x1  }
0x91: {  	s18 =	sld [smem:$0x3FFB];
	_ =	sdelay $0x3  }
0x92: {  	_ =	strace s18  }
0x93: {  	s3 =	sld [smem:$0x3FFC];
	_ =	sdelay $0x3  }
0x94: {  	_ =	strace s3  }
0x95: {  	s3 =	sld [smem:$0x3FFD];
	_ =	sdelay $0x3  }
0x96: {  	_ =	strace s3  }
0x97: {  	_ =	strace $0x8FFFFFFF  }
0x98: {  	s19 =	sld [smem:$0x3FDB];
	_ =	sdelay $0x1  }
0x99: {  	s4 =	simm.s32 $_scs_section_size  }
0x9a: {  	s5 =	simm.s32 $_size__tile_overlayer_lowered;
	s6 =	simm.s32 $_tile_overlayer_lowered  }
0x9b: {  	s22 =	simm.s32 $0x1BFF;
	s21 =	sshll.u32 s6, $0x1;
	s3 =	sadd.s32 s4, s19  }
0x9c: {  	s7 =	simm.s32 $0x0;
	s20 =	sshll.u32 s5, $0x1;
	s5 =	sadd.s32 s21, s3  }
0x9d: {  	[timem:s7], [sflag:s22] =	dma.local [hbm:s5], s20  }
0x9e: {  	_ =	swait.ge [sflag:s22], s20  }
0x9f: {  	s4 =	ssub.s32 $0x0, s20;
	[sflag:s22] =	ssyncset.done $0x0  }
0xa0: {  	[sflag:s22] =	ssyncadd.s32 s4;
	_ =	sdelay $0x1  }
0xa1: {  	s23 =	simm.s32 $0x1B8B  }
0xa2: {  	_ =	swait.ge [sflag:s23], $0x1  }
0xa3: {  	[sflag:s23] =	ssyncset.done $0x0  }
0xa4: {  	s25 =	simm.s32 $0x1B8E;
	s24 =	sld [smem:$0x3FFE];
	[sflag:s23] =	ssyncadd.s32 $0xFFFFFFFF  }
0xa5: {  	s26 =	simm.s32 $execute0_lowered;
	[smem:$0x3FD2] =	sst s25  }
0xa6: {  	s5 =	sshll.u32 s26, $0x1;
	_ =	strace $0x80000049;
	[dreg:$0x1] =	wrdreg $0xFFFFFFFF  }
0xa7: {  	s28 =	simm.s32 $_size_execute0_lowered;
	s3 =	sadd.s32 s3, s5;
	[dreg:$0x0] =	wrdreg $0x0  }
0xa8: {  	s5 =	sshll.u32 s28, $0x1;
	[dreg:$0x2] =	wrdreg s3  }
0xa9: {  	[dreg:$0x3] =	wrdreg s5  }
0xaa: {  	[dreg:$0x4] =	wrdreg $0xC0  }
0xab: {  	_ =	task [dreg:s7], $0x5FFFF  }
0xac: {  	[dreg:$0x1] =	wrdreg $0xFFFFFFFF  }
0xad: {  	[dreg:$0x0] =	wrdreg $0x60  }
0xae: {  	[dreg:$0x2] =	wrdreg s24  }
0xaf: {  	[dreg:$0x3] =	wrdreg s2  }
0xb0: {  	[dreg:$0x4] =	wrdreg $0x9  }
0xb1: {  	_ =	task.clear_ibuf [dreg:s7], $0x5FFFF;
	_ =	strace $0x90000049  }
0xb2: {  	s29 =	simm.s32 $0x9;
	_ =	strace $0x8000004B  }
0xb3: {  	_ =	swait.ge [sflag:s29], $0x1  }
0xb4: {  	[sflag:s29] =	ssyncadd.s32 $0xFFFFFFFF  }
0xb5: {  	_ =	strace $0x9000004B  }
0xb6: {  	_ =	sfence  }
0xb7: {  	s30 =	sld [smem:$0x0];
	_ =	sdelay $0x2  }
0xb8: {  	s31 =	sshll.u32 s1, $0xD;
	s1 =	sshrl.u32 s1, $0x2  }
0xb9: {  	s3 =	sand.u32 $0x4000, s31;
	s1 =	sadd.s32 s1, s30  }
0xba: {  	s0 =	sor.u32 s3, s0;
	s1 =	sshll.u32 s1, $0x11  }
0xbb: {  	s0 =	sor.u32 s1, s0  }
0xbc: {  	s0 =	sadd.s32 $0x8F2B, s0  }
0xbd: {  	[sflag:s0] =	ssyncadd.remote.s32 $0x1  }
0xbe: {  	_ =	sfence.sel $0xFFFF  }
0xbf: {  	[dreg:$0x0] =	wrdreg $0xFFFFFFFF;
	(pc) =	sbr.abs _section_cstart, $3  }
0xc0: {  	[dreg:$0x1] =	wrdreg $0xFFFFFFFF  }
0xc1: {  	_ =	task.clear_ibuf [dreg:s7], $0x2FFFF;
	_ =	strace $0x9FFFFFFF  }
0xc2: {  	(tm) =	ssettm $0x7FFFFFFF  }
0xc3: {  	_ =	shalt  }
tec
execute0_lowered:
.L_overlay_start_1:
0x0: {  	(tag) =	ssettag $0x1  }
0x1: {  	s1 =	rddreg [dreg:$0x0]  }
0x2: {  	s2 =	rddreg [dreg:$0x1];
	s3 =	srdreg.scid  }
0x3: {  	s0 =	rddreg [dreg:$0x2];
	s4 =	simm.s32 $0x0;
	v0 =	vlaneseq.u32;
	s10 =	simm.s32 $0xF0  }
0x4: {  	s11 =	simm.s32 $0x1E0;
	s12 =	simm.s32 $0x79E0;
	s13 =	simm.s32 $0x1;
	v0 =	vmul.u32 $0x18, v0  }
0x5: {  	s14 =	simm.s32 $0x2;
	s15 =	simm.s32 $0xF2D0;
	s16 =	simm.s32 $0xF1E0  }
0x6: {  	s17 =	simm.s32 $0x0;
	s6 =	sand.u32 $0x1, s3;
	[smem:$0x7FF] =	sst s4;
	v1 =	vor.u32 $0x1, v0;
	v2 =	vor.u32 $0x2, v0;
	v3 =	vor.u32 $0x3, v0  }
0x7: {  	s3 =	stileid.u32;
	s5 =	sadd.s32 $0x223000, s1;
	s7 =	ssub.s32 $0x2, s6;
	v4 =	vor.u32 $0x4, v0;
	v5 =	vor.u32 $0x5, v0;
	v6 =	vor.u32 $0x6, v0  }
0x8: {  	_ =	strace $0x8000004A;
	s9 =	sshll.u32 s3, $0x1;
	s8 =	sshrl.u32 s7, $0x1;
	v7 =	vor.u32 $0x7, v0;
	v8 =	vadd.s32 $0x8, v0;
	v9 =	vadd.s32 $0x9, v0  }
0x9: {  	s31 =	sor.u32 s6, s9;
	s6 =	sadd.s32 $0x111800, s1;
	v10 =	vadd.s32 $0xA, v0;
	v11 =	vadd.s32 $0xB, v0;
	v12 =	vadd.s32 $0xC, v0;
	s8 =	ssub.s32 s7, s8  }
0xa: {  	s9 =	simm.s32 $0x3;
	v13 =	vadd.s32 $0xD, v0;
	v14 =	vadd.s32 $0xE, v0;
	v15 =	vadd.s32 $0xF, v0;
	s7 =	smul.u32 $0x7530, s31;
	s8 =	smax.u32 s8, $0x1  }
.LBB2_1:
0xb: {  	s18 =	simm.s32 $0x0  }
.LBB2_2:
0xc: {  	s19 =	smul.u32 $0xF0, s18;
	_ =	sdelay $0x1  }
0xd: {  	s19 =	sadd.s32 s7, s19  }
0xe: {  	s19 =	sshrl.u32 s19, $0x3  }
0xf: {  	s20 =	simm.s32 $0x0;
	s21 =	sadd.s32 s2, s19  }
0x10: {  	[tilespmem:s20], [sflag:$0x3] =	stream.linear.gather [hbm4b:s21+s20], $0xF0, $0x38;
	[tilespmem:$0xF450] =	vst v63  }
0x11: {  	_ =	swait.ge [sflag:s9], $0xF0  }
0x12: {  	[sflag:s9] =	ssyncset.done $0x0  }
0x13: {  	s31 =	sadd.s32 s5, s19;
	[sflag:s9] =	ssyncadd.s32 $0xFFFFFF10  }
0x14: {  	[tilespmem:s10], [sflag:$0x3] =	stream.linear.gather [hbm4b:s31+s20], $0xF0, $0x38;
	[tilespmem:$0xF450] =	vst v63  }
0x15: {  	_ =	swait.ge [sflag:s9], $0xF0  }
0x16: {  	[sflag:s9] =	ssyncset.done $0x0  }
0x17: {  	[sflag:s9] =	ssyncadd.s32 $0xFFFFFF10  }
0x18: {  	[tilespmem:s11], [sflag:$0x1] =	stream.indirect.gather [hbm4b:s1+s10], $0x80, s20, s10, $0xb8;
	[tilespmem:$0xF450] =	vst v63  }
0x19: {  	_ = 	snop  }
0x1a: {  	[tilespmem:s12], [sflag:$0x2] =	stream.indirect.gather [hbm4b:s1+s10], $0x80, s10, s10, $0xb8;
	[tilespmem:$0xF450] =	vst v63  }
0x1b: {  	_ =	swait.ge [sflag:s13], $0x7800  }
0x1c: {  	[sflag:s13] =	ssyncset.done $0x0  }
0x1d: {  	[sflag:s13] =	ssyncadd.s32 $0xFFFF8800  }
0x1e: {  	_ =	swait.ge [sflag:s14], $0x7800  }
0x1f: {  	[sflag:s14] =	ssyncset.done $0x0  }
0x20: {  	[sflag:s14] =	ssyncadd.s32 $0xFFFF8800  }
.LBB2_3:
0x21: {  	s21 =	sshll.u32 s20, $0xB  }
0x22: {  	s21 =	sand.u32 $0x7FFFF800, s21  }
0x23: {  	v16 =	vld [tilespmem:s21+$0x1E0]  }
0x24: {  	v17 =	vld [tilespmem:s21+$0x79E0]  }
0x25: {  	v19 =	vld [tilespmem:s21+$0x79F0]  }
0x26: {  	v63 =	vld [tilespmem:s21+$0x200]  }
0x27: {  	v22 =	vld [tilespmem:s21+$0x7A00]  }
0x28: {  	v24 =	vld [tilespmem:s21+$0x210]  }
0x29: {  	v28 =	vld [tilespmem:s21+$0x7A10]  }
0x2a: {  	v31 =	vld [tilespmem:s21+$0x220]  }
0x2b: {  	v32 =	vld [tilespmem:s21+$0x7A20]  }
0x2c: {  	v35 =	vld [tilespmem:s21+$0x230]  }
0x2d: {  	v37 =	vld [tilespmem:s21+$0x7A30]  }
0x2e: {  	v40 =	vld [tilespmem:s21+$0x240];
	v20 =	vunpack.i.l.bf16.f32 v16;
	v21 =	vunpack.i.l.bf16.f32 v17  }
0x2f: {  	v18 =	vld [tilespmem:s21+$0x1F0];
	v16 =	vunpack.i.u.bf16.f32 v16;
	v17 =	vunpack.i.u.bf16.f32 v17;
	v23 =	vunpack.i.l.bf16.f32 v19  }
0x30: {  	v19 =	vunpack.i.u.bf16.f32 v19;
	v29 =	vunpack.i.l.bf16.f32 v63;
	v30 =	vunpack.i.l.bf16.f32 v22  }
0x31: {  	v22 =	vunpack.i.u.bf16.f32 v22;
	v33 =	vunpack.i.l.bf16.f32 v24;
	v25 =	vunpack.i.l.bf16.f32 v28  }
0x32: {  	v41 =	vld [tilespmem:s21+$0x7A40];
	v36 =	vunpack.i.u.bf16.f32 v24;
	v38 =	vunpack.i.l.bf16.f32 v31;
	v39 =	vunpack.i.l.bf16.f32 v32  }
0x33: {  	v42 =	vunpack.i.l.bf16.f32 v35;
	v43 =	vunpack.i.l.bf16.f32 v37;
	v46 =	vunpack.i.l.bf16.f32 v40  }
0x34: {  	v20 =	vmul.f32 v21, v20;
	v16 =	vmul.f32 v17, v16;
	v17 =	vunpack.i.l.bf16.f32 v18  }
0x35: {  	v18 =	vunpack.i.u.bf16.f32 v18;
	v21 =	vunpack.i.u.bf16.f32 v63;
	v17 =	vmul.f32 v23, v17  }
0x36: {  	v18 =	vmul.f32 v19, v18;
	v20 =	vadd.f32 $0.0e+00, v20;
	v16 =	vadd.f32 $0.0e+00, v16  }
0x37: {  	v47 =	vunpack.i.l.bf16.f32 v41;
	v21 =	vmul.f32 v22, v21;
	v23 =	vunpack.i.u.bf16.f32 v28  }
0x38: {  	v17 =	vadd.f32 v17, v20;
	v16 =	vadd.f32 v18, v16;
	v18 =	vmul.f32 v30, v29  }
0x39: {  	v44 =	vld [tilespmem:s21+$0x250];
	v34 =	vmul.f32 v25, v33;
	v19 =	vunpack.i.u.bf16.f32 v32;
	v22 =	vmul.f32 v23, v36  }
0x3a: {  	v45 =	vld [tilespmem:s21+$0x7A50];
	v20 =	vunpack.i.u.bf16.f32 v31;
	v17 =	vadd.f32 v18, v17;
	v16 =	vadd.f32 v21, v16  }
0x3b: {  	v23 =	vmul.f32 v39, v38;
	v19 =	vmul.f32 v19, v20;
	v21 =	vunpack.i.u.bf16.f32 v35  }
0x3c: {  	v18 =	vunpack.i.u.bf16.f32 v37;
	v17 =	vadd.f32 v34, v17;
	v16 =	vadd.f32 v22, v16  }
0x3d: {  	v49 =	vunpack.i.u.bf16.f32 v40;
	v50 =	vunpack.i.u.bf16.f32 v41;
	v18 =	vmul.f32 v18, v21  }
0x3e: {  	v17 =	vadd.f32 v23, v17;
	v16 =	vadd.f32 v19, v16;
	v19 =	vmul.f32 v43, v42  }
0x3f: {  	v52 =	vunpack.i.l.bf16.f32 v44;
	v48 =	vmul.f32 v47, v46;
	v20 =	vunpack.i.l.bf16.f32 v45  }
0x40: {  	v17 =	vadd.f32 v19, v17;
	v16 =	vadd.f32 v18, v16;
	v18 =	vmul.f32 v50, v49  }
0x41: {  	v51 =	vunpack.i.u.bf16.f32 v44;
	v53 =	vunpack.i.u.bf16.f32 v45;
	v54 =	vmul.f32 v20, v52  }
0x42: {  	v19 =	vmul.f32 v53, v51;
	v17 =	vadd.f32 v48, v17;
	v16 =	vadd.f32 v18, v16;
	_ =	sdelay $0x1  }
0x43: {  	v17 =	vadd.f32 v54, v17;
	v16 =	vadd.f32 v19, v16;
	_ =	sdelay $0x1  }
0x44: {  	v16 =	vadd.f32 v17, v16;
	_ =	sdelay $0x1  }
0x45: {  	[tilespmem:$0xF2D0] =	vst v16  }
0x46: {  	v16 =	vld [tilespmem:s21+$0x260]  }
0x47: {  	v17 =	vld [tilespmem:s21+$0x7A60]  }
0x48: {  	v55 =	vld [tilespmem:s21+$0x270]  }
0x49: {  	v56 =	vld [tilespmem:s21+$0x7A70]  }
0x4a: {  	v59 =	vld [tilespmem:s21+$0x280]  }
0x4b: {  	v60 =	vld [tilespmem:s21+$0x7A80]  }
0x4c: {  	v62 =	vld [tilespmem:s21+$0x290]  }
0x4d: {  	v63 =	vld [tilespmem:s21+$0x7A90]  }
0x4e: {  	v30 =	vld [tilespmem:s21+$0x2A0]  }
0x4f: {  	v31 =	vld [tilespmem:s21+$0x7AA0];
	v57 =	vunpack.i.l.bf16.f32 v16;
	v58 =	vunpack.i.l.bf16.f32 v17  }
0x50: {  	v35 =	vld [tilespmem:s21+$0x2B0];
	v16 =	vunpack.i.u.bf16.f32 v16;
	v17 =	vunpack.i.u.bf16.f32 v17;
	v61 =	vunpack.i.l.bf16.f32 v56  }
0x51: {  	v37 =	vld [tilespmem:s21+$0x7AB0];
	v18 =	vunpack.i.u.bf16.f32 v55;
	v19 =	vunpack.i.u.bf16.f32 v56;
	v28 =	vunpack.i.l.bf16.f32 v59  }
0x52: {  	v40 =	vld [tilespmem:s21+$0x2C0];
	v29 =	vunpack.i.l.bf16.f32 v60;
	v21 =	vunpack.i.u.bf16.f32 v59;
	v22 =	vunpack.i.u.bf16.f32 v60  }
0x53: {  	v41 =	vld [tilespmem:s21+$0x7AC0];
	v32 =	vunpack.i.l.bf16.f32 v62;
	v33 =	vunpack.i.l.bf16.f32 v63;
	v36 =	vunpack.i.u.bf16.f32 v62  }
0x54: {  	v23 =	vunpack.i.u.bf16.f32 v63;
	v38 =	vunpack.i.l.bf16.f32 v30;
	v39 =	vunpack.i.l.bf16.f32 v31  }
0x55: {  	v42 =	vunpack.i.l.bf16.f32 v35;
	v20 =	vmul.f32 v58, v57;
	v16 =	vmul.f32 v17, v16  }
0x56: {  	v43 =	vunpack.i.l.bf16.f32 v37;
	v17 =	vunpack.i.l.bf16.f32 v55;
	v18 =	vmul.f32 v19, v18  }
0x57: {  	v17 =	vmul.f32 v61, v17;
	v20 =	vadd.f32 $0.0e+00, v20;
	v16 =	vadd.f32 $0.0e+00, v16  }
0x58: {  	v46 =	vunpack.i.l.bf16.f32 v40;
	v47 =	vunpack.i.l.bf16.f32 v41;
	v21 =	vmul.f32 v22, v21  }
0x59: {  	v17 =	vadd.f32 v17, v20;
	v16 =	vadd.f32 v18, v16;
	v18 =	vmul.f32 v29, v28  }
0x5a: {  	v44 =	vld [tilespmem:s21+$0x2D0];
	v34 =	vmul.f32 v33, v32;
	v22 =	vmul.f32 v23, v36;
	v19 =	vunpack.i.u.bf16.f32 v31  }
0x5b: {  	v45 =	vld [tilespmem:s21+$0x7AD0];
	v20 =	vunpack.i.u.bf16.f32 v30;
	v17 =	vadd.f32 v18, v17;
	v16 =	vadd.f32 v21, v16  }
0x5c: {  	v23 =	vmul.f32 v39, v38;
	v19 =	vmul.f32 v19, v20;
	v21 =	vunpack.i.u.bf16.f32 v35  }
0x5d: {  	v18 =	vunpack.i.u.bf16.f32 v37;
	v17 =	vadd.f32 v34, v17;
	v16 =	vadd.f32 v22, v16  }
0x5e: {  	v49 =	vunpack.i.u.bf16.f32 v40;
	v50 =	vunpack.i.u.bf16.f32 v41;
	v18 =	vmul.f32 v18, v21  }
0x5f: {  	v17 =	vadd.f32 v23, v17;
	v16 =	vadd.f32 v19, v16;
	v19 =	vmul.f32 v43, v42  }
0x60: {  	v52 =	vunpack.i.l.bf16.f32 v44;
	v48 =	vmul.f32 v47, v46;
	v20 =	vunpack.i.l.bf16.f32 v45  }
0x61: {  	v17 =	vadd.f32 v19, v17;
	v16 =	vadd.f32 v18, v16;
	v18 =	vmul.f32 v50, v49  }
0x62: {  	v51 =	vunpack.i.u.bf16.f32 v44;
	v53 =	vunpack.i.u.bf16.f32 v45;
	v54 =	vmul.f32 v20, v52  }
0x63: {  	v19 =	vmul.f32 v53, v51;
	v17 =	vadd.f32 v48, v17;
	v16 =	vadd.f32 v18, v16;
	_ =	sdelay $0x1  }
0x64: {  	v17 =	vadd.f32 v54, v17;
	v16 =	vadd.f32 v19, v16;
	_ =	sdelay $0x1  }
0x65: {  	v16 =	vadd.f32 v17, v16;
	_ =	sdelay $0x1  }
0x66: {  	[tilespmem:$0xF2E8] =	vst v16  }
0x67: {  	v16 =	vld [tilespmem:s21+$0x2E0]  }
0x68: {  	v17 =	vld [tilespmem:s21+$0x7AE0]  }
0x69: {  	v55 =	vld [tilespmem:s21+$0x2F0]  }
0x6a: {  	v56 =	vld [tilespmem:s21+$0x7AF0]  }
0x6b: {  	v59 =	vld [tilespmem:s21+$0x300]  }
0x6c: {  	v60 =	vld [tilespmem:s21+$0x7B00]  }
0x6d: {  	v62 =	vld [tilespmem:s21+$0x310]  }
0x6e: {  	v63 =	vld [tilespmem:s21+$0x7B10]  }
0x6f: {  	v30 =	vld [tilespmem:s21+$0x320]  }
0x70: {  	v31 =	vld [tilespmem:s21+$0x7B20];
	v57 =	vunpack.i.l.bf16.f32 v16;
	v58 =	vunpack.i.l.bf16.f32 v17  }
0x71: {  	v35 =	vld [tilespmem:s21+$0x330];
	v16 =	vunpack.i.u.bf16.f32 v16;
	v17 =	vunpack.i.u.bf16.f32 v17;
	v61 =	vunpack.i.l.bf16.f32 v56  }
0x72: {  	v37 =	vld [tilespmem:s21+$0x7B30];
	v18 =	vunpack.i.u.bf16.f32 v55;
	v19 =	vunpack.i.u.bf16.f32 v56;
	v28 =	vunpack.i.l.bf16.f32 v59  }
0x73: {  	v40 =	vld [tilespmem:s21+$0x340];
	v29 =	vunpack.i.l.bf16.f32 v60;
	v21 =	vunpack.i.u.bf16.f32 v59;
	v22 =	vunpack.i.u.bf16.f32 v60  }
0x74: {  	v41 =	vld [tilespmem:s21+$0x7B40];
	v32 =	vunpack.i.l.bf16.f32 v62;
	v33 =	vunpack.i.l.bf16.f32 v63;
	v36 =	vunpack.i.u.bf16.f32 v62  }
0x75: {  	v23 =	vunpack.i.u.bf16.f32 v63;
	v38 =	vunpack.i.l.bf16.f32 v30;
	v39 =	vunpack.i.l.bf16.f32 v31  }
0x76: {  	v42 =	vunpack.i.l.bf16.f32 v35;
	v20 =	vmul.f32 v58, v57;
	v16 =	vmul.f32 v17, v16  }
0x77: {  	v43 =	vunpack.i.l.bf16.f32 v37;
	v17 =	vunpack.i.l.bf16.f32 v55;
	v18 =	vmul.f32 v19, v18  }
0x78: {  	v17 =	vmul.f32 v61, v17;
	v20 =	vadd.f32 $0.0e+00, v20;
	v16 =	vadd.f32 $0.0e+00, v16  }
0x79: {  	v46 =	vunpack.i.l.bf16.f32 v40;
	v47 =	vunpack.i.l.bf16.f32 v41;
	v21 =	vmul.f32 v22, v21  }
0x7a: {  	v17 =	vadd.f32 v17, v20;
	v16 =	vadd.f32 v18, v16;
	v18 =	vmul.f32 v29, v28  }
0x7b: {  	v44 =	vld [tilespmem:s21+$0x350];
	v34 =	vmul.f32 v33, v32;
	v22 =	vmul.f32 v23, v36;
	v19 =	vunpack.i.u.bf16.f32 v31  }
0x7c: {  	v45 =	vld [tilespmem:s21+$0x7B50];
	v20 =	vunpack.i.u.bf16.f32 v30;
	v17 =	vadd.f32 v18, v17;
	v16 =	vadd.f32 v21, v16  }
0x7d: {  	v23 =	vmul.f32 v39, v38;
	v19 =	vmul.f32 v19, v20;
	v21 =	vunpack.i.u.bf16.f32 v35  }
0x7e: {  	v18 =	vunpack.i.u.bf16.f32 v37;
	v17 =	vadd.f32 v34, v17;
	v16 =	vadd.f32 v22, v16  }
0x7f: {  	v49 =	vunpack.i.u.bf16.f32 v40;
	v50 =	vunpack.i.u.bf16.f32 v41;
	v18 =	vmul.f32 v18, v21  }
0x80: {  	v17 =	vadd.f32 v23, v17;
	v16 =	vadd.f32 v19, v16;
	v19 =	vmul.f32 v43, v42  }
0x81: {  	v52 =	vunpack.i.l.bf16.f32 v44;
	v48 =	vmul.f32 v47, v46;
	v20 =	vunpack.i.l.bf16.f32 v45  }
0x82: {  	v17 =	vadd.f32 v19, v17;
	v16 =	vadd.f32 v18, v16;
	v18 =	vmul.f32 v50, v49  }
0x83: {  	v51 =	vunpack.i.u.bf16.f32 v44;
	v53 =	vunpack.i.u.bf16.f32 v45;
	v54 =	vmul.f32 v20, v52  }
0x84: {  	v19 =	vmul.f32 v53, v51;
	v17 =	vadd.f32 v48, v17;
	v16 =	vadd.f32 v18, v16;
	_ =	sdelay $0x1  }
0x85: {  	v17 =	vadd.f32 v54, v17;
	v16 =	vadd.f32 v19, v16;
	_ =	sdelay $0x1  }
0x86: {  	v16 =	vadd.f32 v17, v16;
	_ =	sdelay $0x1  }
0x87: {  	[tilespmem:$0xF300] =	vst v16  }
0x88: {  	v16 =	vld [tilespmem:s21+$0x360]  }
0x89: {  	v17 =	vld [tilespmem:s21+$0x7B60]  }
0x8a: {  	v55 =	vld [tilespmem:s21+$0x370]  }
0x8b: {  	v56 =	vld [tilespmem:s21+$0x7B70]  }
0x8c: {  	v59 =	vld [tilespmem:s21+$0x380]  }
0x8d: {  	v60 =	vld [tilespmem:s21+$0x7B80]  }
0x8e: {  	v62 =	vld [tilespmem:s21+$0x390]  }
0x8f: {  	v63 =	vld [tilespmem:s21+$0x7B90]  }
0x90: {  	v30 =	vld [tilespmem:s21+$0x3A0]  }
0x91: {  	v31 =	vld [tilespmem:s21+$0x7BA0];
	v57 =	vunpack.i.l.bf16.f32 v16;
	v58 =	vunpack.i.l.bf16.f32 v17  }
0x92: {  	v35 =	vld [tilespmem:s21+$0x3B0];
	v16 =	vunpack.i.u.bf16.f32 v16;
	v17 =	vunpack.i.u.bf16.f32 v17;
	v61 =	vunpack.i.l.bf16.f32 v56  }
0x93: {  	v37 =	vld [tilespmem:s21+$0x7BB0];
	v18 =	vunpack.i.u.bf16.f32 v55;
	v19 =	vunpack.i.u.bf16.f32 v56;
	v28 =	vunpack.i.l.bf16.f32 v59  }
0x94: {  	v40 =	vld [tilespmem:s21+$0x3C0];
	v29 =	vunpack.i.l.bf16.f32 v60;
	v21 =	vunpack.i.u.bf16.f32 v59;
	v22 =	vunpack.i.u.bf16.f32 v60  }
0x95: {  	v41 =	vld [tilespmem:s21+$0x7BC0];
	v32 =	vunpack.i.l.bf16.f32 v62;
	v33 =	vunpack.i.l.bf16.f32 v63;
	v36 =	vunpack.i.u.bf16.f32 v62  }
0x96: {  	v23 =	vunpack.i.u.bf16.f32 v63;
	v38 =	vunpack.i.l.bf16.f32 v30;
	v39 =	vunpack.i.l.bf16.f32 v31  }
0x97: {  	v42 =	vunpack.i.l.bf16.f32 v35;
	v20 =	vmul.f32 v58, v57;
	v16 =	vmul.f32 v17, v16  }
0x98: {  	v43 =	vunpack.i.l.bf16.f32 v37;
	v17 =	vunpack.i.l.bf16.f32 v55;
	v18 =	vmul.f32 v19, v18  }
0x99: {  	v17 =	vmul.f32 v61, v17;
	v20 =	vadd.f32 $0.0e+00, v20;
	v16 =	vadd.f32 $0.0e+00, v16  }
0x9a: {  	v46 =	vunpack.i.l.bf16.f32 v40;
	v47 =	vunpack.i.l.bf16.f32 v41;
	v21 =	vmul.f32 v22, v21  }
0x9b: {  	v17 =	vadd.f32 v17, v20;
	v16 =	vadd.f32 v18, v16;
	v18 =	vmul.f32 v29, v28  }
0x9c: {  	v44 =	vld [tilespmem:s21+$0x3D0];
	v34 =	vmul.f32 v33, v32;
	v22 =	vmul.f32 v23, v36;
	v19 =	vunpack.i.u.bf16.f32 v31  }
0x9d: {  	v45 =	vld [tilespmem:s21+$0x7BD0];
	v20 =	vunpack.i.u.bf16.f32 v30;
	v17 =	vadd.f32 v18, v17;
	v16 =	vadd.f32 v21, v16  }
0x9e: {  	v23 =	vmul.f32 v39, v38;
	v19 =	vmul.f32 v19, v20;
	v21 =	vunpack.i.u.bf16.f32 v35  }
0x9f: {  	v18 =	vunpack.i.u.bf16.f32 v37;
	v17 =	vadd.f32 v34, v17;
	v16 =	vadd.f32 v22, v16  }
0xa0: {  	v49 =	vunpack.i.u.bf16.f32 v40;
	v50 =	vunpack.i.u.bf16.f32 v41;
	v18 =	vmul.f32 v18, v21  }
0xa1: {  	v17 =	vadd.f32 v23, v17;
	v16 =	vadd.f32 v19, v16;
	v19 =	vmul.f32 v43, v42  }
0xa2: {  	v52 =	vunpack.i.l.bf16.f32 v44;
	v48 =	vmul.f32 v47, v46;
	v20 =	vunpack.i.l.bf16.f32 v45  }
0xa3: {  	v17 =	vadd.f32 v19, v17;
	v16 =	vadd.f32 v18, v16;
	v18 =	vmul.f32 v50, v49  }
0xa4: {  	v51 =	vunpack.i.u.bf16.f32 v44;
	v53 =	vunpack.i.u.bf16.f32 v45;
	v54 =	vmul.f32 v20, v52  }
0xa5: {  	v19 =	vmul.f32 v53, v51;
	v17 =	vadd.f32 v48, v17;
	v16 =	vadd.f32 v18, v16;
	_ =	sdelay $0x1  }
0xa6: {  	v17 =	vadd.f32 v54, v17;
	v16 =	vadd.f32 v19, v16;
	_ =	sdelay $0x1  }
0xa7: {  	v16 =	vadd.f32 v17, v16;
	_ =	sdelay $0x1  }
0xa8: {  	[tilespmem:$0xF318] =	vst v16  }
0xa9: {  	v16 =	vld [tilespmem:s21+$0x3E0]  }
0xaa: {  	v17 =	vld [tilespmem:s21+$0x7BE0]  }
0xab: {  	v55 =	vld [tilespmem:s21+$0x3F0]  }
0xac: {  	v56 =	vld [tilespmem:s21+$0x7BF0]  }
0xad: {  	v59 =	vld [tilespmem:s21+$0x400]  }
0xae: {  	v60 =	vld [tilespmem:s21+$0x7C00]  }
0xaf: {  	v62 =	vld [tilespmem:s21+$0x410]  }
0xb0: {  	v63 =	vld [tilespmem:s21+$0x7C10]  }
0xb1: {  	v30 =	vld [tilespmem:s21+$0x420]  }
0xb2: {  	v31 =	vld [tilespmem:s21+$0x7C20];
	v57 =	vunpack.i.l.bf16.f32 v16;
	v58 =	vunpack.i.l.bf16.f32 v17  }
0xb3: {  	v35 =	vld [tilespmem:s21+$0x430];
	v16 =	vunpack.i.u.bf16.f32 v16;
	v17 =	vunpack.i.u.bf16.f32 v17;
	v61 =	vunpack.i.l.bf16.f32 v56  }
0xb4: {  	v37 =	vld [tilespmem:s21+$0x7C30];
	v18 =	vunpack.i.u.bf16.f32 v55;
	v19 =	vunpack.i.u.bf16.f32 v56;
	v28 =	vunpack.i.l.bf16.f32 v59  }
0xb5: {  	v40 =	vld [tilespmem:s21+$0x440];
	v29 =	vunpack.i.l.bf16.f32 v60;
	v21 =	vunpack.i.u.bf16.f32 v59;
	v22 =	vunpack.i.u.bf16.f32 v60  }
0xb6: {  	v41 =	vld [tilespmem:s21+$0x7C40];
	v32 =	vunpack.i.l.bf16.f32 v62;
	v33 =	vunpack.i.l.bf16.f32 v63;
	v36 =	vunpack.i.u.bf16.f32 v62  }
0xb7: {  	v23 =	vunpack.i.u.bf16.f32 v63;
	v38 =	vunpack.i.l.bf16.f32 v30;
	v39 =	vunpack.i.l.bf16.f32 v31  }
0xb8: {  	v42 =	vunpack.i.l.bf16.f32 v35;
	v20 =	vmul.f32 v58, v57;
	v16 =	vmul.f32 v17, v16  }
0xb9: {  	v43 =	vunpack.i.l.bf16.f32 v37;
	v17 =	vunpack.i.l.bf16.f32 v55;
	v18 =	vmul.f32 v19, v18  }
0xba: {  	v17 =	vmul.f32 v61, v17;
	v20 =	vadd.f32 $0.0e+00, v20;
	v16 =	vadd.f32 $0.0e+00, v16  }
0xbb: {  	v46 =	vunpack.i.l.bf16.f32 v40;
	v47 =	vunpack.i.l.bf16.f32 v41;
	v21 =	vmul.f32 v22, v21  }
0xbc: {  	v17 =	vadd.f32 v17, v20;
	v16 =	vadd.f32 v18, v16;
	v18 =	vmul.f32 v29, v28  }
0xbd: {  	v44 =	vld [tilespmem:s21+$0x450];
	v34 =	vmul.f32 v33, v32;
	v22 =	vmul.f32 v23, v36;
	v19 =	vunpack.i.u.bf16.f32 v31  }
0xbe: {  	v45 =	vld [tilespmem:s21+$0x7C50];
	v20 =	vunpack.i.u.bf16.f32 v30;
	v17 =	vadd.f32 v18, v17;
	v16 =	vadd.f32 v21, v16  }
0xbf: {  	v23 =	vmul.f32 v39, v38;
	v19 =	vmul.f32 v19, v20;
	v21 =	vunpack.i.u.bf16.f32 v35  }
0xc0: {  	v18 =	vunpack.i.u.bf16.f32 v37;
	v17 =	vadd.f32 v34, v17;
	v16 =	vadd.f32 v22, v16  }
0xc1: {  	v49 =	vunpack.i.u.bf16.f32 v40;
	v50 =	vunpack.i.u.bf16.f32 v41;
	v18 =	vmul.f32 v18, v21  }
0xc2: {  	v17 =	vadd.f32 v23, v17;
	v16 =	vadd.f32 v19, v16;
	v19 =	vmul.f32 v43, v42  }
0xc3: {  	v52 =	vunpack.i.l.bf16.f32 v44;
	v48 =	vmul.f32 v47, v46;
	v20 =	vunpack.i.l.bf16.f32 v45  }
0xc4: {  	v17 =	vadd.f32 v19, v17;
	v16 =	vadd.f32 v18, v16;
	v18 =	vmul.f32 v50, v49  }
0xc5: {  	v51 =	vunpack.i.u.bf16.f32 v44;
	v53 =	vunpack.i.u.bf16.f32 v45;
	v54 =	vmul.f32 v20, v52  }
0xc6: {  	v19 =	vmul.f32 v53, v51;
	v17 =	vadd.f32 v48, v17;
	v16 =	vadd.f32 v18, v16;
	_ =	sdelay $0x1  }
0xc7: {  	v17 =	vadd.f32 v54, v17;
	v16 =	vadd.f32 v19, v16;
	_ =	sdelay $0x1  }
0xc8: {  	v16 =	vadd.f32 v17, v16;
	_ =	sdelay $0x1  }
0xc9: {  	[tilespmem:$0xF330] =	vst v16  }
0xca: {  	v16 =	vld [tilespmem:s21+$0x460]  }
0xcb: {  	v17 =	vld [tilespmem:s21+$0x7C60]  }
0xcc: {  	v55 =	vld [tilespmem:s21+$0x470]  }
0xcd: {  	v56 =	vld [tilespmem:s21+$0x7C70]  }
0xce: {  	v59 =	vld [tilespmem:s21+$0x480]  }
0xcf: {  	v60 =	vld [tilespmem:s21+$0x7C80]  }
0xd0: {  	v62 =	vld [tilespmem:s21+$0x490]  }
0xd1: {  	v63 =	vld [tilespmem:s21+$0x7C90]  }
0xd2: {  	v30 =	vld [tilespmem:s21+$0x4A0]  }
0xd3: {  	v31 =	vld [tilespmem:s21+$0x7CA0];
	v57 =	vunpack.i.l.bf16.f32 v16;
	v58 =	vunpack.i.l.bf16.f32 v17  }
0xd4: {  	v35 =	vld [tilespmem:s21+$0x4B0];
	v16 =	vunpack.i.u.bf16.f32 v16;
	v17 =	vunpack.i.u.bf16.f32 v17;
	v61 =	vunpack.i.l.bf16.f32 v56  }
0xd5: {  	v37 =	vld [tilespmem:s21+$0x7CB0];
	v18 =	vunpack.i.u.bf16.f32 v55;
	v19 =	vunpack.i.u.bf16.f32 v56;
	v28 =	vunpack.i.l.bf16.f32 v59  }
0xd6: {  	v40 =	vld [tilespmem:s21+$0x4C0];
	v29 =	vunpack.i.l.bf16.f32 v60;
	v21 =	vunpack.i.u.bf16.f32 v59;
	v22 =	vunpack.i.u.bf16.f32 v60  }
0xd7: {  	v41 =	vld [tilespmem:s21+$0x7CC0];
	v32 =	vunpack.i.l.bf16.f32 v62;
	v33 =	vunpack.i.l.bf16.f32 v63;
	v36 =	vunpack.i.u.bf16.f32 v62  }
0xd8: {  	v23 =	vunpack.i.u.bf16.f32 v63;
	v38 =	vunpack.i.l.bf16.f32 v30;
	v39 =	vunpack.i.l.bf16.f32 v31  }
0xd9: {  	v42 =	vunpack.i.l.bf16.f32 v35;
	v20 =	vmul.f32 v58, v57;
	v16 =	vmul.f32 v17, v16  }
0xda: {  	v43 =	vunpack.i.l.bf16.f32 v37;
	v17 =	vunpack.i.l.bf16.f32 v55;
	v18 =	vmul.f32 v19, v18  }
0xdb: {  	v17 =	vmul.f32 v61, v17;
	v20 =	vadd.f32 $0.0e+00, v20;
	v16 =	vadd.f32 $0.0e+00, v16  }
0xdc: {  	v46 =	vunpack.i.l.bf16.f32 v40;
	v47 =	vunpack.i.l.bf16.f32 v41;
	v21 =	vmul.f32 v22, v21  }
0xdd: {  	v17 =	vadd.f32 v17, v20;
	v16 =	vadd.f32 v18, v16;
	v18 =	vmul.f32 v29, v28  }
0xde: {  	v44 =	vld [tilespmem:s21+$0x4D0];
	v34 =	vmul.f32 v33, v32;
	v22 =	vmul.f32 v23, v36;
	v19 =	vunpack.i.u.bf16.f32 v31  }
0xdf: {  	v45 =	vld [tilespmem:s21+$0x7CD0];
	v20 =	vunpack.i.u.bf16.f32 v30;
	v17 =	vadd.f32 v18, v17;
	v16 =	vadd.f32 v21, v16  }
0xe0: {  	v23 =	vmul.f32 v39, v38;
	v19 =	vmul.f32 v19, v20;
	v21 =	vunpack.i.u.bf16.f32 v35  }
0xe1: {  	v18 =	vunpack.i.u.bf16.f32 v37;
	v17 =	vadd.f32 v34, v17;
	v16 =	vadd.f32 v22, v16  }
0xe2: {  	v49 =	vunpack.i.u.bf16.f32 v40;
	v50 =	vunpack.i.u.bf16.f32 v41;
	v18 =	vmul.f32 v18, v21  }
0xe3: {  	v17 =	vadd.f32 v23, v17;
	v16 =	vadd.f32 v19, v16;
	v19 =	vmul.f32 v43, v42  }
0xe4: {  	v52 =	vunpack.i.l.bf16.f32 v44;
	v48 =	vmul.f32 v47, v46;
	v20 =	vunpack.i.l.bf16.f32 v45  }
0xe5: {  	v17 =	vadd.f32 v19, v17;
	v16 =	vadd.f32 v18, v16;
	v18 =	vmul.f32 v50, v49  }
0xe6: {  	v51 =	vunpack.i.u.bf16.f32 v44;
	v53 =	vunpack.i.u.bf16.f32 v45;
	v54 =	vmul.f32 v20, v52  }
0xe7: {  	v19 =	vmul.f32 v53, v51;
	v17 =	vadd.f32 v48, v17;
	v16 =	vadd.f32 v18, v16;
	_ =	sdelay $0x1  }
0xe8: {  	v17 =	vadd.f32 v54, v17;
	v16 =	vadd.f32 v19, v16;
	_ =	sdelay $0x1  }
0xe9: {  	v16 =	vadd.f32 v17, v16;
	_ =	sdelay $0x1  }
0xea: {  	[tilespmem:$0xF348] =	vst v16  }
0xeb: {  	v16 =	vld [tilespmem:s21+$0x4E0]  }
0xec: {  	v17 =	vld [tilespmem:s21+$0x7CE0]  }
0xed: {  	v55 =	vld [tilespmem:s21+$0x4F0]  }
0xee: {  	v56 =	vld [tilespmem:s21+$0x7CF0]  }
0xef: {  	v59 =	vld [tilespmem:s21+$0x500]  }
0xf0: {  	v60 =	vld [tilespmem:s21+$0x7D00]  }
0xf1: {  	v62 =	vld [tilespmem:s21+$0x510]  }
0xf2: {  	v63 =	vld [tilespmem:s21+$0x7D10]  }
0xf3: {  	v30 =	vld [tilespmem:s21+$0x520]  }
0xf4: {  	v31 =	vld [tilespmem:s21+$0x7D20];
	v57 =	vunpack.i.l.bf16.f32 v16;
	v58 =	vunpack.i.l.bf16.f32 v17  }
0xf5: {  	v35 =	vld [tilespmem:s21+$0x530];
	v16 =	vunpack.i.u.bf16.f32 v16;
	v17 =	vunpack.i.u.bf16.f32 v17;
	v61 =	vunpack.i.l.bf16.f32 v56  }
0xf6: {  	v37 =	vld [tilespmem:s21+$0x7D30];
	v18 =	vunpack.i.u.bf16.f32 v55;
	v19 =	vunpack.i.u.bf16.f32 v56;
	v28 =	vunpack.i.l.bf16.f32 v59  }
0xf7: {  	v40 =	vld [tilespmem:s21+$0x540];
	v29 =	vunpack.i.l.bf16.f32 v60;
	v21 =	vunpack.i.u.bf16.f32 v59;
	v22 =	vunpack.i.u.bf16.f32 v60  }
0xf8: {  	v41 =	vld [tilespmem:s21+$0x7D40];
	v32 =	vunpack.i.l.bf16.f32 v62;
	v33 =	vunpack.i.l.bf16.f32 v63;
	v36 =	vunpack.i.u.bf16.f32 v62  }
0xf9: {  	v23 =	vunpack.i.u.bf16.f32 v63;
	v38 =	vunpack.i.l.bf16.f32 v30;
	v39 =	vunpack.i.l.bf16.f32 v31  }
0xfa: {  	v42 =	vunpack.i.l.bf16.f32 v35;
	v20 =	vmul.f32 v58, v57;
	v16 =	vmul.f32 v17, v16  }
0xfb: {  	v43 =	vunpack.i.l.bf16.f32 v37;
	v17 =	vunpack.i.l.bf16.f32 v55;
	v18 =	vmul.f32 v19, v18  }
0xfc: {  	v17 =	vmul.f32 v61, v17;
	v20 =	vadd.f32 $0.0e+00, v20;
	v16 =	vadd.f32 $0.0e+00, v16  }
0xfd: {  	v46 =	vunpack.i.l.bf16.f32 v40;
	v47 =	vunpack.i.l.bf16.f32 v41;
	v21 =	vmul.f32 v22, v21  }
0xfe: {  	v17 =	vadd.f32 v17, v20;
	v16 =	vadd.f32 v18, v16;
	v18 =	vmul.f32 v29, v28  }
0xff: {  	v44 =	vld [tilespmem:s21+$0x550];
	v34 =	vmul.f32 v33, v32;
	v22 =	vmul.f32 v23, v36;
	v19 =	vunpack.i.u.bf16.f32 v31  }
0x100: {  	v45 =	vld [tilespmem:s21+$0x7D50];
	v20 =	vunpack.i.u.bf16.f32 v30;
	v17 =	vadd.f32 v18, v17;
	v16 =	vadd.f32 v21, v16  }
0x101: {  	v23 =	vmul.f32 v39, v38;
	v19 =	vmul.f32 v19, v20;
	v21 =	vunpack.i.u.bf16.f32 v35  }
0x102: {  	v18 =	vunpack.i.u.bf16.f32 v37;
	v17 =	vadd.f32 v34, v17;
	v16 =	vadd.f32 v22, v16  }
0x103: {  	v49 =	vunpack.i.u.bf16.f32 v40;
	v50 =	vunpack.i.u.bf16.f32 v41;
	v18 =	vmul.f32 v18, v21  }
0x104: {  	v17 =	vadd.f32 v23, v17;
	v16 =	vadd.f32 v19, v16;
	v19 =	vmul.f32 v43, v42  }
0x105: {  	v52 =	vunpack.i.l.bf16.f32 v44;
	v48 =	vmul.f32 v47, v46;
	v20 =	vunpack.i.l.bf16.f32 v45  }
0x106: {  	v17 =	vadd.f32 v19, v17;
	v16 =	vadd.f32 v18, v16;
	v18 =	vmul.f32 v50, v49  }
0x107: {  	v51 =	vunpack.i.u.bf16.f32 v44;
	v53 =	vunpack.i.u.bf16.f32 v45;
	v54 =	vmul.f32 v20, v52  }
0x108: {  	v19 =	vmul.f32 v53, v51;
	v17 =	vadd.f32 v48, v17;
	v16 =	vadd.f32 v18, v16;
	_ =	sdelay $0x1  }
0x109: {  	v17 =	vadd.f32 v54, v17;
	v16 =	vadd.f32 v19, v16;
	_ =	sdelay $0x1  }
0x10a: {  	v16 =	vadd.f32 v17, v16;
	_ =	sdelay $0x1  }
0x10b: {  	[tilespmem:$0xF360] =	vst v16  }
0x10c: {  	v16 =	vld [tilespmem:s21+$0x560]  }
0x10d: {  	v17 =	vld [tilespmem:s21+$0x7D60]  }
0x10e: {  	v55 =	vld [tilespmem:s21+$0x570]  }
0x10f: {  	v56 =	vld [tilespmem:s21+$0x7D70]  }
0x110: {  	v59 =	vld [tilespmem:s21+$0x580]  }
0x111: {  	v60 =	vld [tilespmem:s21+$0x7D80]  }
0x112: {  	v62 =	vld [tilespmem:s21+$0x590]  }
0x113: {  	v63 =	vld [tilespmem:s21+$0x7D90]  }
0x114: {  	v30 =	vld [tilespmem:s21+$0x5A0]  }
0x115: {  	v31 =	vld [tilespmem:s21+$0x7DA0];
	v57 =	vunpack.i.l.bf16.f32 v16;
	v58 =	vunpack.i.l.bf16.f32 v17  }
0x116: {  	v35 =	vld [tilespmem:s21+$0x5B0];
	v16 =	vunpack.i.u.bf16.f32 v16;
	v17 =	vunpack.i.u.bf16.f32 v17;
	v61 =	vunpack.i.l.bf16.f32 v56  }
0x117: {  	v37 =	vld [tilespmem:s21+$0x7DB0];
	v18 =	vunpack.i.u.bf16.f32 v55;
	v19 =	vunpack.i.u.bf16.f32 v56;
	v28 =	vunpack.i.l.bf16.f32 v59  }
0x118: {  	v40 =	vld [tilespmem:s21+$0x5C0];
	v29 =	vunpack.i.l.bf16.f32 v60;
	v21 =	vunpack.i.u.bf16.f32 v59;
	v22 =	vunpack.i.u.bf16.f32 v60  }
0x119: {  	v41 =	vld [tilespmem:s21+$0x7DC0];
	v32 =	vunpack.i.l.bf16.f32 v62;
	v33 =	vunpack.i.l.bf16.f32 v63;
	v36 =	vunpack.i.u.bf16.f32 v62  }
0x11a: {  	v23 =	vunpack.i.u.bf16.f32 v63;
	v38 =	vunpack.i.l.bf16.f32 v30;
	v39 =	vunpack.i.l.bf16.f32 v31  }
0x11b: {  	v42 =	vunpack.i.l.bf16.f32 v35;
	v20 =	vmul.f32 v58, v57;
	v16 =	vmul.f32 v17, v16  }
0x11c: {  	v43 =	vunpack.i.l.bf16.f32 v37;
	v17 =	vunpack.i.l.bf16.f32 v55;
	v18 =	vmul.f32 v19, v18  }
0x11d: {  	v17 =	vmul.f32 v61, v17;
	v20 =	vadd.f32 $0.0e+00, v20;
	v16 =	vadd.f32 $0.0e+00, v16  }
0x11e: {  	v46 =	vunpack.i.l.bf16.f32 v40;
	v47 =	vunpack.i.l.bf16.f32 v41;
	v21 =	vmul.f32 v22, v21  }
0x11f: {  	v17 =	vadd.f32 v17, v20;
	v16 =	vadd.f32 v18, v16;
	v18 =	vmul.f32 v29, v28  }
0x120: {  	v44 =	vld [tilespmem:s21+$0x5D0];
	v34 =	vmul.f32 v33, v32;
	v22 =	vmul.f32 v23, v36;
	v19 =	vunpack.i.u.bf16.f32 v31  }
0x121: {  	v45 =	vld [tilespmem:s21+$0x7DD0];
	v20 =	vunpack.i.u.bf16.f32 v30;
	v17 =	vadd.f32 v18, v17;
	v16 =	vadd.f32 v21, v16  }
0x122: {  	v23 =	vmul.f32 v39, v38;
	v19 =	vmul.f32 v19, v20;
	v21 =	vunpack.i.u.bf16.f32 v35  }
0x123: {  	v18 =	vunpack.i.u.bf16.f32 v37;
	v17 =	vadd.f32 v34, v17;
	v16 =	vadd.f32 v22, v16  }
0x124: {  	v49 =	vunpack.i.u.bf16.f32 v40;
	v50 =	vunpack.i.u.bf16.f32 v41;
	v18 =	vmul.f32 v18, v21  }
0x125: {  	v17 =	vadd.f32 v23, v17;
	v16 =	vadd.f32 v19, v16;
	v19 =	vmul.f32 v43, v42  }
0x126: {  	v52 =	vunpack.i.l.bf16.f32 v44;
	v48 =	vmul.f32 v47, v46;
	v20 =	vunpack.i.l.bf16.f32 v45  }
0x127: {  	v17 =	vadd.f32 v19, v17;
	v16 =	vadd.f32 v18, v16;
	v18 =	vmul.f32 v50, v49  }
0x128: {  	v51 =	vunpack.i.u.bf16.f32 v44;
	v53 =	vunpack.i.u.bf16.f32 v45;
	v54 =	vmul.f32 v20, v52  }
0x129: {  	v19 =	vmul.f32 v53, v51;
	v17 =	vadd.f32 v48, v17;
	v16 =	vadd.f32 v18, v16;
	_ =	sdelay $0x1  }
0x12a: {  	v17 =	vadd.f32 v54, v17;
	v16 =	vadd.f32 v19, v16;
	_ =	sdelay $0x1  }
0x12b: {  	v16 =	vadd.f32 v17, v16;
	_ =	sdelay $0x1  }
0x12c: {  	[tilespmem:$0xF378] =	vst v16  }
0x12d: {  	v16 =	vld [tilespmem:s21+$0x5E0]  }
0x12e: {  	v17 =	vld [tilespmem:s21+$0x7DE0]  }
0x12f: {  	v55 =	vld [tilespmem:s21+$0x5F0]  }
0x130: {  	v56 =	vld [tilespmem:s21+$0x7DF0]  }
0x131: {  	v59 =	vld [tilespmem:s21+$0x600]  }
0x132: {  	v60 =	vld [tilespmem:s21+$0x7E00]  }
0x133: {  	v62 =	vld [tilespmem:s21+$0x610]  }
0x134: {  	v63 =	vld [tilespmem:s21+$0x7E10]  }
0x135: {  	v30 =	vld [tilespmem:s21+$0x620]  }
0x136: {  	v31 =	vld [tilespmem:s21+$0x7E20];
	v57 =	vunpack.i.l.bf16.f32 v16;
	v58 =	vunpack.i.l.bf16.f32 v17  }
0x137: {  	v35 =	vld [tilespmem:s21+$0x630];
	v16 =	vunpack.i.u.bf16.f32 v16;
	v17 =	vunpack.i.u.bf16.f32 v17;
	v61 =	vunpack.i.l.bf16.f32 v56  }
0x138: {  	v37 =	vld [tilespmem:s21+$0x7E30];
	v18 =	vunpack.i.u.bf16.f32 v55;
	v19 =	vunpack.i.u.bf16.f32 v56;
	v28 =	vunpack.i.l.bf16.f32 v59  }
0x139: {  	v40 =	vld [tilespmem:s21+$0x640];
	v29 =	vunpack.i.l.bf16.f32 v60;
	v21 =	vunpack.i.u.bf16.f32 v59;
	v22 =	vunpack.i.u.bf16.f32 v60  }
0x13a: {  	v41 =	vld [tilespmem:s21+$0x7E40];
	v32 =	vunpack.i.l.bf16.f32 v62;
	v33 =	vunpack.i.l.bf16.f32 v63;
	v36 =	vunpack.i.u.bf16.f32 v62  }
0x13b: {  	v23 =	vunpack.i.u.bf16.f32 v63;
	v38 =	vunpack.i.l.bf16.f32 v30;
	v39 =	vunpack.i.l.bf16.f32 v31  }
0x13c: {  	v42 =	vunpack.i.l.bf16.f32 v35;
	v20 =	vmul.f32 v58, v57;
	v16 =	vmul.f32 v17, v16  }
0x13d: {  	v43 =	vunpack.i.l.bf16.f32 v37;
	v17 =	vunpack.i.l.bf16.f32 v55;
	v18 =	vmul.f32 v19, v18  }
0x13e: {  	v17 =	vmul.f32 v61, v17;
	v20 =	vadd.f32 $0.0e+00, v20;
	v16 =	vadd.f32 $0.0e+00, v16  }
0x13f: {  	v46 =	vunpack.i.l.bf16.f32 v40;
	v47 =	vunpack.i.l.bf16.f32 v41;
	v21 =	vmul.f32 v22, v21  }
0x140: {  	v17 =	vadd.f32 v17, v20;
	v16 =	vadd.f32 v18, v16;
	v18 =	vmul.f32 v29, v28  }
0x141: {  	v44 =	vld [tilespmem:s21+$0x650];
	v34 =	vmul.f32 v33, v32;
	v22 =	vmul.f32 v23, v36;
	v19 =	vunpack.i.u.bf16.f32 v31  }
0x142: {  	v45 =	vld [tilespmem:s21+$0x7E50];
	v20 =	vunpack.i.u.bf16.f32 v30;
	v17 =	vadd.f32 v18, v17;
	v16 =	vadd.f32 v21, v16  }
0x143: {  	v23 =	vmul.f32 v39, v38;
	v19 =	vmul.f32 v19, v20;
	v21 =	vunpack.i.u.bf16.f32 v35  }
0x144: {  	v18 =	vunpack.i.u.bf16.f32 v37;
	v17 =	vadd.f32 v34, v17;
	v16 =	vadd.f32 v22, v16  }
0x145: {  	v49 =	vunpack.i.u.bf16.f32 v40;
	v50 =	vunpack.i.u.bf16.f32 v41;
	v18 =	vmul.f32 v18, v21  }
0x146: {  	v17 =	vadd.f32 v23, v17;
	v16 =	vadd.f32 v19, v16;
	v19 =	vmul.f32 v43, v42  }
0x147: {  	v52 =	vunpack.i.l.bf16.f32 v44;
	v48 =	vmul.f32 v47, v46;
	v20 =	vunpack.i.l.bf16.f32 v45  }
0x148: {  	v17 =	vadd.f32 v19, v17;
	v16 =	vadd.f32 v18, v16;
	v18 =	vmul.f32 v50, v49  }
0x149: {  	v51 =	vunpack.i.u.bf16.f32 v44;
	v53 =	vunpack.i.u.bf16.f32 v45;
	v54 =	vmul.f32 v20, v52  }
0x14a: {  	v19 =	vmul.f32 v53, v51;
	v17 =	vadd.f32 v48, v17;
	v16 =	vadd.f32 v18, v16;
	_ =	sdelay $0x1  }
0x14b: {  	v17 =	vadd.f32 v54, v17;
	v16 =	vadd.f32 v19, v16;
	_ =	sdelay $0x1  }
0x14c: {  	v16 =	vadd.f32 v17, v16;
	_ =	sdelay $0x1  }
0x14d: {  	[tilespmem:$0xF390] =	vst v16  }
0x14e: {  	v16 =	vld [tilespmem:s21+$0x660]  }
0x14f: {  	v17 =	vld [tilespmem:s21+$0x7E60]  }
0x150: {  	v55 =	vld [tilespmem:s21+$0x670]  }
0x151: {  	v56 =	vld [tilespmem:s21+$0x7E70]  }
0x152: {  	v59 =	vld [tilespmem:s21+$0x680]  }
0x153: {  	v60 =	vld [tilespmem:s21+$0x7E80]  }
0x154: {  	v62 =	vld [tilespmem:s21+$0x690]  }
0x155: {  	v63 =	vld [tilespmem:s21+$0x7E90]  }
0x156: {  	v30 =	vld [tilespmem:s21+$0x6A0]  }
0x157: {  	v31 =	vld [tilespmem:s21+$0x7EA0];
	v57 =	vunpack.i.l.bf16.f32 v16;
	v58 =	vunpack.i.l.bf16.f32 v17  }
0x158: {  	v35 =	vld [tilespmem:s21+$0x6B0];
	v16 =	vunpack.i.u.bf16.f32 v16;
	v17 =	vunpack.i.u.bf16.f32 v17;
	v61 =	vunpack.i.l.bf16.f32 v56  }
0x159: {  	v37 =	vld [tilespmem:s21+$0x7EB0];
	v18 =	vunpack.i.u.bf16.f32 v55;
	v19 =	vunpack.i.u.bf16.f32 v56;
	v28 =	vunpack.i.l.bf16.f32 v59  }
0x15a: {  	v40 =	vld [tilespmem:s21+$0x6C0];
	v29 =	vunpack.i.l.bf16.f32 v60;
	v21 =	vunpack.i.u.bf16.f32 v59;
	v22 =	vunpack.i.u.bf16.f32 v60  }
0x15b: {  	v41 =	vld [tilespmem:s21+$0x7EC0];
	v32 =	vunpack.i.l.bf16.f32 v62;
	v33 =	vunpack.i.l.bf16.f32 v63;
	v36 =	vunpack.i.u.bf16.f32 v62  }
0x15c: {  	v23 =	vunpack.i.u.bf16.f32 v63;
	v38 =	vunpack.i.l.bf16.f32 v30;
	v39 =	vunpack.i.l.bf16.f32 v31  }
0x15d: {  	v42 =	vunpack.i.l.bf16.f32 v35;
	v20 =	vmul.f32 v58, v57;
	v16 =	vmul.f32 v17, v16  }
0x15e: {  	v43 =	vunpack.i.l.bf16.f32 v37;
	v17 =	vunpack.i.l.bf16.f32 v55;
	v18 =	vmul.f32 v19, v18  }
0x15f: {  	v17 =	vmul.f32 v61, v17;
	v20 =	vadd.f32 $0.0e+00, v20;
	v16 =	vadd.f32 $0.0e+00, v16  }
0x160: {  	v46 =	vunpack.i.l.bf16.f32 v40;
	v47 =	vunpack.i.l.bf16.f32 v41;
	v21 =	vmul.f32 v22, v21  }
0x161: {  	v17 =	vadd.f32 v17, v20;
	v16 =	vadd.f32 v18, v16;
	v18 =	vmul.f32 v29, v28  }
0x162: {  	v44 =	vld [tilespmem:s21+$0x6D0];
	v34 =	vmul.f32 v33, v32;
	v22 =	vmul.f32 v23, v36;
	v19 =	vunpack.i.u.bf16.f32 v31  }
0x163: {  	v45 =	vld [tilespmem:s21+$0x7ED0];
	v20 =	vunpack.i.u.bf16.f32 v30;
	v17 =	vadd.f32 v18, v17;
	v16 =	vadd.f32 v21, v16  }
0x164: {  	v23 =	vmul.f32 v39, v38;
	v19 =	vmul.f32 v19, v20;
	v21 =	vunpack.i.u.bf16.f32 v35  }
0x165: {  	v18 =	vunpack.i.u.bf16.f32 v37;
	v17 =	vadd.f32 v34, v17;
	v16 =	vadd.f32 v22, v16  }
0x166: {  	v49 =	vunpack.i.u.bf16.f32 v40;
	v50 =	vunpack.i.u.bf16.f32 v41;
	v18 =	vmul.f32 v18, v21  }
0x167: {  	v17 =	vadd.f32 v23, v17;
	v16 =	vadd.f32 v19, v16;
	v19 =	vmul.f32 v43, v42  }
0x168: {  	v52 =	vunpack.i.l.bf16.f32 v44;
	v48 =	vmul.f32 v47, v46;
	v20 =	vunpack.i.l.bf16.f32 v45  }
0x169: {  	v17 =	vadd.f32 v19, v17;
	v16 =	vadd.f32 v18, v16;
	v18 =	vmul.f32 v50, v49  }
0x16a: {  	v51 =	vunpack.i.u.bf16.f32 v44;
	v53 =	vunpack.i.u.bf16.f32 v45;
	v54 =	vmul.f32 v20, v52  }
0x16b: {  	v19 =	vmul.f32 v53, v51;
	v17 =	vadd.f32 v48, v17;
	v16 =	vadd.f32 v18, v16;
	_ =	sdelay $0x1  }
0x16c: {  	v17 =	vadd.f32 v54, v17;
	v16 =	vadd.f32 v19, v16;
	_ =	sdelay $0x1  }
0x16d: {  	v16 =	vadd.f32 v17, v16;
	_ =	sdelay $0x1  }
0x16e: {  	[tilespmem:$0xF3A8] =	vst v16  }
0x16f: {  	v16 =	vld [tilespmem:s21+$0x6E0]  }
0x170: {  	v17 =	vld [tilespmem:s21+$0x7EE0]  }
0x171: {  	v55 =	vld [tilespmem:s21+$0x6F0]  }
0x172: {  	v56 =	vld [tilespmem:s21+$0x7EF0]  }
0x173: {  	v59 =	vld [tilespmem:s21+$0x700]  }
0x174: {  	v60 =	vld [tilespmem:s21+$0x7F00]  }
0x175: {  	v62 =	vld [tilespmem:s21+$0x710]  }
0x176: {  	v63 =	vld [tilespmem:s21+$0x7F10]  }
0x177: {  	v30 =	vld [tilespmem:s21+$0x720]  }
0x178: {  	v31 =	vld [tilespmem:s21+$0x7F20];
	v57 =	vunpack.i.l.bf16.f32 v16;
	v58 =	vunpack.i.l.bf16.f32 v17  }
0x179: {  	v35 =	vld [tilespmem:s21+$0x730];
	v16 =	vunpack.i.u.bf16.f32 v16;
	v17 =	vunpack.i.u.bf16.f32 v17;
	v61 =	vunpack.i.l.bf16.f32 v56  }
0x17a: {  	v37 =	vld [tilespmem:s21+$0x7F30];
	v18 =	vunpack.i.u.bf16.f32 v55;
	v19 =	vunpack.i.u.bf16.f32 v56;
	v28 =	vunpack.i.l.bf16.f32 v59  }
0x17b: {  	v40 =	vld [tilespmem:s21+$0x740];
	v29 =	vunpack.i.l.bf16.f32 v60;
	v21 =	vunpack.i.u.bf16.f32 v59;
	v22 =	vunpack.i.u.bf16.f32 v60  }
0x17c: {  	v41 =	vld [tilespmem:s21+$0x7F40];
	v32 =	vunpack.i.l.bf16.f32 v62;
	v33 =	vunpack.i.l.bf16.f32 v63;
	v36 =	vunpack.i.u.bf16.f32 v62  }
0x17d: {  	v23 =	vunpack.i.u.bf16.f32 v63;
	v38 =	vunpack.i.l.bf16.f32 v30;
	v39 =	vunpack.i.l.bf16.f32 v31  }
0x17e: {  	v42 =	vunpack.i.l.bf16.f32 v35;
	v20 =	vmul.f32 v58, v57;
	v16 =	vmul.f32 v17, v16  }
0x17f: {  	v43 =	vunpack.i.l.bf16.f32 v37;
	v17 =	vunpack.i.l.bf16.f32 v55;
	v18 =	vmul.f32 v19, v18  }
0x180: {  	v17 =	vmul.f32 v61, v17;
	v20 =	vadd.f32 $0.0e+00, v20;
	v16 =	vadd.f32 $0.0e+00, v16  }
0x181: {  	v46 =	vunpack.i.l.bf16.f32 v40;
	v47 =	vunpack.i.l.bf16.f32 v41;
	v21 =	vmul.f32 v22, v21  }
0x182: {  	v17 =	vadd.f32 v17, v20;
	v16 =	vadd.f32 v18, v16;
	v18 =	vmul.f32 v29, v28  }
0x183: {  	v44 =	vld [tilespmem:s21+$0x750];
	v34 =	vmul.f32 v33, v32;
	v22 =	vmul.f32 v23, v36;
	v19 =	vunpack.i.u.bf16.f32 v31  }
0x184: {  	v45 =	vld [tilespmem:s21+$0x7F50];
	v20 =	vunpack.i.u.bf16.f32 v30;
	v17 =	vadd.f32 v18, v17;
	v16 =	vadd.f32 v21, v16  }
0x185: {  	v23 =	vmul.f32 v39, v38;
	v19 =	vmul.f32 v19, v20;
	v21 =	vunpack.i.u.bf16.f32 v35  }
0x186: {  	v18 =	vunpack.i.u.bf16.f32 v37;
	v17 =	vadd.f32 v34, v17;
	v16 =	vadd.f32 v22, v16  }
0x187: {  	v49 =	vunpack.i.u.bf16.f32 v40;
	v50 =	vunpack.i.u.bf16.f32 v41;
	v18 =	vmul.f32 v18, v21  }
0x188: {  	v17 =	vadd.f32 v23, v17;
	v16 =	vadd.f32 v19, v16;
	v19 =	vmul.f32 v43, v42  }
0x189: {  	v52 =	vunpack.i.l.bf16.f32 v44;
	v48 =	vmul.f32 v47, v46;
	v20 =	vunpack.i.l.bf16.f32 v45  }
0x18a: {  	v17 =	vadd.f32 v19, v17;
	v16 =	vadd.f32 v18, v16;
	v18 =	vmul.f32 v50, v49  }
0x18b: {  	v51 =	vunpack.i.u.bf16.f32 v44;
	v53 =	vunpack.i.u.bf16.f32 v45;
	v54 =	vmul.f32 v20, v52  }
0x18c: {  	v19 =	vmul.f32 v53, v51;
	v17 =	vadd.f32 v48, v17;
	v16 =	vadd.f32 v18, v16;
	_ =	sdelay $0x1  }
0x18d: {  	v17 =	vadd.f32 v54, v17;
	v16 =	vadd.f32 v19, v16;
	_ =	sdelay $0x1  }
0x18e: {  	v16 =	vadd.f32 v17, v16;
	_ =	sdelay $0x1  }
0x18f: {  	[tilespmem:$0xF3C0] =	vst v16  }
0x190: {  	v16 =	vld [tilespmem:s21+$0x760]  }
0x191: {  	v17 =	vld [tilespmem:s21+$0x7F60]  }
0x192: {  	v55 =	vld [tilespmem:s21+$0x770]  }
0x193: {  	v56 =	vld [tilespmem:s21+$0x7F70]  }
0x194: {  	v59 =	vld [tilespmem:s21+$0x780]  }
0x195: {  	v60 =	vld [tilespmem:s21+$0x7F80]  }
0x196: {  	v62 =	vld [tilespmem:s21+$0x790]  }
0x197: {  	v63 =	vld [tilespmem:s21+$0x7F90]  }
0x198: {  	v30 =	vld [tilespmem:s21+$0x7A0]  }
0x199: {  	v31 =	vld [tilespmem:s21+$0x7FA0];
	v57 =	vunpack.i.l.bf16.f32 v16;
	v58 =	vunpack.i.l.bf16.f32 v17  }
0x19a: {  	v35 =	vld [tilespmem:s21+$0x7B0];
	v16 =	vunpack.i.u.bf16.f32 v16;
	v17 =	vunpack.i.u.bf16.f32 v17;
	v61 =	vunpack.i.l.bf16.f32 v56  }
0x19b: {  	v37 =	vld [tilespmem:s21+$0x7FB0];
	v18 =	vunpack.i.u.bf16.f32 v55;
	v19 =	vunpack.i.u.bf16.f32 v56;
	v28 =	vunpack.i.l.bf16.f32 v59  }
0x19c: {  	v40 =	vld [tilespmem:s21+$0x7C0];
	v29 =	vunpack.i.l.bf16.f32 v60;
	v21 =	vunpack.i.u.bf16.f32 v59;
	v22 =	vunpack.i.u.bf16.f32 v60  }
0x19d: {  	v41 =	vld [tilespmem:s21+$0x7FC0];
	v32 =	vunpack.i.l.bf16.f32 v62;
	v33 =	vunpack.i.l.bf16.f32 v63;
	v36 =	vunpack.i.u.bf16.f32 v62  }
0x19e: {  	v23 =	vunpack.i.u.bf16.f32 v63;
	v38 =	vunpack.i.l.bf16.f32 v30;
	v39 =	vunpack.i.l.bf16.f32 v31  }
0x19f: {  	v42 =	vunpack.i.l.bf16.f32 v35;
	v20 =	vmul.f32 v58, v57;
	v16 =	vmul.f32 v17, v16  }
0x1a0: {  	v43 =	vunpack.i.l.bf16.f32 v37;
	v17 =	vunpack.i.l.bf16.f32 v55;
	v18 =	vmul.f32 v19, v18  }
0x1a1: {  	v17 =	vmul.f32 v61, v17;
	v20 =	vadd.f32 $0.0e+00, v20;
	v16 =	vadd.f32 $0.0e+00, v16  }
0x1a2: {  	v46 =	vunpack.i.l.bf16.f32 v40;
	v47 =	vunpack.i.l.bf16.f32 v41;
	v21 =	vmul.f32 v22, v21  }
0x1a3: {  	v17 =	vadd.f32 v17, v20;
	v16 =	vadd.f32 v18, v16;
	v18 =	vmul.f32 v29, v28  }
0x1a4: {  	v44 =	vld [tilespmem:s21+$0x7D0];
	v34 =	vmul.f32 v33, v32;
	v22 =	vmul.f32 v23, v36;
	v19 =	vunpack.i.u.bf16.f32 v31  }
0x1a5: {  	v45 =	vld [tilespmem:s21+$0x7FD0];
	v20 =	vunpack.i.u.bf16.f32 v30;
	v17 =	vadd.f32 v18, v17;
	v16 =	vadd.f32 v21, v16  }
0x1a6: {  	v23 =	vmul.f32 v39, v38;
	v19 =	vmul.f32 v19, v20;
	v21 =	vunpack.i.u.bf16.f32 v35  }
0x1a7: {  	v18 =	vunpack.i.u.bf16.f32 v37;
	v17 =	vadd.f32 v34, v17;
	v16 =	vadd.f32 v22, v16  }
0x1a8: {  	v49 =	vunpack.i.u.bf16.f32 v40;
	v50 =	vunpack.i.u.bf16.f32 v41;
	v18 =	vmul.f32 v18, v21  }
0x1a9: {  	v17 =	vadd.f32 v23, v17;
	v16 =	vadd.f32 v19, v16;
	v19 =	vmul.f32 v43, v42  }
0x1aa: {  	v52 =	vunpack.i.l.bf16.f32 v44;
	v48 =	vmul.f32 v47, v46;
	v20 =	vunpack.i.l.bf16.f32 v45  }
0x1ab: {  	v17 =	vadd.f32 v19, v17;
	v16 =	vadd.f32 v18, v16;
	v18 =	vmul.f32 v50, v49  }
0x1ac: {  	v51 =	vunpack.i.u.bf16.f32 v44;
	v53 =	vunpack.i.u.bf16.f32 v45;
	v54 =	vmul.f32 v20, v52  }
0x1ad: {  	v19 =	vmul.f32 v53, v51;
	v17 =	vadd.f32 v48, v17;
	v16 =	vadd.f32 v18, v16;
	_ =	sdelay $0x1  }
0x1ae: {  	v17 =	vadd.f32 v54, v17;
	v16 =	vadd.f32 v19, v16;
	_ =	sdelay $0x1  }
0x1af: {  	v16 =	vadd.f32 v17, v16;
	_ =	sdelay $0x1  }
0x1b0: {  	[tilespmem:$0xF3D8] =	vst v16  }
0x1b1: {  	v16 =	vld [tilespmem:s21+$0x7E0]  }
0x1b2: {  	v17 =	vld [tilespmem:s21+$0x7FE0]  }
0x1b3: {  	v55 =	vld [tilespmem:s21+$0x7F0]  }
0x1b4: {  	v56 =	vld [tilespmem:s21+$0x7FF0]  }
0x1b5: {  	v59 =	vld [tilespmem:s21+$0x800]  }
0x1b6: {  	v60 =	vld [tilespmem:s21+$0x8000]  }
0x1b7: {  	v62 =	vld [tilespmem:s21+$0x810]  }
0x1b8: {  	v63 =	vld [tilespmem:s21+$0x8010]  }
0x1b9: {  	v30 =	vld [tilespmem:s21+$0x820]  }
0x1ba: {  	v31 =	vld [tilespmem:s21+$0x8020];
	v57 =	vunpack.i.l.bf16.f32 v16;
	v58 =	vunpack.i.l.bf16.f32 v17  }
0x1bb: {  	v35 =	vld [tilespmem:s21+$0x830];
	v16 =	vunpack.i.u.bf16.f32 v16;
	v17 =	vunpack.i.u.bf16.f32 v17;
	v61 =	vunpack.i.l.bf16.f32 v56  }
0x1bc: {  	v37 =	vld [tilespmem:s21+$0x8030];
	v18 =	vunpack.i.u.bf16.f32 v55;
	v19 =	vunpack.i.u.bf16.f32 v56;
	v28 =	vunpack.i.l.bf16.f32 v59  }
0x1bd: {  	v40 =	vld [tilespmem:s21+$0x840];
	v29 =	vunpack.i.l.bf16.f32 v60;
	v21 =	vunpack.i.u.bf16.f32 v59;
	v22 =	vunpack.i.u.bf16.f32 v60  }
0x1be: {  	v41 =	vld [tilespmem:s21+$0x8040];
	v32 =	vunpack.i.l.bf16.f32 v62;
	v33 =	vunpack.i.l.bf16.f32 v63;
	v36 =	vunpack.i.u.bf16.f32 v62  }
0x1bf: {  	v23 =	vunpack.i.u.bf16.f32 v63;
	v38 =	vunpack.i.l.bf16.f32 v30;
	v39 =	vunpack.i.l.bf16.f32 v31  }
0x1c0: {  	v42 =	vunpack.i.l.bf16.f32 v35;
	v20 =	vmul.f32 v58, v57;
	v16 =	vmul.f32 v17, v16  }
0x1c1: {  	v43 =	vunpack.i.l.bf16.f32 v37;
	v17 =	vunpack.i.l.bf16.f32 v55;
	v18 =	vmul.f32 v19, v18  }
0x1c2: {  	v17 =	vmul.f32 v61, v17;
	v20 =	vadd.f32 $0.0e+00, v20;
	v16 =	vadd.f32 $0.0e+00, v16  }
0x1c3: {  	v46 =	vunpack.i.l.bf16.f32 v40;
	v47 =	vunpack.i.l.bf16.f32 v41;
	v21 =	vmul.f32 v22, v21  }
0x1c4: {  	v17 =	vadd.f32 v17, v20;
	v16 =	vadd.f32 v18, v16;
	v18 =	vmul.f32 v29, v28  }
0x1c5: {  	v44 =	vld [tilespmem:s21+$0x850];
	v34 =	vmul.f32 v33, v32;
	v22 =	vmul.f32 v23, v36;
	v19 =	vunpack.i.u.bf16.f32 v31  }
0x1c6: {  	v45 =	vld [tilespmem:s21+$0x8050];
	v20 =	vunpack.i.u.bf16.f32 v30;
	v17 =	vadd.f32 v18, v17;
	v16 =	vadd.f32 v21, v16  }
0x1c7: {  	v23 =	vmul.f32 v39, v38;
	v19 =	vmul.f32 v19, v20;
	v21 =	vunpack.i.u.bf16.f32 v35  }
0x1c8: {  	v18 =	vunpack.i.u.bf16.f32 v37;
	v17 =	vadd.f32 v34, v17;
	v16 =	vadd.f32 v22, v16  }
0x1c9: {  	v49 =	vunpack.i.u.bf16.f32 v40;
	v50 =	vunpack.i.u.bf16.f32 v41;
	v18 =	vmul.f32 v18, v21  }
0x1ca: {  	v17 =	vadd.f32 v23, v17;
	v16 =	vadd.f32 v19, v16;
	v19 =	vmul.f32 v43, v42  }
0x1cb: {  	v52 =	vunpack.i.l.bf16.f32 v44;
	v48 =	vmul.f32 v47, v46;
	v20 =	vunpack.i.l.bf16.f32 v45  }
0x1cc: {  	v17 =	vadd.f32 v19, v17;
	v16 =	vadd.f32 v18, v16;
	v18 =	vmul.f32 v50, v49  }
0x1cd: {  	v51 =	vunpack.i.u.bf16.f32 v44;
	v53 =	vunpack.i.u.bf16.f32 v45;
	v54 =	vmul.f32 v20, v52  }
0x1ce: {  	v19 =	vmul.f32 v53, v51;
	v17 =	vadd.f32 v48, v17;
	v16 =	vadd.f32 v18, v16;
	_ =	sdelay $0x1  }
0x1cf: {  	v17 =	vadd.f32 v54, v17;
	v16 =	vadd.f32 v19, v16;
	_ =	sdelay $0x1  }
0x1d0: {  	v16 =	vadd.f32 v17, v16;
	_ =	sdelay $0x1  }
0x1d1: {  	[tilespmem:$0xF3F0] =	vst v16  }
0x1d2: {  	v16 =	vld [tilespmem:s21+$0x860]  }
0x1d3: {  	v17 =	vld [tilespmem:s21+$0x8060]  }
0x1d4: {  	v55 =	vld [tilespmem:s21+$0x870]  }
0x1d5: {  	v56 =	vld [tilespmem:s21+$0x8070]  }
0x1d6: {  	v59 =	vld [tilespmem:s21+$0x880]  }
0x1d7: {  	v60 =	vld [tilespmem:s21+$0x8080]  }
0x1d8: {  	v62 =	vld [tilespmem:s21+$0x890]  }
0x1d9: {  	v63 =	vld [tilespmem:s21+$0x8090]  }
0x1da: {  	v30 =	vld [tilespmem:s21+$0x8A0]  }
0x1db: {  	v31 =	vld [tilespmem:s21+$0x80A0];
	v57 =	vunpack.i.l.bf16.f32 v16;
	v58 =	vunpack.i.l.bf16.f32 v17  }
0x1dc: {  	v35 =	vld [tilespmem:s21+$0x8B0];
	v16 =	vunpack.i.u.bf16.f32 v16;
	v17 =	vunpack.i.u.bf16.f32 v17;
	v61 =	vunpack.i.l.bf16.f32 v56  }
0x1dd: {  	v37 =	vld [tilespmem:s21+$0x80B0];
	v18 =	vunpack.i.u.bf16.f32 v55;
	v19 =	vunpack.i.u.bf16.f32 v56;
	v28 =	vunpack.i.l.bf16.f32 v59  }
0x1de: {  	v40 =	vld [tilespmem:s21+$0x8C0];
	v29 =	vunpack.i.l.bf16.f32 v60;
	v21 =	vunpack.i.u.bf16.f32 v59;
	v22 =	vunpack.i.u.bf16.f32 v60  }
0x1df: {  	v41 =	vld [tilespmem:s21+$0x80C0];
	v32 =	vunpack.i.l.bf16.f32 v62;
	v33 =	vunpack.i.l.bf16.f32 v63;
	v36 =	vunpack.i.u.bf16.f32 v62  }
0x1e0: {  	v23 =	vunpack.i.u.bf16.f32 v63;
	v38 =	vunpack.i.l.bf16.f32 v30;
	v39 =	vunpack.i.l.bf16.f32 v31  }
0x1e1: {  	v42 =	vunpack.i.l.bf16.f32 v35;
	v20 =	vmul.f32 v58, v57;
	v16 =	vmul.f32 v17, v16  }
0x1e2: {  	v43 =	vunpack.i.l.bf16.f32 v37;
	v17 =	vunpack.i.l.bf16.f32 v55;
	v18 =	vmul.f32 v19, v18  }
0x1e3: {  	v17 =	vmul.f32 v61, v17;
	v20 =	vadd.f32 $0.0e+00, v20;
	v16 =	vadd.f32 $0.0e+00, v16  }
0x1e4: {  	v46 =	vunpack.i.l.bf16.f32 v40;
	v47 =	vunpack.i.l.bf16.f32 v41;
	v21 =	vmul.f32 v22, v21  }
0x1e5: {  	v17 =	vadd.f32 v17, v20;
	v16 =	vadd.f32 v18, v16;
	v18 =	vmul.f32 v29, v28  }
0x1e6: {  	v44 =	vld [tilespmem:s21+$0x8D0];
	v34 =	vmul.f32 v33, v32;
	v22 =	vmul.f32 v23, v36;
	v19 =	vunpack.i.u.bf16.f32 v31  }
0x1e7: {  	v45 =	vld [tilespmem:s21+$0x80D0];
	v20 =	vunpack.i.u.bf16.f32 v30;
	v17 =	vadd.f32 v18, v17;
	v16 =	vadd.f32 v21, v16  }
0x1e8: {  	v23 =	vmul.f32 v39, v38;
	v19 =	vmul.f32 v19, v20;
	v21 =	vunpack.i.u.bf16.f32 v35  }
0x1e9: {  	v18 =	vunpack.i.u.bf16.f32 v37;
	v17 =	vadd.f32 v34, v17;
	v16 =	vadd.f32 v22, v16  }
0x1ea: {  	v49 =	vunpack.i.u.bf16.f32 v40;
	v50 =	vunpack.i.u.bf16.f32 v41;
	v18 =	vmul.f32 v18, v21  }
0x1eb: {  	v17 =	vadd.f32 v23, v17;
	v16 =	vadd.f32 v19, v16;
	v19 =	vmul.f32 v43, v42  }
0x1ec: {  	v52 =	vunpack.i.l.bf16.f32 v44;
	v48 =	vmul.f32 v47, v46;
	v20 =	vunpack.i.l.bf16.f32 v45  }
0x1ed: {  	v17 =	vadd.f32 v19, v17;
	v16 =	vadd.f32 v18, v16;
	v18 =	vmul.f32 v50, v49  }
0x1ee: {  	v51 =	vunpack.i.u.bf16.f32 v44;
	v53 =	vunpack.i.u.bf16.f32 v45;
	v54 =	vmul.f32 v20, v52  }
0x1ef: {  	v19 =	vmul.f32 v53, v51;
	v17 =	vadd.f32 v48, v17;
	v16 =	vadd.f32 v18, v16;
	_ =	sdelay $0x1  }
0x1f0: {  	v17 =	vadd.f32 v54, v17;
	v16 =	vadd.f32 v19, v16;
	_ =	sdelay $0x1  }
0x1f1: {  	v16 =	vadd.f32 v17, v16;
	_ =	sdelay $0x1  }
0x1f2: {  	[tilespmem:$0xF408] =	vst v16  }
0x1f3: {  	v16 =	vld [tilespmem:s21+$0x8E0]  }
0x1f4: {  	v17 =	vld [tilespmem:s21+$0x80E0]  }
0x1f5: {  	v55 =	vld [tilespmem:s21+$0x8F0]  }
0x1f6: {  	v56 =	vld [tilespmem:s21+$0x80F0]  }
0x1f7: {  	v59 =	vld [tilespmem:s21+$0x900]  }
0x1f8: {  	v60 =	vld [tilespmem:s21+$0x8100]  }
0x1f9: {  	v62 =	vld [tilespmem:s21+$0x910]  }
0x1fa: {  	v63 =	vld [tilespmem:s21+$0x8110]  }
0x1fb: {  	v30 =	vld [tilespmem:s21+$0x920]  }
0x1fc: {  	v31 =	vld [tilespmem:s21+$0x8120];
	v57 =	vunpack.i.l.bf16.f32 v16;
	v58 =	vunpack.i.l.bf16.f32 v17  }
0x1fd: {  	v35 =	vld [tilespmem:s21+$0x930];
	v16 =	vunpack.i.u.bf16.f32 v16;
	v17 =	vunpack.i.u.bf16.f32 v17;
	v61 =	vunpack.i.l.bf16.f32 v56  }
0x1fe: {  	v37 =	vld [tilespmem:s21+$0x8130];
	v18 =	vunpack.i.u.bf16.f32 v55;
	v19 =	vunpack.i.u.bf16.f32 v56;
	v28 =	vunpack.i.l.bf16.f32 v59  }
0x1ff: {  	v40 =	vld [tilespmem:s21+$0x940];
	v29 =	vunpack.i.l.bf16.f32 v60;
	v21 =	vunpack.i.u.bf16.f32 v59;
	v22 =	vunpack.i.u.bf16.f32 v60  }
0x200: {  	v41 =	vld [tilespmem:s21+$0x8140];
	v32 =	vunpack.i.l.bf16.f32 v62;
	v33 =	vunpack.i.l.bf16.f32 v63;
	v36 =	vunpack.i.u.bf16.f32 v62  }
0x201: {  	v23 =	vunpack.i.u.bf16.f32 v63;
	v38 =	vunpack.i.l.bf16.f32 v30;
	v39 =	vunpack.i.l.bf16.f32 v31  }
0x202: {  	v42 =	vunpack.i.l.bf16.f32 v35;
	v20 =	vmul.f32 v58, v57;
	v16 =	vmul.f32 v17, v16  }
0x203: {  	v43 =	vunpack.i.l.bf16.f32 v37;
	v17 =	vunpack.i.l.bf16.f32 v55;
	v18 =	vmul.f32 v19, v18  }
0x204: {  	v17 =	vmul.f32 v61, v17;
	v20 =	vadd.f32 $0.0e+00, v20;
	v16 =	vadd.f32 $0.0e+00, v16  }
0x205: {  	v46 =	vunpack.i.l.bf16.f32 v40;
	v47 =	vunpack.i.l.bf16.f32 v41;
	v21 =	vmul.f32 v22, v21  }
0x206: {  	v17 =	vadd.f32 v17, v20;
	v16 =	vadd.f32 v18, v16;
	v18 =	vmul.f32 v29, v28  }
0x207: {  	v44 =	vld [tilespmem:s21+$0x950];
	v34 =	vmul.f32 v33, v32;
	v22 =	vmul.f32 v23, v36;
	v19 =	vunpack.i.u.bf16.f32 v31  }
0x208: {  	v45 =	vld [tilespmem:s21+$0x8150];
	v20 =	vunpack.i.u.bf16.f32 v30;
	v17 =	vadd.f32 v18, v17;
	v16 =	vadd.f32 v21, v16  }
0x209: {  	v23 =	vmul.f32 v39, v38;
	v19 =	vmul.f32 v19, v20;
	v21 =	vunpack.i.u.bf16.f32 v35  }
0x20a: {  	v18 =	vunpack.i.u.bf16.f32 v37;
	v17 =	vadd.f32 v34, v17;
	v16 =	vadd.f32 v22, v16  }
0x20b: {  	v49 =	vunpack.i.u.bf16.f32 v40;
	v50 =	vunpack.i.u.bf16.f32 v41;
	v18 =	vmul.f32 v18, v21  }
0x20c: {  	v17 =	vadd.f32 v23, v17;
	v16 =	vadd.f32 v19, v16;
	v19 =	vmul.f32 v43, v42  }
0x20d: {  	v52 =	vunpack.i.l.bf16.f32 v44;
	v48 =	vmul.f32 v47, v46;
	v20 =	vunpack.i.l.bf16.f32 v45  }
0x20e: {  	v17 =	vadd.f32 v19, v17;
	v16 =	vadd.f32 v18, v16;
	v18 =	vmul.f32 v50, v49  }
0x20f: {  	v51 =	vunpack.i.u.bf16.f32 v44;
	v53 =	vunpack.i.u.bf16.f32 v45;
	v54 =	vmul.f32 v20, v52  }
0x210: {  	v19 =	vmul.f32 v53, v51;
	v17 =	vadd.f32 v48, v17;
	v16 =	vadd.f32 v18, v16;
	_ =	sdelay $0x1  }
0x211: {  	v17 =	vadd.f32 v54, v17;
	v16 =	vadd.f32 v19, v16;
	_ =	sdelay $0x1  }
0x212: {  	v16 =	vadd.f32 v17, v16;
	_ =	sdelay $0x1  }
0x213: {  	[tilespmem:$0xF420] =	vst v16  }
0x214: {  	v16 =	vld [tilespmem:s21+$0x960]  }
0x215: {  	v17 =	vld [tilespmem:s21+$0x8160]  }
0x216: {  	v55 =	vld [tilespmem:s21+$0x970]  }
0x217: {  	v56 =	vld [tilespmem:s21+$0x8170]  }
0x218: {  	v59 =	vld [tilespmem:s21+$0x980]  }
0x219: {  	v60 =	vld [tilespmem:s21+$0x8180]  }
0x21a: {  	v62 =	vld [tilespmem:s21+$0x990]  }
0x21b: {  	v63 =	vld [tilespmem:s21+$0x8190]  }
0x21c: {  	v29 =	vld [tilespmem:s21+$0x9A0]  }
0x21d: {  	v30 =	vld [tilespmem:s21+$0x81A0];
	v57 =	vunpack.i.l.bf16.f32 v16;
	v58 =	vunpack.i.l.bf16.f32 v17  }
0x21e: {  	v34 =	vld [tilespmem:s21+$0x9B0];
	v16 =	vunpack.i.u.bf16.f32 v16;
	v17 =	vunpack.i.u.bf16.f32 v17;
	v61 =	vunpack.i.l.bf16.f32 v56  }
0x21f: {  	v36 =	vld [tilespmem:s21+$0x81B0];
	v18 =	vunpack.i.u.bf16.f32 v55;
	v19 =	vunpack.i.u.bf16.f32 v56;
	v27 =	vunpack.i.l.bf16.f32 v59  }
0x220: {  	v39 =	vld [tilespmem:s21+$0x9C0];
	v28 =	vunpack.i.l.bf16.f32 v60;
	v21 =	vunpack.i.u.bf16.f32 v59;
	v22 =	vunpack.i.u.bf16.f32 v60  }
0x221: {  	v40 =	vld [tilespmem:s21+$0x81C0];
	v31 =	vunpack.i.l.bf16.f32 v62;
	v32 =	vunpack.i.l.bf16.f32 v63;
	v35 =	vunpack.i.u.bf16.f32 v62  }
0x222: {  	v23 =	vunpack.i.u.bf16.f32 v63;
	v37 =	vunpack.i.l.bf16.f32 v29;
	v38 =	vunpack.i.l.bf16.f32 v30  }
0x223: {  	v41 =	vunpack.i.l.bf16.f32 v34;
	v20 =	vmul.f32 v58, v57;
	v16 =	vmul.f32 v17, v16  }
0x224: {  	v42 =	vunpack.i.l.bf16.f32 v36;
	v17 =	vunpack.i.l.bf16.f32 v55;
	v18 =	vmul.f32 v19, v18  }
0x225: {  	v17 =	vmul.f32 v61, v17;
	v20 =	vadd.f32 $0.0e+00, v20;
	v16 =	vadd.f32 $0.0e+00, v16  }
0x226: {  	v45 =	vunpack.i.l.bf16.f32 v39;
	v46 =	vunpack.i.l.bf16.f32 v40;
	v21 =	vmul.f32 v22, v21  }
0x227: {  	v17 =	vadd.f32 v17, v20;
	v16 =	vadd.f32 v18, v16;
	v18 =	vmul.f32 v28, v27  }
0x228: {  	v43 =	vld [tilespmem:s21+$0x9D0];
	v33 =	vmul.f32 v32, v31;
	v22 =	vmul.f32 v23, v35;
	v19 =	vunpack.i.u.bf16.f32 v30  }
0x229: {  	v44 =	vld [tilespmem:s21+$0x81D0];
	v20 =	vunpack.i.u.bf16.f32 v29;
	v17 =	vadd.f32 v18, v17;
	v16 =	vadd.f32 v21, v16  }
0x22a: {  	v23 =	vmul.f32 v38, v37;
	v19 =	vmul.f32 v19, v20;
	v21 =	vunpack.i.u.bf16.f32 v34  }
0x22b: {  	v18 =	vunpack.i.u.bf16.f32 v36;
	v17 =	vadd.f32 v33, v17;
	v16 =	vadd.f32 v22, v16  }
0x22c: {  	v48 =	vunpack.i.u.bf16.f32 v39;
	v49 =	vunpack.i.u.bf16.f32 v40;
	v18 =	vmul.f32 v18, v21  }
0x22d: {  	v17 =	vadd.f32 v23, v17;
	v16 =	vadd.f32 v19, v16;
	v19 =	vmul.f32 v42, v41  }
0x22e: {  	v51 =	vunpack.i.l.bf16.f32 v43;
	v47 =	vmul.f32 v46, v45;
	v20 =	vunpack.i.l.bf16.f32 v44  }
0x22f: {  	v17 =	vadd.f32 v19, v17;
	v16 =	vadd.f32 v18, v16;
	v18 =	vmul.f32 v49, v48  }
0x230: {  	v50 =	vunpack.i.u.bf16.f32 v43;
	v52 =	vunpack.i.u.bf16.f32 v44;
	v53 =	vmul.f32 v20, v51  }
0x231: {  	v19 =	vmul.f32 v52, v50;
	v17 =	vadd.f32 v47, v17;
	v16 =	vadd.f32 v18, v16;
	_ =	sdelay $0x1  }
0x232: {  	v17 =	vadd.f32 v53, v17;
	v16 =	vadd.f32 v19, v16;
	_ =	sdelay $0x1  }
0x233: {  	v16 =	vadd.f32 v17, v16;
	_ =	sdelay $0x1  }
0x234: {  	[tilespmem:$0xF438] =	vst v16  }
0x235: {  	v16 =	vld.idx.msk [tilespmem:v0+s15+$0x0], $0xffff  }
0x236: {  	v17 =	vld.idx.msk [tilespmem:v1+s15+$0x0], $0xffff;
	_ =	sdelay $0x1  }
0x237: {  	v54 =	vld.idx.msk [tilespmem:v2+s15+$0x0], $0xffff;
	_ =	sdelay $0x1  }
0x238: {  	v55 =	vld.idx.msk [tilespmem:v3+s15+$0x0], $0xffff  }
0x239: {  	v16 =	vadd.f32 v17, v16  }
0x23a: {  	v17 =	vld.idx.msk [tilespmem:v4+s15+$0x0], $0xffff  }
0x23b: {  	v16 =	vadd.f32 v54, v16  }
0x23c: {  	v56 =	vld.idx.msk [tilespmem:v5+s15+$0x0], $0xffff  }
0x23d: {  	v16 =	vadd.f32 v55, v16  }
0x23e: {  	v57 =	vld.idx.msk [tilespmem:v6+s15+$0x0], $0xffff  }
0x23f: {  	v16 =	vadd.f32 v17, v16  }
0x240: {  	v17 =	vld.idx.msk [tilespmem:v7+s15+$0x0], $0xffff  }
0x241: {  	v16 =	vadd.f32 v56, v16  }
0x242: {  	v58 =	vld.idx.msk [tilespmem:v8+s15+$0x0], $0xffff  }
0x243: {  	v16 =	vadd.f32 v57, v16  }
0x244: {  	v59 =	vld.idx.msk [tilespmem:v9+s15+$0x0], $0xffff  }
0x245: {  	v16 =	vadd.f32 v17, v16  }
0x246: {  	v17 =	vld.idx.msk [tilespmem:v10+s15+$0x0], $0xffff  }
0x247: {  	v16 =	vadd.f32 v58, v16  }
0x248: {  	v60 =	vld.idx.msk [tilespmem:v11+s15+$0x0], $0xffff  }
0x249: {  	v16 =	vadd.f32 v59, v16  }
0x24a: {  	v61 =	vld.idx.msk [tilespmem:v12+s15+$0x0], $0xffff  }
0x24b: {  	v16 =	vadd.f32 v17, v16  }
0x24c: {  	v17 =	vld.idx.msk [tilespmem:v13+s15+$0x0], $0xffff  }
0x24d: {  	v16 =	vadd.f32 v60, v16  }
0x24e: {  	v62 =	vld.idx.msk [tilespmem:v14+s15+$0x0], $0xffff  }
0x24f: {  	v16 =	vadd.f32 v61, v16  }
0x250: {  	v63 =	vld.idx.msk [tilespmem:v15+s15+$0x0], $0xffff  }
0x251: {  	v16 =	vadd.f32 v17, v16  }
0x252: {  	p0 =	sne.s32 s20, $0xE  }
.Ltmp0:
0x253: {  	v16 =	vadd.f32 v62, v16;
	(pc) =	sbr.rel @p0 .LBB2_3-.Ltmp0, $4  }
0x254: {  	_ = 	snop  }
0x255: {  	s31 =	sshll.u32 s20, $0x4;
	v16 =	vadd.f32 v63, v16  }
0x256: {  	s21 =	sand.u32 $0x3FFFFFF0, s31  }
0x257: {  	s20 =	sadd.s32 $0x1, s20;
	[tilespmem:s21+$0xF1E0] =	vst v16  }
0x258: {  	s18 =	sadd.s32 $0x1, s18  }
0x259: {  	p0 =	sne.s32 s18, $0x7D  }
.Ltmp1:
0x25a: {  	s19 =	sadd.s32 s6, s19;
	(pc) =	sbr.rel @p0 .LBB2_2-.Ltmp1, $4  }
0x25b: {  	[hbm4b:s19+s4] =	stream.linear.scatter [tilespmem:s16], [sflag:$0x3], $0xF0, $0x38;
	[tilespmem:$0xF450] =	vst v63  }
0x25c: {  	_ =	swait.ge [sflag:s9], $0xF0  }
0x25d: {  	[sflag:s9] =	ssyncset.done $0x0  }
0x25e: {  	[sflag:s9] =	ssyncadd.s32 $0xFFFFFF10  }
0x25f: {  	s17 =	sadd.s32 $0x1, s17  }
0x260: {  	p0 =	sne.s32 s17, s8  }
.Ltmp2:
0x261: {  	_ = 	snop;
	(pc) =	sbr.rel @p0 .LBB2_1-.Ltmp2, $1  }
0x262: {  	_ =	sdelay $0x3  }
0x263: {  	_ =	sfence.sel $0x180000  }
0x264: {  	[bflag:$0x0] =	sbarrier.arrive $0xFFFF  }
0x265: {  	p0 =	sne.s32 s3, $0x0;
	_ =	strace $0x9000004A  }
0x266: {  	s0 =	sadd.s32 @!p0 $0x100000, s0;
	[bflag:$0x2] =	sbarrier.arrive $0xFFFF  }
0x267: {  	[sflag:s0] =	ssyncadd.tile.s32 @!p0 $0x1;
	_ =	shalt  }
.Lfunc_end2:
_tile_overlayer_lowered:
.L_overlay_start_2:
0x268: {  	(tag) =	ssettag $0x2  }
0x269: {  	s0 =	rddreg [dreg:$0x0];
	s2 =	stileid.u32  }
0x26a: {  	s1 =	rddreg [dreg:$0x1];
	p0 =	sne.s32 s2, $0x0  }
0x26b: {  	s3 =	rddreg [dreg:$0x2];
	[bflag:$0x3] =	sbarrier.arrive $0xFFFF;
	s2 =	simm.s32 @!p0 $0x1C03  }
0x26c: {  	[timem:s3], [sflag:s2] =	dma.local @!p0 [hbm:s0], s1  }
0x26d: {  	s0 =	simm.s32 @!p0 $0x3  }
0x26e: {  	_ =	swait.ge @!p0 [sflag:s0], s1  }
0x26f: {  	s1 =	ssub.s32 @!p0 $0x0, s1;
	[sflag:s0] =	ssyncset.done @!p0 $0x0  }
0x270: {  	[sflag:s0] =	ssyncadd.s32 @!p0 s1  }
0x271: {  	[bflag:$0x3] =	sbarrier.arrive $0xFFFF  }
0x272: {  	_ =	shalt  }

// kernel: sparse-core-data-format-call.cloned.1.call-start
scs
called_computation_lowered:
.L_overlay_start_0:
0x0: {  	s1 =	sld [smem:$0x3FD9]  }
0x1: {  	s2 =	sld [smem:$0x3FFE];
	_ =	sdelay $0x1  }
0x2: {  	s3 =	srdreg.scid  }
0x3: {  	s0 =	sand.u32 $0x1, s3  }
0x4: {  	s17 =	sshll.u32 s0, $0xA;
	s1 =	sadd.s32 s2, s1  }
0x5: {  	s1 =	sadd.s32 s1, s17  }
0x6: {  	[smem:$0x3FBE] =	sst s1  }
0x7: {  	_ = 	snop  }
0x8: {  	(tm) =	ssettm $0x1  }
0x9: {  	s18 =	sld [smem:$0x3FFB];
	_ =	sdelay $0x3  }
0xa: {  	_ =	strace s18  }
0xb: {  	s1 =	sld [smem:$0x3FFC];
	_ =	sdelay $0x3  }
0xc: {  	_ =	strace s1  }
0xd: {  	s1 =	sld [smem:$0x3FFD];
	_ =	sdelay $0x3  }
0xe: {  	_ =	strace s1  }
0xf: {  	_ =	strace $0x8FFFFFFF  }
0x10: {  	s19 =	sld [smem:$0x3FDB];
	_ =	sdelay $0x1  }
0x11: {  	s20 =	simm.s32 $_scs_section_size  }
0x12: {  	s4 =	simm.s32 $_size__tile_overlayer_lowered;
	s5 =	simm.s32 $_tile_overlayer_lowered  }
0x13: {  	s23 =	simm.s32 $0x1BFF;
	s22 =	sshll.u32 s5, $0x1;
	s1 =	sadd.s32 s20, s19  }
0x14: {  	s6 =	simm.s32 $0x0;
	s21 =	sshll.u32 s4, $0x1;
	s4 =	sadd.s32 s22, s1  }
0x15: {  	[timem:s6], [sflag:s23] =	dma.local [hbm:s4], s21  }
0x16: {  	_ =	swait.ge [sflag:s23], s21  }
0x17: {  	s2 =	ssub.s32 $0x0, s21;
	[sflag:s23] =	ssyncset.done $0x0  }
0x18: {  	[sflag:s23] =	ssyncadd.s32 s2;
	_ =	sdelay $0x1  }
0x19: {  	s24 =	simm.s32 $0x1B8B  }
0x1a: {  	_ =	swait.ge [sflag:s24], $0x1  }
0x1b: {  	[sflag:s24] =	ssyncset.done $0x0  }
0x1c: {  	s26 =	simm.s32 $0x1B8E;
	s25 =	sld [smem:$0x3FFE];
	[sflag:s24] =	ssyncadd.s32 $0xFFFFFFFF  }
0x1d: {  	s27 =	simm.s32 $execute0_lowered;
	[smem:$0x3FD2] =	sst s26  }
0x1e: {  	s4 =	sshll.u32 s27, $0x1;
	_ =	strace $0x80000046;
	[dreg:$0x1] =	wrdreg $0xFFFFFFFF  }
0x1f: {  	s28 =	simm.s32 $_size_execute0_lowered;
	s1 =	sadd.s32 s1, s4;
	[dreg:$0x0] =	wrdreg $0x0  }
0x20: {  	s4 =	sshll.u32 s28, $0x1;
	[dreg:$0x2] =	wrdreg s1  }
0x21: {  	[dreg:$0x3] =	wrdreg s4  }
0x22: {  	[dreg:$0x4] =	wrdreg $0xC0  }
0x23: {  	_ =	task [dreg:s6], $0x5FFFF  }
0x24: {  	[dreg:$0x1] =	wrdreg $0xFFFFFFFF  }
0x25: {  	[dreg:$0x0] =	wrdreg $0x60  }
0x26: {  	[dreg:$0x2] =	wrdreg s25  }
0x27: {  	[dreg:$0x3] =	wrdreg $0x9  }
0x28: {  	_ =	task.clear_ibuf [dreg:s6], $0x4FFFF;
	_ =	strace $0x90000046  }
0x29: {  	s29 =	simm.s32 $0x9;
	_ =	strace $0x80000048  }
0x2a: {  	_ =	swait.ge [sflag:s29], $0x1  }
0x2b: {  	[sflag:s29] =	ssyncadd.s32 $0xFFFFFFFF  }
0x2c: {  	_ =	strace $0x90000048  }
0x2d: {  	_ =	sfence  }
0x2e: {  	s30 =	sld [smem:$0x0];
	_ =	sdelay $0x2  }
0x2f: {  	s31 =	sshll.u32 s3, $0xD;
	s3 =	sshrl.u32 s3, $0x2  }
0x30: {  	s2 =	sand.u32 $0x4000, s31;
	s1 =	sadd.s32 s3, s30  }
0x31: {  	s0 =	sor.u32 s2, s0;
	s1 =	sshll.u32 s1, $0x11  }
0x32: {  	s0 =	sor.u32 s1, s0  }
0x33: {  	s0 =	sadd.s32 $0x8F2B, s0  }
0x34: {  	[sflag:s0] =	ssyncadd.remote.s32 $0x1  }
0x35: {  	_ =	sfence.sel $0xFFFF  }
0x36: {  	[dreg:$0x0] =	wrdreg $0xFFFFFFFF;
	(pc) =	sbr.abs _section_cstart, $3  }
0x37: {  	[dreg:$0x1] =	wrdreg $0xFFFFFFFF  }
0x38: {  	_ =	task.clear_ibuf [dreg:s6], $0x2FFFF;
	_ =	strace $0x9FFFFFFF  }
0x39: {  	(tm) =	ssettm $0x7FFFFFFF  }
tec
execute0_lowered:
.L_overlay_start_1:
0x0: {  	(tag) =	ssettag $0x1  }
0x1: {  	s0 =	srdreg.scid  }
0x2: {  	s2 =	rddreg [dreg:$0x0];
	s1 =	stileid.u32  }
0x3: {  	s4 =	simm.s32 $0x1;
	s6 =	simm.s32 $0x2;
	s0 =	sshll.u32 s0, $0x4  }
0x4: {  	s8 =	simm.s32 $0x0;
	s9 =	simm.s32 $0x0;
	s3 =	sand.u32 $0x10, s0  }
.Ltmp0:
0x5: {  	s13 =	simm.s32 $0x0;
	s3 =	sor.u32 s1, s3;
	(pc) =	sbr.rel .LBB1_1-.Ltmp0, $4  }
0x6: {  	s0 =	rddreg [dreg:$0x1];
	_ =	strace $0x80000047;
	s3 =	sshll.u32 s3, $0x4  }
0x7: {  	s10 =	simm.s32 $0x0;
	[sflag:s4] =	ssyncpa.u1 $0x0;
	s7 =	ssub.s32 $0x2220, s3  }
0x8: {  	s12 =	simm.s32 $0x0;
	[sflag:s6] =	ssyncpa.u1 $0x0;
	s6 =	sshrl.u32 s7, $0x9  }
0x9: {  	s5 =	sadd.s32 $0x111800, s2;
	s11 =	smov.u32 s3;
	s7 =	sor.u32 $0x2, s6  }
.LBB1_7:
0xa: {  	s15 =	sshll.u32 s12, $0xF  }
0xb: {  	s15 =	sand.u32 $0x8000, s15  }
0xc: {  	s16 =	sshll.u32 s10, $0x7;
	s15 =	sshrl.u32 s15, $0x1  }
0xd: {  	s16 =	sadd.s32 s2, s16;
	s15 =	sor.u32 $0x8000, s15  }
0xe: {  	[hbm4b:s16+s8] =	stream.linear.scatter [tilespmem:s15], [sflag:$0x2], s14, $0x38;
	[tilespmem:$0x10000] =	vst v63  }
.LBB1_8:
0xf: {  	p0 =	slt.u32 s12, $0x2  }
0x10: {  	p1 =	sgt.s32 @!p0 s13, $0x221E  }
0x11: {  	s14 =	smov.u32 s13;
	s15 =	sshra.s32 @!p0 s13, $0x1F;
	p1 =	por !p1, p0  }
0x12: {  	s13 =	sand.u32 @!p0 s15, s13;
	s14 =	simm.s32 @p1 $0x221E  }
0x13: {  	s13 =	ssub.s32 @!p0 s14, s13  }
0x14: {  	s13 =	sadd.s32 @!p0 $0xFFFFDDE2, s13  }
0x15: {  	s14 =	sshll.u32 @!p0 s13, $0xC  }
0x16: {  	p1 =	sgt.s32 @!p0 s13, $0xF;
	s13 =	ssub.s32 @!p0 $0x10000, s14  }
0x17: {  	s15 =	sadd.s32 $0x200, s11;
	p1 =	por !p1, p0;
	s13 =	sshrl.u32 @!p0 s13, $0x2  }
0x18: {  	s13 =	simm.s32 @!p1 $0x0;
	p1 =	sgt.s32 s15, $0x222D  }
0x19: {  	s15 =	smov.u32 @p1 s3;
	p1 =	sne.s32 s12, s7  }
.Ltmp1:
0x1a: {  	_ = 	snop;
	(pc) =	sbr.rel @!p1 .LBB1_9-.Ltmp1, $4  }
0x1b: {  	s14 =	simm.s32 @!p0 $0x2  }
0x1c: {  	s9 =	sadd.s32 $0x8000, s9;
	_ =	swait.ge @!p0 [sflag:s14], s13;
	s16 =	ssub.s32 @!p0 $0x0, s13  }
0x1d: {  	s13 =	smov.u32 s10;
	s12 =	sadd.s32 $0x1, s12;
	[sflag:s14] =	ssyncset.done @!p0 $0x0  }
0x1e: {  	s10 =	smov.u32 s11;
	s11 =	smov.u32 s15;
	[sflag:s14] =	ssyncadd.s32 @!p0 s16  }
.LBB1_1:
0x1f: {  	p0 =	sgt.u32 s12, s6  }
0x20: {  	p1 =	sgt.s32 @!p0 s11, $0x221E  }
0x21: {  	s14 =	smov.u32 s11;
	s15 =	sshra.s32 @!p0 s11, $0x1F;
	p1 =	por !p1, p0  }
0x22: {  	s15 =	sand.u32 @!p0 s15, s11;
	s14 =	simm.s32 @p1 $0x221E  }
0x23: {  	s14 =	ssub.s32 @!p0 s14, s15  }
0x24: {  	s14 =	sadd.s32 @!p0 $0xFFFFDDE2, s14  }
0x25: {  	s16 =	sshll.u32 @!p0 s11, $0x7;
	s17 =	simm.s32 @!p0 $0x0;
	s15 =	sshll.u32 @!p0 s14, $0xC  }
0x26: {  	p1 =	sgt.s32 @!p0 s14, $0xF;
	s14 =	ssub.s32 @!p0 $0x10000, s15;
	s15 =	sxor.u32 @!p0 $0xFFFFFFFF, s12  }
0x27: {  	p1 =	por !p1, p0;
	s14 =	sshrl.u32 @!p0 s14, $0x2;
	s15 =	sshll.u32 @!p0 s15, $0xE  }
0x28: {  	s16 =	sadd.s32 @!p0 s5, s16;
	s14 =	simm.s32 @!p1 $0x0;
	s15 =	sand.u32 @!p0 $0x4000, s15  }
0x29: {  	[tilespmem:s15], [sflag:$0x1] =	stream.linear.gather @!p0 [hbm4b:s16+s17], s14, $0x38;
	[tilespmem:$0x10000] =	vst v63  }
0x2a: {  	p0 =	seq.s32 s12, $0x0  }
0x2b: {  	p1 =	sge.u32 @!p0 s12, s7  }
0x2c: {  	p0 =	por p0, p1  }
.Ltmp2:
0x2d: {  	_ = 	snop;
	(pc) =	sbr.rel @p0 .LBB1_8-.Ltmp2, $1  }
0x2e: {  	_ =	sdelay $0x3  }
0x2f: {  	p0 =	sgt.s32 s10, $0x221E;
	s14 =	smov.u32 s10;
	s15 =	sshra.s32 s10, $0x1F  }
0x30: {  	s14 =	simm.s32 @!p0 $0x221E;
	s15 =	sand.u32 s15, s10  }
0x31: {  	s14 =	ssub.s32 s14, s15  }
0x32: {  	s16 =	sadd.s32 $0x10, s10;
	s14 =	sadd.s32 $0xFFFFDDE2, s14  }
0x33: {  	p1 =	slt.s32 s16, $0x222E;
	s30 =	sshll.u32 s14, $0xC  }
0x34: {  	s16 =	simm.s32 @!p1 $0x222E;
	s15 =	ssub.s32 $0x10000, s30  }
0x35: {  	p0 =	sgt.s32 s14, $0xF;
	s14 =	sshrl.u32 s15, $0x2;
	s15 =	ssub.s32 s16, s10  }
0x36: {  	s14 =	simm.s32 @p0 $0x0;
	p0 =	slt.s32 s15, $0x1  }
.Ltmp3:
0x37: {  	_ = 	snop;
	(pc) =	sbr.rel @p0 .LBB1_7-.Ltmp3, $4  }
0x38: {  	_ = 	snop  }
0x39: {  	_ =	swait.ge [sflag:s4], s14  }
0x3a: {  	s31 =	ssub.s32 $0x0, s14;
	[sflag:s4] =	ssyncset.done $0x0  }
0x3b: {  	[sflag:s4] =	ssyncadd.s32 s31  }
0x3c: {  	s16 =	sshrl.u32 s9, $0x1  }
0x3d: {  	s17 =	sand.u32 $0x4000, s16  }
0x3e: {  	s18 =	simm.s32 $0x0;
	s16 =	sor.u32 $0x200, s17;
	s17 =	sor.u32 $0x8080, s17  }
.LBB1_4:
0x3f: {  	v0 =	vld [tilespmem:s16+$0xFFFFFE70]  }
0x40: {  	v1 =	vld [tilespmem:s16+$0x70]  }
0x41: {  	v2 =	vld [tilespmem:s16+$0x0]  }
0x42: {  	v3 =	vld [tilespmem:s16+$0xFFFFFE10]  }
0x43: {  	v4 =	vld [tilespmem:s16+$0x10]  }
0x44: {  	v5 =	vld [tilespmem:s16+$0xFFFFFE20]  }
0x45: {  	v7 =	vld [tilespmem:s16+$0x20]  }
0x46: {  	v11 =	vld [tilespmem:s16+$0x30];
	v6 =	vunpack.i.l.s16.s32 v0;
	v8 =	vunpack.i.u.s16.s32 v0;
	v9 =	vunpack.i.u.s16.s32 v1  }
0x47: {  	v10 =	vunpack.i.l.s16.s32 v1;
	v0 =	vunpack.i.u.s16.s32 v2;
	v1 =	vunpack.i.l.s16.s32 v2;
	v2 =	vld [tilespmem:s16+$0xFFFFFE30]  }
0x48: {  	v8 =	vpack.i.b32.b16 v9, v8;
	v9 =	vunpack.i.u.s16.s32 v3;
	v3 =	vunpack.i.l.s16.s32 v3  }
0x49: {  	v12 =	vld [tilespmem:s16+$0xFFFFFE40];
	v6 =	vpack.i.b32.b16 v10, v6;
	[tilespmem:s17+$0x70] =	vst v8;
	v8 =	vunpack.i.u.s16.s32 v4;
	v4 =	vunpack.i.l.s16.s32 v4  }
0x4a: {  	v13 =	vld [tilespmem:s16+$0x40];
	v10 =	vunpack.i.u.s16.s32 v5;
	v5 =	vunpack.i.l.s16.s32 v5;
	[tilespmem:s17+$0xFFFFFFF0] =	vst v6;
	v3 =	vpack.i.b32.b16 v4, v3  }
0x4b: {  	v6 =	vunpack.i.l.s16.s32 v7;
	v4 =	vld [tilespmem:s16+$0xFFFFFE50];
	[tilespmem:s17+$0xFFFFFF90] =	vst v3;
	v3 =	vpack.i.b32.b16 v8, v9;
	v8 =	vunpack.i.u.s16.s32 v7  }
0x4c: {  	v7 =	vunpack.i.l.s16.s32 v11;
	[tilespmem:s17+$0x10] =	vst v3;
	v3 =	vpack.i.b32.b16 v6, v5;
	v9 =	vunpack.i.u.s16.s32 v2;
	v6 =	vld [tilespmem:s16+$0x50]  }
0x4d: {  	v5 =	vunpack.i.l.s16.s32 v2;
	v2 =	vld [tilespmem:s16+$0xFFFFFE60];
	[tilespmem:s17+$0xFFFFFFA0] =	vst v3;
	v3 =	vpack.i.b32.b16 v8, v10;
	v10 =	vunpack.i.u.s16.s32 v11  }
0x4e: {  	s21 =	simm.s32 $0x0;
	v11 =	vpack.i.b32.b16 v7, v5;
	v7 =	vunpack.i.u.s16.s32 v12;
	v8 =	vunpack.i.l.s16.s32 v12;
	[tilespmem:s17+$0x20] =	vst v3;
	v3 =	vld [tilespmem:s16+$0x60]  }
0x4f: {  	s22 =	sadd.s32 $0x80, s16;
	s20 =	smov.u32 s17;
	s19 =	smov.u32 s17;
	v5 =	vld [tilespmem:s16+$0xFFFFFE00];
	[tilespmem:s17+$0xFFFFFFB0] =	vst v11;
	v10 =	vpack.i.b32.b16 v10, v9;
	v9 =	vunpack.i.u.s16.s32 v13;
	v11 =	vunpack.i.l.s16.s32 v13  }
.LBB1_5:
0x50: {  	v12 =	vld [tilespmem:s22+$0xFFFFFE70];
	[tilespmem:s20+$0x30] =	vst v10;
	v8 =	vpack.i.b32.b16 v11, v8;
	v10 =	vunpack.i.u.s16.s32 v4;
	v4 =	vunpack.i.l.s16.s32 v4  }
0x51: {  	s21 =	sadd.s32 $0x2, s21;
	v7 =	vpack.i.b32.b16 v9, v7;
	v11 =	vld [tilespmem:s22+$0x70];
	[tilespmem:s20+$0xFFFFFFC0] =	vst v8;
	v8 =	vunpack.i.u.s16.s32 v6;
	v6 =	vunpack.i.l.s16.s32 v6  }
0x52: {  	p0 =	slt.u32 s21, $0x6;
	v9 =	vld [tilespmem:s22+$0x0];
	[tilespmem:s20+$0x40] =	vst v7;
	v4 =	vpack.i.b32.b16 v6, v4;
	v6 =	vunpack.i.u.s16.s32 v2;
	v2 =	vunpack.i.l.s16.s32 v2  }
0x53: {  	v7 =	vld [tilespmem:s22+$0xFFFFFE10];
	[tilespmem:s20+$0xFFFFFFD0] =	vst v4;
	v4 =	vpack.i.b32.b16 v8, v10;
	v8 =	vunpack.i.u.s16.s32 v3;
	v3 =	vunpack.i.l.s16.s32 v3  }
0x54: {  	v10 =	vld [tilespmem:s22+$0x10];
	v13 =	vunpack.i.u.s16.s32 v5;
	v5 =	vunpack.i.l.s16.s32 v5;
	[tilespmem:s20+$0x50] =	vst v4;
	v2 =	vpack.i.b32.b16 v3, v2  }
0x55: {  	v3 =	vld [tilespmem:s22+$0xFFFFFE20];
	v4 =	vunpack.i.l.s16.s32 v12;
	v1 =	vpack.i.b32.b16 v1, v5;
	v5 =	vpack.i.b32.b16 v0, v13;
	[tilespmem:s20+$0xFFFFFFE0] =	vst v2  }
0x56: {  	v12 =	vunpack.i.u.s16.s32 v12;
	v2 =	vld [tilespmem:s22+$0x20];
	v13 =	vunpack.i.u.s16.s32 v11;
	v11 =	vunpack.i.l.s16.s32 v11;
	[tilespmem:s20+$0xFFFFFF80] =	vst v1  }
0x57: {  	s20 =	sadd.s32 $0x100, s20;
	v0 =	vunpack.i.u.s16.s32 v9;
	v1 =	vunpack.i.l.s16.s32 v9;
	v9 =	vld [tilespmem:s22+$0xFFFFFE30];
	v12 =	vpack.i.b32.b16 v13, v12;
	[tilespmem:s19+$0x0] =	vst v5  }
0x58: {  	v6 =	vpack.i.b32.b16 v8, v6;
	v5 =	vunpack.i.u.s16.s32 v7;
	v7 =	vunpack.i.l.s16.s32 v7;
	v13 =	vld [tilespmem:s22+$0x30];
	[tilespmem:s20+$0x70] =	vst v12  }
0x59: {  	v4 =	vpack.i.b32.b16 v11, v4;
	v8 =	vunpack.i.u.s16.s32 v10;
	v10 =	vunpack.i.l.s16.s32 v10;
	v12 =	vld [tilespmem:s22+$0xFFFFFE40];
	[tilespmem:s19+$0x60] =	vst v6;
	s19 =	smov.u32 s20  }
0x5a: {  	v6 =	vpack.i.b32.b16 v10, v7;
	v7 =	vunpack.i.u.s16.s32 v3;
	v3 =	vunpack.i.l.s16.s32 v3;
	v11 =	vld [tilespmem:s22+$0x40];
	[tilespmem:s20+$0xFFFFFFF0] =	vst v4  }
.Ltmp4:
0x5b: {  	v5 =	vpack.i.b32.b16 v8, v5;
	[tilespmem:s20+$0xFFFFFF90] =	vst v6;
	v8 =	vunpack.i.u.s16.s32 v2;
	v2 =	vunpack.i.l.s16.s32 v2;
	v4 =	vld [tilespmem:s22+$0xFFFFFE50];
	(pc) =	sbr.rel @p0 .LBB1_5-.Ltmp4, $4  }
0x5c: {  	[tilespmem:s20+$0x10] =	vst v5;
	v2 =	vpack.i.b32.b16 v2, v3;
	v10 =	vunpack.i.u.s16.s32 v9;
	v3 =	vunpack.i.l.s16.s32 v9;
	v6 =	vld [tilespmem:s22+$0x50]  }
0x5d: {  	v5 =	vpack.i.b32.b16 v8, v7;
	[tilespmem:s20+$0xFFFFFFA0] =	vst v2;
	v9 =	vunpack.i.u.s16.s32 v13;
	v7 =	vunpack.i.l.s16.s32 v13;
	v2 =	vld [tilespmem:s22+$0xFFFFFE60]  }
0x5e: {  	[tilespmem:s20+$0x20] =	vst v5;
	v13 =	vpack.i.b32.b16 v7, v3;
	v7 =	vunpack.i.u.s16.s32 v12;
	v8 =	vunpack.i.l.s16.s32 v12;
	v3 =	vld [tilespmem:s22+$0x60]  }
0x5f: {  	v10 =	vpack.i.b32.b16 v9, v10;
	v5 =	vld [tilespmem:s22+$0xFFFFFE00];
	[tilespmem:s20+$0xFFFFFFB0] =	vst v13;
	v9 =	vunpack.i.u.s16.s32 v11;
	v11 =	vunpack.i.l.s16.s32 v11;
	s22 =	sadd.s32 $0x80, s22  }
0x60: {  	[tilespmem:s20+$0x30] =	vst v10;
	v8 =	vpack.i.b32.b16 v11, v8  }
0x61: {  	v51 =	vunpack.i.l.s16.s32 v4;
	v7 =	vpack.i.b32.b16 v9, v7;
	[tilespmem:s20+$0xFFFFFFC0] =	vst v8;
	v52 =	vunpack.i.l.s16.s32 v6  }
0x62: {  	v53 =	vunpack.i.u.s16.s32 v4;
	s18 =	sadd.s32 $0x1, s18;
	v54 =	vunpack.i.u.s16.s32 v6;
	[tilespmem:s20+$0x40] =	vst v7;
	v55 =	vpack.i.b32.b16 v52, v51  }
0x63: {  	p0 =	sne.s32 s18, s15;
	v56 =	vunpack.i.l.s16.s32 v2;
	v4 =	vpack.i.b32.b16 v54, v53;
	[tilespmem:s20+$0xFFFFFFD0] =	vst v55;
	v57 =	vunpack.i.l.s16.s32 v3  }
.Ltmp5:
0x64: {  	[tilespmem:s20+$0x50] =	vst v4;
	v58 =	vunpack.i.l.s16.s32 v5;
	v59 =	vpack.i.b32.b16 v57, v56;
	(pc) =	sbr.rel @p0 .LBB1_4-.Ltmp5, $4  }
.Ltmp6:
0x65: {  	v61 =	vunpack.i.u.s16.s32 v2;
	v62 =	vunpack.i.u.s16.s32 v3;
	v1 =	vpack.i.b32.b16 v1, v58;
	[tilespmem:s20+$0xFFFFFFE0] =	vst v59;
	(pc) =	sbr.rel @!p0 .LBB1_7-.Ltmp6, $4  }
0x66: {  	v60 =	vunpack.i.u.s16.s32 v5;
	v63 =	vpack.i.b32.b16 v62, v61;
	[tilespmem:s20+$0xFFFFFF80] =	vst v1  }
0x67: {  	v0 =	vpack.i.b32.b16 v0, v60;
	[tilespmem:s19+$0x60] =	vst v63  }
0x68: {  	s16 =	sadd.s32 $0x400, s16;
	s17 =	sadd.s32 $0x400, s17;
	[tilespmem:s19+$0x0] =	vst v0  }
0x69: {  	_ = 	snop  }
.LBB1_9:
0x6a: {  	_ =	sfence.sel $0x180000  }
0x6b: {  	s2 =	simm.s32 $0x1;
	[bflag:$0x0] =	sbarrier.arrive $0xFFFF  }
0x6c: {  	s31 =	simm.s32 $0x2;
	[sflag:s2] =	ssyncpa.u1 $0x1  }
0x6d: {  	[sflag:s31] =	ssyncpa.u1 $0x1  }
0x6e: {  	p0 =	sne.s32 s1, $0x0;
	_ =	strace $0x90000047  }
0x6f: {  	s0 =	sadd.s32 @!p0 $0x100000, s0;
	[bflag:$0x2] =	sbarrier.arrive $0xFFFF  }
0x70: {  	[sflag:s0] =	ssyncadd.tile.s32 @!p0 $0x1;
	_ =	shalt  }
.Lfunc_end1:
_tile_overlayer_lowered:
.L_overlay_start_2:
0x71: {  	(tag) =	ssettag $0x2  }
0x72: {  	s0 =	rddreg [dreg:$0x0];
	s2 =	stileid.u32  }
0x73: {  	s1 =	rddreg [dreg:$0x1];
	p0 =	sne.s32 s2, $0x0  }
0x74: {  	s3 =	rddreg [dreg:$0x2];
	[bflag:$0x3] =	sbarrier.arrive $0xFFFF;
	s2 =	simm.s32 @!p0 $0x1C01  }
0x75: {  	[timem:s3], [sflag:s2] =	dma.local @!p0 [hbm:s0], s1  }
0x76: {  	s0 =	simm.s32 @!p0 $0x1  }
0x77: {  	_ =	swait.ge @!p0 [sflag:s0], s1  }
0x78: {  	s1 =	ssub.s32 @!p0 $0x0, s1;
	[sflag:s0] =	ssyncset.done @!p0 $0x0  }
0x79: {  	[sflag:s0] =	ssyncadd.s32 @!p0 s1  }
0x7a: {  	[bflag:$0x3] =	sbarrier.arrive $0xFFFF  }
0x7b: {  	_ =	shalt  }

</sc_bundles>
